<compile_context>
chip_gen: v7x
topology: tpu7x:2x2x1
jax: 0.10.2.dev20260603
libtpu: 0.0.44.dev20260713+nightly
codegen_flags: <defaults>
</compile_context>

<pallas_src>
import functools

import jax
import jax.numpy as jnp
from jax import lax
from jax.experimental import pallas as pl
from jax.experimental.pallas import tpu as pltpu
from jax.experimental.pallas import tpu_sc as plsc

N = 10000
T = 20
DTS = 32
H = 64
F = 128
GH = 64
GO = 32
E = 320000

NW = 32
NSUB = 16
NP = 10240
RPT = NP // NSUB
CH = 80
K = 125
NBUF = 4

ROWS = 1000
GRID = 10
RMF = 2000
GMF = 5

_f32 = jnp.float32
_bf16 = jnp.bfloat16


def _sc_mesh():
    return plsc.VectorSubcoreMesh(core_axis_name="c", subcore_axis_name="s")



def _sc_degree(edges4, zrow, ones_c):

    @functools.partial(
        pl.kernel,
        out_type=jax.ShapeDtypeStruct((NP,), _f32),
        mesh=_sc_mesh(),
        scratch_types=[
            pltpu.VMEM((2 * K, CH), jnp.int32),
            pltpu.VMEM((CH,), _f32),
            pltpu.VMEM_SHARED((NP,), _f32),
        ],
        compiler_params=pltpu.CompilerParams(use_tc_tiling_on_sc=False),
    )
    def k(edges_hbm, z_hbm, ones_hbm, out_hbm, idx_v, ones_v, acc_sh):
        c = lax.axis_index("c")
        s = lax.axis_index("s")

        @pl.when(c == 0)
        def _():
            pltpu.sync_copy(edges_hbm.at[1, 2 * s], idx_v.at[pl.ds(0, K)])
            pltpu.sync_copy(edges_hbm.at[1, 2 * s + 1], idx_v.at[pl.ds(K, K)])
            pltpu.sync_copy(ones_hbm, ones_v)
            pltpu.sync_copy(z_hbm, acc_sh.at[pl.ds(s * RPT, RPT)])
            plsc.subcore_barrier()

            def body(j, carry):
                pltpu.sync_copy(ones_v, acc_sh.at[idx_v.at[j]], add=True)
                return carry

            lax.fori_loop(0, 2 * K, body, 0)
            plsc.subcore_barrier()
            pltpu.sync_copy(acc_sh.at[pl.ds(s * RPT, RPT)],
                            out_hbm.at[pl.ds(s * RPT, RPT)])

    return k(edges4, zrow, ones_c)


def _sc_scatter(g, edges4, zrows, d):

    @functools.partial(
        pl.kernel,
        out_type=jax.ShapeDtypeStruct((NP, 2 * d), _f32),
        mesh=_sc_mesh(),
        scratch_types=[
            pltpu.VMEM((K, CH), jnp.int32),
            pltpu.VMEM((K, CH), jnp.int32),
            [pltpu.VMEM((CH, d), _f32) for _ in range(NBUF)],
            [pltpu.SemaphoreType.DMA for _ in range(NBUF)],
            pltpu.VMEM_SHARED((NP, d), _f32),
        ],
        compiler_params=pltpu.CompilerParams(use_tc_tiling_on_sc=False),
    )
    def k(g_hbm, edges_hbm, z_hbm, out_hbm, is_v, id_v, rows, sems,
          acc_sh):
        c = lax.axis_index("c")
        s = lax.axis_index("s")
        w = c * NSUB + s
        pltpu.sync_copy(edges_hbm.at[0, w], is_v)
        pltpu.sync_copy(edges_hbm.at[1, w], id_v)
        pltpu.sync_copy(z_hbm, acc_sh.at[pl.ds(s * RPT, RPT)])
        plsc.subcore_barrier()
        for b in range(NBUF):
            pltpu.async_copy(g_hbm.at[is_v.at[b]], rows[b], sems[b])

        def body(i, carry):
            for b in range(NBUF):
                j = NBUF * i + b
                pltpu.make_async_copy(g_hbm.at[is_v.at[j]], rows[b],
                                      sems[b]).wait()
                pltpu.sync_copy(rows[b], acc_sh.at[id_v.at[j]], add=True)

                @pl.when(j + NBUF < K)
                def _():
                    pltpu.async_copy(g_hbm.at[is_v.at[j + NBUF]], rows[b],
                                     sems[b])
            return carry

        lax.fori_loop(0, K // NBUF, body, 0)
        jlast = (K // NBUF) * NBUF
        pltpu.make_async_copy(g_hbm.at[is_v.at[jlast]], rows[0], sems[0]).wait()
        pltpu.sync_copy(rows[0], acc_sh.at[id_v.at[jlast]], add=True)
        plsc.subcore_barrier()
        pltpu.sync_copy(acc_sh.at[pl.ds(s * RPT, RPT)],
                        out_hbm.at[pl.ds(s * RPT, RPT), pl.ds(c * d, d)])

    return k(g, edges4, zrows)



def _row_spec(cols):
    return pl.BlockSpec((ROWS, cols), lambda i: (i, 0))


def _full_spec(r, cols):
    return pl.BlockSpec((r, cols), lambda i: (0, 0))


def _enc_body(ts_ref, st_ref, deg_ref, wcat_ref,
              sw_ref, sb_ref, fwt_ref, fwb_ref, fb_ref, w1_ref,
              g1_ref):
    h = jnp.zeros((ROWS, H), _bf16)
    cst = jnp.zeros((ROWS, H), _f32)
    wcat = wcat_ref[...].astype(_bf16)
    x = ts_ref[...].astype(_bf16)
    ones8 = jnp.ones((ROWS, 8), _bf16)
    for t in range(T):
        xh = jnp.concatenate([x[:, t * DTS:(t + 1) * DTS], h, ones8], -1)
        g = jnp.dot(xh, wcat, preferred_element_type=_f32)
        th = jnp.tanh(g)
        gi = 0.5 * th[:, 0:H] + 0.5
        gf = 0.5 * th[:, H:2 * H] + 0.5
        gg = th[:, 2 * H:3 * H]
        go = 0.5 * th[:, 3 * H:] + 0.5
        cst = gf * cst + gi * gg
        h = (go * jnp.tanh(cst)).astype(_bf16)
    st = jnp.maximum(
        jnp.dot(st_ref[...], sw_ref[...], preferred_element_type=_f32)
        + sb_ref[...], 0.0)
    fused = jnp.maximum(
        jnp.dot(h, fwt_ref[...], preferred_element_type=_f32)
        + jnp.dot(st, fwb_ref[...], preferred_element_type=_f32)
        + fb_ref[...], 0.0)
    hh = jnp.dot(fused, w1_ref[...], preferred_element_type=_f32)
    dinv = lax.rsqrt(deg_ref[...] + 1.0)
    g1_ref[...] = dinv * hh


def _tc_encoder(ts2, static_data, deg, wcat, sw, sb, fwt, fwb, fb, w1):
    return pl.pallas_call(
        _enc_body,
        grid=(GRID,),
        in_specs=[
            _row_spec(T * DTS),
            _row_spec(64),
            _row_spec(1),
            _full_spec(DTS + H + 8, 4 * H),
            _full_spec(64, 32),
            _full_spec(1, 32),
            _full_spec(H, F),
            _full_spec(32, F),
            _full_spec(1, F),
            _full_spec(F, GH),
        ],
        out_specs=_row_spec(GH),
        out_shape=jax.ShapeDtypeStruct((N, GH), _f32),
    )(ts2, static_data, deg, wcat, sw, sb, fwt, fwb, fb, w1)


def _rowmf_spec(cols):
    return pl.BlockSpec((RMF, cols), lambda i: (i, 0))


def _fullmf_spec(r, cols):
    return pl.BlockSpec((r, cols), lambda i: (0, 0))


def _pair_spec(cols):
    return pl.BlockSpec((RMF, 2 * cols), lambda i: (i, 0))


def _mid_body(s_ref, g1_ref, deg_ref, b1_ref, w2_ref, out_ref):
    dinv = lax.rsqrt(deg_ref[...] + 1.0)
    sv = s_ref[...]
    ssum = sv[:, :GH] + sv[:, GH:]
    h1 = jnp.maximum(dinv * (ssum + g1_ref[...]) + b1_ref[...], 0.0)
    out_ref[...] = dinv * jnp.dot(h1, w2_ref[...], preferred_element_type=_f32)


def _tc_mid(s1, g1, deg, b1, w2):
    return pl.pallas_call(
        _mid_body,
        grid=(GMF,),
        in_specs=[
            _pair_spec(GH), _rowmf_spec(GH), _rowmf_spec(1),
            _fullmf_spec(1, GH), _fullmf_spec(GH, GO),
        ],
        out_specs=_rowmf_spec(GO),
        out_shape=jax.ShapeDtypeStruct((N, GO), _f32),
    )(s1, g1, deg, b1, w2)


def _fin_body(s_ref, g2_ref, deg_ref, b2_ref, out_ref):
    dinv = lax.rsqrt(deg_ref[...] + 1.0)
    sv = s_ref[...]
    ssum = sv[:, :GO] + sv[:, GO:]
    out_ref[...] = dinv * (ssum + g2_ref[...]) + b2_ref[...]


def _tc_final(s2, g2, deg, b2):
    return pl.pallas_call(
        _fin_body,
        grid=(GMF,),
        in_specs=[
            _pair_spec(GO), _rowmf_spec(GO), _rowmf_spec(1),
            _fullmf_spec(1, GO),
        ],
        out_specs=_rowmf_spec(GO),
        out_shape=jax.ShapeDtypeStruct((N, GO), _f32),
    )(s2, g2, deg, b2)



def kernel(ts_data, static_data, edge_index, lstm_Wih, lstm_Whh, lstm_bih,
           lstm_bhh, static_W, static_b, fus_W, fus_b, gcn1_W, gcn1_b,
           gcn2_W, gcn2_b):
    edges4 = edge_index.reshape(2, NW, K, CH)

    zrow = jnp.zeros((RPT,), _f32)
    ones_c = jnp.ones((CH,), _f32)
    z64 = jnp.zeros((RPT, GH), _f32)
    z32 = jnp.zeros((RPT, GO), _f32)

    deg = _sc_degree(edges4, zrow, ones_c).reshape(NP, 1)

    gsc = jnp.repeat(jnp.array([0.5, 0.5, 1.0, 0.5], _f32), H)[None]
    wcat = jnp.concatenate(
        [lstm_Wih.T, lstm_Whh.T, (lstm_bih + lstm_bhh)[None],
         jnp.zeros((7, 4 * H), _f32)], axis=0) * gsc

    ts2 = ts_data.reshape(N, T * DTS)
    g1 = _tc_encoder(ts2, static_data, deg, wcat,
                     static_W, static_b[None], fus_W[:H], fus_W[H:],
                     fus_b[None], gcn1_W)

    s1 = _sc_scatter(g1, edges4, z64, GH)
    g2 = _tc_mid(s1, g1, deg, gcn1_b[None], gcn2_W)
    s2 = _sc_scatter(g2, edges4, z32, GO)
    return _tc_final(s2, g2, deg, gcn2_b[None])

# --- scband reference (transcript-rebuilt; emitter-appended) ---
"""Pipeline reference for scband-anomaly-detector-86535001080496 (READ-ONLY COPY).

The authoritative reference and input builder live on the scoring server;
editing this copy changes nothing except your own understanding.
"""

import jax, jax.numpy as jnp
import numpy as np

N = 10000
T = 20
DTS = 32
DST = 64
H = 64
SH = 32
F = 128
GH = 64
GO = 32
E = 320000


def _uinit(k, shape, fan_in):
    s = 1.0 / np.sqrt(fan_in)
    return jax.random.uniform(k, shape, jnp.float32, -s, s)


def setup_inputs(seed: int = 0) -> dict:
    key = jax.random.key(seed)
    ks = jax.random.split(key, 20)
    return {
        "ts_data": jax.random.normal(ks[0], (N, T, DTS), jnp.float32),
        "static_data": jax.random.normal(ks[1], (N, DST), jnp.float32),
        "edge_index": jax.random.randint(ks[2], (2, E), 0, N, jnp.int32),
        "lstm_Wih": _uinit(ks[3], (4 * H, DTS), H),
        "lstm_Whh": _uinit(ks[4], (4 * H, H), H),
        "lstm_bih": _uinit(ks[5], (4 * H,), H),
        "lstm_bhh": _uinit(ks[6], (4 * H,), H),
        "static_W": _uinit(ks[7], (DST, SH), DST),
        "static_b": _uinit(ks[8], (SH,), DST),
        "fus_W": _uinit(ks[9], (H + SH, F), H + SH),
        "fus_b": _uinit(ks[10], (F,), H + SH),
        "gcn1_W": _uinit(ks[11], (F, GH), F),
        "gcn1_b": _uinit(ks[12], (GH,), F),
        "gcn2_W": _uinit(ks[13], (GH, GO), GH),
        "gcn2_b": _uinit(ks[14], (GO,), GH),
    }


def _lstm_last(x, Wih, Whh, bih, bhh):
    n = x.shape[0]
    h0 = jnp.zeros((n, H), x.dtype)
    c0 = jnp.zeros((n, H), x.dtype)

    def step(carry, xt):
        h, c = carry
        g = xt @ Wih.T + h @ Whh.T + bih + bhh
        i, f, gg, o = jnp.split(g, 4, axis=-1)
        i = jax.nn.sigmoid(i)
        f = jax.nn.sigmoid(f)
        gg = jnp.tanh(gg)
        o = jax.nn.sigmoid(o)
        c = f * c + i * gg
        h = o * jnp.tanh(c)
        return (h, c), None

    (h, c), _ = jax.lax.scan(step, (h0, c0), jnp.swapaxes(x, 0, 1))
    return h


def _gcn_layer(x, src, dst, W, b, n):
    # GCN with self-loops and symmetric normalization: D^-1/2 (A+I) D^-1/2 X W + b
    h = x @ W
    loop = jnp.arange(n, dtype=src.dtype)
    src2 = jnp.concatenate([src, loop])
    dst2 = jnp.concatenate([dst, loop])
    deg = jax.ops.segment_sum(jnp.ones_like(dst2, dtype=x.dtype), dst2, num_segments=n)
    dinv = jnp.where(deg > 0, jax.lax.rsqrt(jnp.maximum(deg, 1e-12)), 0.0)
    norm = dinv[src2] * dinv[dst2]
    msg = h[src2] * norm[:, None]
    out = jax.ops.segment_sum(msg, dst2, num_segments=n) + b
    return out


def reference(ts_data, static_data, edge_index, lstm_Wih, lstm_Whh, lstm_bih, lstm_bhh, static_W, static_b, fus_W, fus_b, gcn1_W, gcn1_b, gcn2_W, gcn2_b):
    # TimeSeriesEncoder (LSTM, last hidden state)
    ts_feat = _lstm_last(ts_data, lstm_Wih, lstm_Whh, lstm_bih, lstm_bhh)
    # StaticFeatureEncoder (Linear + ReLU)
    st_feat = jax.nn.relu(static_data @ static_W + static_b)
    # LateFusionModule (concat -> Linear -> ReLU)
    fused = jax.nn.relu(jnp.concatenate([ts_feat, st_feat], axis=-1) @ fus_W + fus_b)
    # EntityGNN: 2-layer GCN, batch=None -> node-level output
    src = edge_index[0]
    dst = edge_index[1]
    h1 = jax.nn.relu(_gcn_layer(fused, src, dst, gcn1_W, gcn1_b, N))
    out = _gcn_layer(h1, src, dst, gcn2_W, gcn2_b, N)
    return out

if __name__ == "__main__":
    import jax
    _d = setup_inputs()
    print(jax.jit(kernel)(*tuple(_d.values())))

</pallas_src>

<mosaic_0001>
#map = affine_map<(d0, d1) -> (0, 0)>
#map1 = affine_map<(d0, d1) -> (0, 0, 0, 0)>
module attributes {stable_mosaic.version = 14 : i64} {
  func.func @k(%arg0: i32, %arg1: i32, %arg2: memref<10000x64xf32, #tpu.memory_space<hbm>>, %arg3: memref<2x32x125x80xi32, #tpu.memory_space<hbm>>, %arg4: memref<640x64xf32, #tpu.memory_space<hbm>>, %arg5: memref<10240x128xf32, #tpu.memory_space<hbm>>, %arg6: memref<125x80xi32, #tpu.memory_space<vmem>>, %arg7: memref<125x80xi32, #tpu.memory_space<vmem>>, %arg8: memref<80x64xf32, #tpu.memory_space<vmem>>, %arg9: memref<80x64xf32, #tpu.memory_space<vmem>>, %arg10: memref<80x64xf32, #tpu.memory_space<vmem>>, %arg11: memref<80x64xf32, #tpu.memory_space<vmem>>, %arg12: memref<!tpu.dma_semaphore, #tpu.memory_space<semaphore_mem>>, %arg13: memref<!tpu.dma_semaphore, #tpu.memory_space<semaphore_mem>>, %arg14: memref<!tpu.dma_semaphore, #tpu.memory_space<semaphore_mem>>, %arg15: memref<!tpu.dma_semaphore, #tpu.memory_space<semaphore_mem>>, %arg16: memref<10240x64xf32, #tpu.memory_space<vmem_shared>>) attributes {dimension_semantics = [#tpu.dimension_semantics<core_parallel>, #tpu.dimension_semantics<subcore_parallel>], iteration_bounds = array<i64: 2, 16>, scalar_prefetch = 0 : i64, scratch_operands = 11 : i64, tpu.core_type = #tpu.core_type<sc_vector_subcore>, window_params = [{transform_indices = #map}, {transform_indices = #map1}, {transform_indices = #map}, {transform_indices = #map}]} {
    %mul3A = arith.constant 16 : i32
    %mul3A_0 = arith.muli %arg0, %mul3A : i32
    %add3A = arith.addi %mul3A_0, %arg1 : i32
    %run_scoped3A = arith.constant 0 : i32
    "tpu.region"() ({
      %run_scoped3A_50 = tpu.sem_alloc : memref<!tpu.dma_semaphore, #tpu.memory_space<semaphore_mem>>
      %dma_start3A_51 = arith.constant 0 : i32
      %dma_start3A_52 = arith.constant 0 : i32
      %dma_start3A_53 = tpu.memref_slice %arg3[%run_scoped3A, %add3A, %dma_start3A_51, %dma_start3A_52] : memref<2x32x125x80xi32, #tpu.memory_space<hbm>> -> memref<1x1x125x80xi32, #tpu.memory_space<hbm>>
      %dma_start3A_54 = tpu.memref_squeeze %dma_start3A_53 : memref<1x1x125x80xi32, #tpu.memory_space<hbm>> -> memref<125x80xi32, #tpu.memory_space<hbm>>
      %dma_start3A_55 = arith.constant 0 : i32
      %dma_start3A_56 = arith.constant 0 : i32
      %dma_start3A_57 = tpu.memref_slice %arg3[%run_scoped3A, %add3A, %dma_start3A_55, %dma_start3A_56] : memref<2x32x125x80xi32, #tpu.memory_space<hbm>> -> memref<1x1x125x80xi32, #tpu.memory_space<hbm>>
      %dma_start3A_58 = tpu.memref_squeeze %dma_start3A_57 : memref<1x1x125x80xi32, #tpu.memory_space<hbm>> -> memref<125x80xi32, #tpu.memory_space<hbm>>
      tpu.enqueue_dma source(%dma_start3A_58 : memref<125x80xi32, #tpu.memory_space<hbm>>) target(%arg6 : memref<125x80xi32, #tpu.memory_space<vmem>>) target_semaphore(%run_scoped3A_50 : memref<!tpu.dma_semaphore, #tpu.memory_space<semaphore_mem>>)
      %dma_wait3A_59 = arith.constant 0 : i32
      %dma_wait3A_60 = arith.constant 0 : i32
      %dma_wait3A_61 = tpu.memref_slice %arg3[%run_scoped3A, %add3A, %dma_wait3A_59, %dma_wait3A_60] : memref<2x32x125x80xi32, #tpu.memory_space<hbm>> -> memref<1x1x125x80xi32, #tpu.memory_space<hbm>>
      %dma_wait3A_62 = tpu.memref_squeeze %dma_wait3A_61 : memref<1x1x125x80xi32, #tpu.memory_space<hbm>> -> memref<125x80xi32, #tpu.memory_space<hbm>>
      %dma_wait3A_63 = arith.constant 0 : i32
      %dma_wait3A_64 = arith.constant 0 : i32
      %dma_wait3A_65 = tpu.memref_slice %arg3[%run_scoped3A, %add3A, %dma_wait3A_63, %dma_wait3A_64] : memref<2x32x125x80xi32, #tpu.memory_space<hbm>> -> memref<1x1x125x80xi32, #tpu.memory_space<hbm>>
      %dma_wait3A_66 = tpu.memref_squeeze %dma_wait3A_65 : memref<1x1x125x80xi32, #tpu.memory_space<hbm>> -> memref<125x80xi32, #tpu.memory_space<hbm>>
      tpu.wait_dma2 semaphore(%run_scoped3A_50 : memref<!tpu.dma_semaphore, #tpu.memory_space<semaphore_mem>>) src(%dma_wait3A_66 : memref<125x80xi32, #tpu.memory_space<hbm>>) dst(%arg6 : memref<125x80xi32, #tpu.memory_space<vmem>>)
      tpu.yield
    }) : () -> ()
    %run_scoped3A_1 = arith.constant 1 : i32
    "tpu.region"() ({
      %run_scoped3A_50 = tpu.sem_alloc : memref<!tpu.dma_semaphore, #tpu.memory_space<semaphore_mem>>
      %dma_start3A_51 = arith.constant 0 : i32
      %dma_start3A_52 = arith.constant 0 : i32
      %dma_start3A_53 = tpu.memref_slice %arg3[%run_scoped3A_1, %add3A, %dma_start3A_51, %dma_start3A_52] : memref<2x32x125x80xi32, #tpu.memory_space<hbm>> -> memref<1x1x125x80xi32, #tpu.memory_space<hbm>>
      %dma_start3A_54 = tpu.memref_squeeze %dma_start3A_53 : memref<1x1x125x80xi32, #tpu.memory_space<hbm>> -> memref<125x80xi32, #tpu.memory_space<hbm>>
      %dma_start3A_55 = arith.constant 0 : i32
      %dma_start3A_56 = arith.constant 0 : i32
      %dma_start3A_57 = tpu.memref_slice %arg3[%run_scoped3A_1, %add3A, %dma_start3A_55, %dma_start3A_56] : memref<2x32x125x80xi32, #tpu.memory_space<hbm>> -> memref<1x1x125x80xi32, #tpu.memory_space<hbm>>
      %dma_start3A_58 = tpu.memref_squeeze %dma_start3A_57 : memref<1x1x125x80xi32, #tpu.memory_space<hbm>> -> memref<125x80xi32, #tpu.memory_space<hbm>>
      tpu.enqueue_dma source(%dma_start3A_58 : memref<125x80xi32, #tpu.memory_space<hbm>>) target(%arg7 : memref<125x80xi32, #tpu.memory_space<vmem>>) target_semaphore(%run_scoped3A_50 : memref<!tpu.dma_semaphore, #tpu.memory_space<semaphore_mem>>)
      %dma_wait3A_59 = arith.constant 0 : i32
      %dma_wait3A_60 = arith.constant 0 : i32
      %dma_wait3A_61 = tpu.memref_slice %arg3[%run_scoped3A_1, %add3A, %dma_wait3A_59, %dma_wait3A_60] : memref<2x32x125x80xi32, #tpu.memory_space<hbm>> -> memref<1x1x125x80xi32, #tpu.memory_space<hbm>>
      %dma_wait3A_62 = tpu.memref_squeeze %dma_wait3A_61 : memref<1x1x125x80xi32, #tpu.memory_space<hbm>> -> memref<125x80xi32, #tpu.memory_space<hbm>>
      %dma_wait3A_63 = arith.constant 0 : i32
      %dma_wait3A_64 = arith.constant 0 : i32
      %dma_wait3A_65 = tpu.memref_slice %arg3[%run_scoped3A_1, %add3A, %dma_wait3A_63, %dma_wait3A_64] : memref<2x32x125x80xi32, #tpu.memory_space<hbm>> -> memref<1x1x125x80xi32, #tpu.memory_space<hbm>>
      %dma_wait3A_66 = tpu.memref_squeeze %dma_wait3A_65 : memref<1x1x125x80xi32, #tpu.memory_space<hbm>> -> memref<125x80xi32, #tpu.memory_space<hbm>>
      tpu.wait_dma2 semaphore(%run_scoped3A_50 : memref<!tpu.dma_semaphore, #tpu.memory_space<semaphore_mem>>) src(%dma_wait3A_66 : memref<125x80xi32, #tpu.memory_space<hbm>>) dst(%arg7 : memref<125x80xi32, #tpu.memory_space<vmem>>)
      tpu.yield
    }) : () -> ()
    %mul3A_2 = arith.constant 640 : i32
    %mul3A_3 = arith.muli %arg1, %mul3A_2 : i32
    "tpu.region"() ({
      %run_scoped3A_50 = tpu.sem_alloc : memref<!tpu.dma_semaphore, #tpu.memory_space<semaphore_mem>>
      %dma_start3A_51 = arith.constant 0 : i32
      %dma_start3A_52 = tpu.memref_slice %arg16[%mul3A_3, %dma_start3A_51] : memref<10240x64xf32, #tpu.memory_space<vmem_shared>> -> memref<640x64xf32, #tpu.memory_space<vmem_shared>>
      tpu.enqueue_dma source(%arg4 : memref<640x64xf32, #tpu.memory_space<hbm>>) target(%dma_start3A_52 : memref<640x64xf32, #tpu.memory_space<vmem_shared>>) target_semaphore(%run_scoped3A_50 : memref<!tpu.dma_semaphore, #tpu.memory_space<semaphore_mem>>)
      %dma_wait3A_53 = arith.constant 0 : i32
      %dma_wait3A_54 = tpu.memref_slice %arg16[%mul3A_3, %dma_wait3A_53] : memref<10240x64xf32, #tpu.memory_space<vmem_shared>> -> memref<640x64xf32, #tpu.memory_space<vmem_shared>>
      tpu.wait_dma2 semaphore(%run_scoped3A_50 : memref<!tpu.dma_semaphore, #tpu.memory_space<semaphore_mem>>) src(%arg4 : memref<640x64xf32, #tpu.memory_space<hbm>>) dst(%dma_wait3A_54 : memref<640x64xf32, #tpu.memory_space<vmem_shared>>)
      tpu.yield
    }) : () -> ()
    %barrier3A = arith.constant 0 : index
    tpu.barrier barrier_id(%barrier3A)
    %dma_start3A = arith.constant 0 : i32
    %dma_start3A_4 = arith.constant 0 : i32
    %dma_start3A_5 = tpu.memref_slice %arg6[%dma_start3A, %dma_start3A_4] : memref<125x80xi32, #tpu.memory_space<vmem>> -> memref<1x80xi32, #tpu.memory_space<vmem>>
    %dma_start3A_6 = tpu.memref_squeeze %dma_start3A_5 : memref<1x80xi32, #tpu.memory_space<vmem>> -> memref<80xi32, #tpu.memory_space<vmem>>
    %dma_start3A_7 = arith.constant 0 : i32
    %dma_start3A_8 = arith.constant 0 : i32
    %dma_start3A_9 = tpu.memref_slice %arg2[%dma_start3A_7, %dma_start3A_8] : memref<10000x64xf32, #tpu.memory_space<hbm>> -> memref<10000x64xf32, #tpu.memory_space<hbm>>
    tpu.enqueue_indirect_dma source(%dma_start3A_9 : memref<10000x64xf32, #tpu.memory_space<hbm>>) target(%arg8 : memref<80x64xf32, #tpu.memory_space<vmem>>) offsets(%dma_start3A_6 : memref<80xi32, #tpu.memory_space<vmem>>) semaphore(%arg12 : memref<!tpu.dma_semaphore, #tpu.memory_space<semaphore_mem>>)
    %dma_start3A_10 = arith.constant 1 : i32
    %dma_start3A_11 = arith.constant 0 : i32
    %dma_start3A_12 = tpu.memref_slice %arg6[%dma_start3A_10, %dma_start3A_11] : memref<125x80xi32, #tpu.memory_space<vmem>> -> memref<1x80xi32, #tpu.memory_space<vmem>>
    %dma_start3A_13 = tpu.memref_squeeze %dma_start3A_12 : memref<1x80xi32, #tpu.memory_space<vmem>> -> memref<80xi32, #tpu.memory_space<vmem>>
    %dma_start3A_14 = arith.constant 0 : i32
    %dma_start3A_15 = arith.constant 0 : i32
    %dma_start3A_16 = tpu.memref_slice %arg2[%dma_start3A_14, %dma_start3A_15] : memref<10000x64xf32, #tpu.memory_space<hbm>> -> memref<10000x64xf32, #tpu.memory_space<hbm>>
    tpu.enqueue_indirect_dma source(%dma_start3A_16 : memref<10000x64xf32, #tpu.memory_space<hbm>>) target(%arg9 : memref<80x64xf32, #tpu.memory_space<vmem>>) offsets(%dma_start3A_13 : memref<80xi32, #tpu.memory_space<vmem>>) semaphore(%arg13 : memref<!tpu.dma_semaphore, #tpu.memory_space<semaphore_mem>>)
    %dma_start3A_17 = arith.constant 2 : i32
    %dma_start3A_18 = arith.constant 0 : i32
    %dma_start3A_19 = tpu.memref_slice %arg6[%dma_start3A_17, %dma_start3A_18] : memref<125x80xi32, #tpu.memory_space<vmem>> -> memref<1x80xi32, #tpu.memory_space<vmem>>
    %dma_start3A_20 = tpu.memref_squeeze %dma_start3A_19 : memref<1x80xi32, #tpu.memory_space<vmem>> -> memref<80xi32, #tpu.memory_space<vmem>>
    %dma_start3A_21 = arith.constant 0 : i32
    %dma_start3A_22 = arith.constant 0 : i32
    %dma_start3A_23 = tpu.memref_slice %arg2[%dma_start3A_21, %dma_start3A_22] : memref<10000x64xf32, #tpu.memory_space<hbm>> -> memref<10000x64xf32, #tpu.memory_space<hbm>>
    tpu.enqueue_indirect_dma source(%dma_start3A_23 : memref<10000x64xf32, #tpu.memory_space<hbm>>) target(%arg10 : memref<80x64xf32, #tpu.memory_space<vmem>>) offsets(%dma_start3A_20 : memref<80xi32, #tpu.memory_space<vmem>>) semaphore(%arg14 : memref<!tpu.dma_semaphore, #tpu.memory_space<semaphore_mem>>)
    %dma_start3A_24 = arith.constant 3 : i32
    %dma_start3A_25 = arith.constant 0 : i32
    %dma_start3A_26 = tpu.memref_slice %arg6[%dma_start3A_24, %dma_start3A_25] : memref<125x80xi32, #tpu.memory_space<vmem>> -> memref<1x80xi32, #tpu.memory_space<vmem>>
    %dma_start3A_27 = tpu.memref_squeeze %dma_start3A_26 : memref<1x80xi32, #tpu.memory_space<vmem>> -> memref<80xi32, #tpu.memory_space<vmem>>
    %dma_start3A_28 = arith.constant 0 : i32
    %dma_start3A_29 = arith.constant 0 : i32
    %dma_start3A_30 = tpu.memref_slice %arg2[%dma_start3A_28, %dma_start3A_29] : memref<10000x64xf32, #tpu.memory_space<hbm>> -> memref<10000x64xf32, #tpu.memory_space<hbm>>
    tpu.enqueue_indirect_dma source(%dma_start3A_30 : memref<10000x64xf32, #tpu.memory_space<hbm>>) target(%arg11 : memref<80x64xf32, #tpu.memory_space<vmem>>) offsets(%dma_start3A_27 : memref<80xi32, #tpu.memory_space<vmem>>) semaphore(%arg15 : memref<!tpu.dma_semaphore, #tpu.memory_space<semaphore_mem>>)
    %scan3A = arith.constant 0 : i32
    %scan3A_31 = arith.constant 0 : i32
    %scan3A_32 = arith.constant 31 : i32
    %scan3A_33 = arith.addi %scan3A_31, %scan3A_32 : i32
    %scan3A_34 = arith.constant 1 : i32
    scf.for %scan3A_50 = %scan3A_31 to %scan3A_33 step %scan3A_34  : i32 {
      %mul3A_51 = arith.constant 4 : i32
      %mul3A_52 = arith.muli %mul3A_51, %scan3A_50 : i32
      %add3A_53 = arith.constant 0 : i32
      %add3A_54 = arith.addi %mul3A_52, %add3A_53 : i32
      %dma_wait3A_55 = arith.constant 0 : i32
      %dma_wait3A_56 = tpu.memref_slice %arg6[%add3A_54, %dma_wait3A_55] : memref<125x80xi32, #tpu.memory_space<vmem>> -> memref<1x80xi32, #tpu.memory_space<vmem>>
      %dma_wait3A_57 = tpu.memref_squeeze %dma_wait3A_56 : memref<1x80xi32, #tpu.memory_space<vmem>> -> memref<80xi32, #tpu.memory_space<vmem>>
      %dma_wait3A_58 = arith.constant 0 : i32
      %dma_wait3A_59 = arith.constant 0 : i32
      %dma_wait3A_60 = tpu.memref_slice %arg2[%dma_wait3A_58, %dma_wait3A_59] : memref<10000x64xf32, #tpu.memory_space<hbm>> -> memref<10000x64xf32, #tpu.memory_space<hbm>>
      tpu.wait_indirect_dma semaphore(%arg12 : memref<!tpu.dma_semaphore, #tpu.memory_space<semaphore_mem>>) src(%dma_wait3A_60 : memref<10000x64xf32, #tpu.memory_space<hbm>>) dst(%arg8 : memref<80x64xf32, #tpu.memory_space<vmem>>)
      "tpu.region"() ({
        %run_scoped3A_116 = tpu.sem_alloc : memref<!tpu.dma_semaphore, #tpu.memory_space<semaphore_mem>>
        %dma_start3A_117 = arith.constant 0 : i32
        %dma_start3A_118 = tpu.memref_slice %arg7[%add3A_54, %dma_start3A_117] : memref<125x80xi32, #tpu.memory_space<vmem>> -> memref<1x80xi32, #tpu.memory_space<vmem>>
        %dma_start3A_119 = tpu.memref_squeeze %dma_start3A_118 : memref<1x80xi32, #tpu.memory_space<vmem>> -> memref<80xi32, #tpu.memory_space<vmem>>
        %dma_start3A_120 = arith.constant 0 : i32
        %dma_start3A_121 = arith.constant 0 : i32
        %dma_start3A_122 = tpu.memref_slice %arg16[%dma_start3A_120, %dma_start3A_121] : memref<10240x64xf32, #tpu.memory_space<vmem_shared>> -> memref<10240x64xf32, #tpu.memory_space<vmem_shared>>
        tpu.enqueue_indirect_dma source(%arg8 : memref<80x64xf32, #tpu.memory_space<vmem>>) target(%dma_start3A_122 : memref<10240x64xf32, #tpu.memory_space<vmem_shared>>) offsets(%dma_start3A_119 : memref<80xi32, #tpu.memory_space<vmem>>) semaphore(%run_scoped3A_116 : memref<!tpu.dma_semaphore, #tpu.memory_space<semaphore_mem>>) {add = true}
        %dma_wait3A_123 = arith.constant 0 : i32
        %dma_wait3A_124 = tpu.memref_slice %arg7[%add3A_54, %dma_wait3A_123] : memref<125x80xi32, #tpu.memory_space<vmem>> -> memref<1x80xi32, #tpu.memory_space<vmem>>
        %dma_wait3A_125 = tpu.memref_squeeze %dma_wait3A_124 : memref<1x80xi32, #tpu.memory_space<vmem>> -> memref<80xi32, #tpu.memory_space<vmem>>
        %dma_wait3A_126 = arith.constant 0 : i32
        %dma_wait3A_127 = arith.constant 0 : i32
        %dma_wait3A_128 = tpu.memref_slice %arg16[%dma_wait3A_126, %dma_wait3A_127] : memref<10240x64xf32, #tpu.memory_space<vmem_shared>> -> memref<10240x64xf32, #tpu.memory_space<vmem_shared>>
        tpu.wait_indirect_dma semaphore(%run_scoped3A_116 : memref<!tpu.dma_semaphore, #tpu.memory_space<semaphore_mem>>) src(%arg8 : memref<80x64xf32, #tpu.memory_space<vmem>>) dst(%dma_wait3A_128 : memref<10240x64xf32, #tpu.memory_space<vmem_shared>>)
        tpu.yield
      }) : () -> ()
      %add3A_61 = arith.constant 4 : i32
      %add3A_62 = arith.addi %add3A_54, %add3A_61 : i32
      %lt3A = arith.constant 125 : i32
      %lt3A_63 = arith.cmpi slt, %add3A_62, %lt3A : i32
      %convert_element_type3A = arith.extui %lt3A_63 : i1 to i32
      %cond3A = arith.constant 0 : i32
      %cond3A_64 = arith.cmpi ne, %convert_element_type3A, %cond3A : i32
      scf.if %cond3A_64 {
        %add3A_116 = arith.constant 4 : i32
        %add3A_117 = arith.addi %add3A_54, %add3A_116 : i32
        %dma_start3A_118 = arith.constant 0 : i32
        %dma_start3A_119 = tpu.memref_slice %arg6[%add3A_117, %dma_start3A_118] : memref<125x80xi32, #tpu.memory_space<vmem>> -> memref<1x80xi32, #tpu.memory_space<vmem>>
        %dma_start3A_120 = tpu.memref_squeeze %dma_start3A_119 : memref<1x80xi32, #tpu.memory_space<vmem>> -> memref<80xi32, #tpu.memory_space<vmem>>
        %dma_start3A_121 = arith.constant 0 : i32
        %dma_start3A_122 = arith.constant 0 : i32
        %dma_start3A_123 = tpu.memref_slice %arg2[%dma_start3A_121, %dma_start3A_122] : memref<10000x64xf32, #tpu.memory_space<hbm>> -> memref<10000x64xf32, #tpu.memory_space<hbm>>
        tpu.enqueue_indirect_dma source(%dma_start3A_123 : memref<10000x64xf32, #tpu.memory_space<hbm>>) target(%arg8 : memref<80x64xf32, #tpu.memory_space<vmem>>) offsets(%dma_start3A_120 : memref<80xi32, #tpu.memory_space<vmem>>) semaphore(%arg12 : memref<!tpu.dma_semaphore, #tpu.memory_space<semaphore_mem>>)
      } else {
      }
      %mul3A_65 = arith.constant 4 : i32
      %mul3A_66 = arith.muli %mul3A_65, %scan3A_50 : i32
      %add3A_67 = arith.constant 1 : i32
      %add3A_68 = arith.addi %mul3A_66, %add3A_67 : i32
      %dma_wait3A_69 = arith.constant 0 : i32
      %dma_wait3A_70 = tpu.memref_slice %arg6[%add3A_68, %dma_wait3A_69] : memref<125x80xi32, #tpu.memory_space<vmem>> -> memref<1x80xi32, #tpu.memory_space<vmem>>
      %dma_wait3A_71 = tpu.memref_squeeze %dma_wait3A_70 : memref<1x80xi32, #tpu.memory_space<vmem>> -> memref<80xi32, #tpu.memory_space<vmem>>
      %dma_wait3A_72 = arith.constant 0 : i32
      %dma_wait3A_73 = arith.constant 0 : i32
      %dma_wait3A_74 = tpu.memref_slice %arg2[%dma_wait3A_72, %dma_wait3A_73] : memref<10000x64xf32, #tpu.memory_space<hbm>> -> memref<10000x64xf32, #tpu.memory_space<hbm>>
      tpu.wait_indirect_dma semaphore(%arg13 : memref<!tpu.dma_semaphore, #tpu.memory_space<semaphore_mem>>) src(%dma_wait3A_74 : memref<10000x64xf32, #tpu.memory_space<hbm>>) dst(%arg9 : memref<80x64xf32, #tpu.memory_space<vmem>>)
      "tpu.region"() ({
        %run_scoped3A_116 = tpu.sem_alloc : memref<!tpu.dma_semaphore, #tpu.memory_space<semaphore_mem>>
        %dma_start3A_117 = arith.constant 0 : i32
        %dma_start3A_118 = tpu.memref_slice %arg7[%add3A_68, %dma_start3A_117] : memref<125x80xi32, #tpu.memory_space<vmem>> -> memref<1x80xi32, #tpu.memory_space<vmem>>
        %dma_start3A_119 = tpu.memref_squeeze %dma_start3A_118 : memref<1x80xi32, #tpu.memory_space<vmem>> -> memref<80xi32, #tpu.memory_space<vmem>>
        %dma_start3A_120 = arith.constant 0 : i32
        %dma_start3A_121 = arith.constant 0 : i32
        %dma_start3A_122 = tpu.memref_slice %arg16[%dma_start3A_120, %dma_start3A_121] : memref<10240x64xf32, #tpu.memory_space<vmem_shared>> -> memref<10240x64xf32, #tpu.memory_space<vmem_shared>>
        tpu.enqueue_indirect_dma source(%arg9 : memref<80x64xf32, #tpu.memory_space<vmem>>) target(%dma_start3A_122 : memref<10240x64xf32, #tpu.memory_space<vmem_shared>>) offsets(%dma_start3A_119 : memref<80xi32, #tpu.memory_space<vmem>>) semaphore(%run_scoped3A_116 : memref<!tpu.dma_semaphore, #tpu.memory_space<semaphore_mem>>) {add = true}
        %dma_wait3A_123 = arith.constant 0 : i32
        %dma_wait3A_124 = tpu.memref_slice %arg7[%add3A_68, %dma_wait3A_123] : memref<125x80xi32, #tpu.memory_space<vmem>> -> memref<1x80xi32, #tpu.memory_space<vmem>>
        %dma_wait3A_125 = tpu.memref_squeeze %dma_wait3A_124 : memref<1x80xi32, #tpu.memory_space<vmem>> -> memref<80xi32, #tpu.memory_space<vmem>>
        %dma_wait3A_126 = arith.constant 0 : i32
        %dma_wait3A_127 = arith.constant 0 : i32
        %dma_wait3A_128 = tpu.memref_slice %arg16[%dma_wait3A_126, %dma_wait3A_127] : memref<10240x64xf32, #tpu.memory_space<vmem_shared>> -> memref<10240x64xf32, #tpu.memory_space<vmem_shared>>
        tpu.wait_indirect_dma semaphore(%run_scoped3A_116 : memref<!tpu.dma_semaphore, #tpu.memory_space<semaphore_mem>>) src(%arg9 : memref<80x64xf32, #tpu.memory_space<vmem>>) dst(%dma_wait3A_128 : memref<10240x64xf32, #tpu.memory_space<vmem_shared>>)
        tpu.yield
      }) : () -> ()
      %add3A_75 = arith.constant 4 : i32
      %add3A_76 = arith.addi %add3A_68, %add3A_75 : i32
      %lt3A_77 = arith.constant 125 : i32
      %lt3A_78 = arith.cmpi slt, %add3A_76, %lt3A_77 : i32
      %convert_element_type3A_79 = arith.extui %lt3A_78 : i1 to i32
      %cond3A_80 = arith.constant 0 : i32
      %cond3A_81 = arith.cmpi ne, %convert_element_type3A_79, %cond3A_80 : i32
      scf.if %cond3A_81 {
        %add3A_116 = arith.constant 4 : i32
        %add3A_117 = arith.addi %add3A_68, %add3A_116 : i32
        %dma_start3A_118 = arith.constant 0 : i32
        %dma_start3A_119 = tpu.memref_slice %arg6[%add3A_117, %dma_start3A_118] : memref<125x80xi32, #tpu.memory_space<vmem>> -> memref<1x80xi32, #tpu.memory_space<vmem>>
        %dma_start3A_120 = tpu.memref_squeeze %dma_start3A_119 : memref<1x80xi32, #tpu.memory_space<vmem>> -> memref<80xi32, #tpu.memory_space<vmem>>
        %dma_start3A_121 = arith.constant 0 : i32
        %dma_start3A_122 = arith.constant 0 : i32
        %dma_start3A_123 = tpu.memref_slice %arg2[%dma_start3A_121, %dma_start3A_122] : memref<10000x64xf32, #tpu.memory_space<hbm>> -> memref<10000x64xf32, #tpu.memory_space<hbm>>
        tpu.enqueue_indirect_dma source(%dma_start3A_123 : memref<10000x64xf32, #tpu.memory_space<hbm>>) target(%arg9 : memref<80x64xf32, #tpu.memory_space<vmem>>) offsets(%dma_start3A_120 : memref<80xi32, #tpu.memory_space<vmem>>) semaphore(%arg13 : memref<!tpu.dma_semaphore, #tpu.memory_space<semaphore_mem>>)
      } else {
      }
      %mul3A_82 = arith.constant 4 : i32
      %mul3A_83 = arith.muli %mul3A_82, %scan3A_50 : i32
      %add3A_84 = arith.constant 2 : i32
      %add3A_85 = arith.addi %mul3A_83, %add3A_84 : i32
      %dma_wait3A_86 = arith.constant 0 : i32
      %dma_wait3A_87 = tpu.memref_slice %arg6[%add3A_85, %dma_wait3A_86] : memref<125x80xi32, #tpu.memory_space<vmem>> -> memref<1x80xi32, #tpu.memory_space<vmem>>
      %dma_wait3A_88 = tpu.memref_squeeze %dma_wait3A_87 : memref<1x80xi32, #tpu.memory_space<vmem>> -> memref<80xi32, #tpu.memory_space<vmem>>
      %dma_wait3A_89 = arith.constant 0 : i32
      %dma_wait3A_90 = arith.constant 0 : i32
      %dma_wait3A_91 = tpu.memref_slice %arg2[%dma_wait3A_89, %dma_wait3A_90] : memref<10000x64xf32, #tpu.memory_space<hbm>> -> memref<10000x64xf32, #tpu.memory_space<hbm>>
      tpu.wait_indirect_dma semaphore(%arg14 : memref<!tpu.dma_semaphore, #tpu.memory_space<semaphore_mem>>) src(%dma_wait3A_91 : memref<10000x64xf32, #tpu.memory_space<hbm>>) dst(%arg10 : memref<80x64xf32, #tpu.memory_space<vmem>>)
      "tpu.region"() ({
        %run_scoped3A_116 = tpu.sem_alloc : memref<!tpu.dma_semaphore, #tpu.memory_space<semaphore_mem>>
        %dma_start3A_117 = arith.constant 0 : i32
        %dma_start3A_118 = tpu.memref_slice %arg7[%add3A_85, %dma_start3A_117] : memref<125x80xi32, #tpu.memory_space<vmem>> -> memref<1x80xi32, #tpu.memory_space<vmem>>
        %dma_start3A_119 = tpu.memref_squeeze %dma_start3A_118 : memref<1x80xi32, #tpu.memory_space<vmem>> -> memref<80xi32, #tpu.memory_space<vmem>>
        %dma_start3A_120 = arith.constant 0 : i32
        %dma_start3A_121 = arith.constant 0 : i32
        %dma_start3A_122 = tpu.memref_slice %arg16[%dma_start3A_120, %dma_start3A_121] : memref<10240x64xf32, #tpu.memory_space<vmem_shared>> -> memref<10240x64xf32, #tpu.memory_space<vmem_shared>>
        tpu.enqueue_indirect_dma source(%arg10 : memref<80x64xf32, #tpu.memory_space<vmem>>) target(%dma_start3A_122 : memref<10240x64xf32, #tpu.memory_space<vmem_shared>>) offsets(%dma_start3A_119 : memref<80xi32, #tpu.memory_space<vmem>>) semaphore(%run_scoped3A_116 : memref<!tpu.dma_semaphore, #tpu.memory_space<semaphore_mem>>) {add = true}
        %dma_wait3A_123 = arith.constant 0 : i32
        %dma_wait3A_124 = tpu.memref_slice %arg7[%add3A_85, %dma_wait3A_123] : memref<125x80xi32, #tpu.memory_space<vmem>> -> memref<1x80xi32, #tpu.memory_space<vmem>>
        %dma_wait3A_125 = tpu.memref_squeeze %dma_wait3A_124 : memref<1x80xi32, #tpu.memory_space<vmem>> -> memref<80xi32, #tpu.memory_space<vmem>>
        %dma_wait3A_126 = arith.constant 0 : i32
        %dma_wait3A_127 = arith.constant 0 : i32
        %dma_wait3A_128 = tpu.memref_slice %arg16[%dma_wait3A_126, %dma_wait3A_127] : memref<10240x64xf32, #tpu.memory_space<vmem_shared>> -> memref<10240x64xf32, #tpu.memory_space<vmem_shared>>
        tpu.wait_indirect_dma semaphore(%run_scoped3A_116 : memref<!tpu.dma_semaphore, #tpu.memory_space<semaphore_mem>>) src(%arg10 : memref<80x64xf32, #tpu.memory_space<vmem>>) dst(%dma_wait3A_128 : memref<10240x64xf32, #tpu.memory_space<vmem_shared>>)
        tpu.yield
      }) : () -> ()
      %add3A_92 = arith.constant 4 : i32
      %add3A_93 = arith.addi %add3A_85, %add3A_92 : i32
      %lt3A_94 = arith.constant 125 : i32
      %lt3A_95 = arith.cmpi slt, %add3A_93, %lt3A_94 : i32
      %convert_element_type3A_96 = arith.extui %lt3A_95 : i1 to i32
      %cond3A_97 = arith.constant 0 : i32
      %cond3A_98 = arith.cmpi ne, %convert_element_type3A_96, %cond3A_97 : i32
      scf.if %cond3A_98 {
        %add3A_116 = arith.constant 4 : i32
        %add3A_117 = arith.addi %add3A_85, %add3A_116 : i32
        %dma_start3A_118 = arith.constant 0 : i32
        %dma_start3A_119 = tpu.memref_slice %arg6[%add3A_117, %dma_start3A_118] : memref<125x80xi32, #tpu.memory_space<vmem>> -> memref<1x80xi32, #tpu.memory_space<vmem>>
        %dma_start3A_120 = tpu.memref_squeeze %dma_start3A_119 : memref<1x80xi32, #tpu.memory_space<vmem>> -> memref<80xi32, #tpu.memory_space<vmem>>
        %dma_start3A_121 = arith.constant 0 : i32
        %dma_start3A_122 = arith.constant 0 : i32
        %dma_start3A_123 = tpu.memref_slice %arg2[%dma_start3A_121, %dma_start3A_122] : memref<10000x64xf32, #tpu.memory_space<hbm>> -> memref<10000x64xf32, #tpu.memory_space<hbm>>
        tpu.enqueue_indirect_dma source(%dma_start3A_123 : memref<10000x64xf32, #tpu.memory_space<hbm>>) target(%arg10 : memref<80x64xf32, #tpu.memory_space<vmem>>) offsets(%dma_start3A_120 : memref<80xi32, #tpu.memory_space<vmem>>) semaphore(%arg14 : memref<!tpu.dma_semaphore, #tpu.memory_space<semaphore_mem>>)
      } else {
      }
      %mul3A_99 = arith.constant 4 : i32
      %mul3A_100 = arith.muli %mul3A_99, %scan3A_50 : i32
      %add3A_101 = arith.constant 3 : i32
      %add3A_102 = arith.addi %mul3A_100, %add3A_101 : i32
      %dma_wait3A_103 = arith.constant 0 : i32
      %dma_wait3A_104 = tpu.memref_slice %arg6[%add3A_102, %dma_wait3A_103] : memref<125x80xi32, #tpu.memory_space<vmem>> -> memref<1x80xi32, #tpu.memory_space<vmem>>
      %dma_wait3A_105 = tpu.memref_squeeze %dma_wait3A_104 : memref<1x80xi32, #tpu.memory_space<vmem>> -> memref<80xi32, #tpu.memory_space<vmem>>
      %dma_wait3A_106 = arith.constant 0 : i32
      %dma_wait3A_107 = arith.constant 0 : i32
      %dma_wait3A_108 = tpu.memref_slice %arg2[%dma_wait3A_106, %dma_wait3A_107] : memref<10000x64xf32, #tpu.memory_space<hbm>> -> memref<10000x64xf32, #tpu.memory_space<hbm>>
      tpu.wait_indirect_dma semaphore(%arg15 : memref<!tpu.dma_semaphore, #tpu.memory_space<semaphore_mem>>) src(%dma_wait3A_108 : memref<10000x64xf32, #tpu.memory_space<hbm>>) dst(%arg11 : memref<80x64xf32, #tpu.memory_space<vmem>>)
      "tpu.region"() ({
        %run_scoped3A_116 = tpu.sem_alloc : memref<!tpu.dma_semaphore, #tpu.memory_space<semaphore_mem>>
        %dma_start3A_117 = arith.constant 0 : i32
        %dma_start3A_118 = tpu.memref_slice %arg7[%add3A_102, %dma_start3A_117] : memref<125x80xi32, #tpu.memory_space<vmem>> -> memref<1x80xi32, #tpu.memory_space<vmem>>
        %dma_start3A_119 = tpu.memref_squeeze %dma_start3A_118 : memref<1x80xi32, #tpu.memory_space<vmem>> -> memref<80xi32, #tpu.memory_space<vmem>>
        %dma_start3A_120 = arith.constant 0 : i32
        %dma_start3A_121 = arith.constant 0 : i32
        %dma_start3A_122 = tpu.memref_slice %arg16[%dma_start3A_120, %dma_start3A_121] : memref<10240x64xf32, #tpu.memory_space<vmem_shared>> -> memref<10240x64xf32, #tpu.memory_space<vmem_shared>>
        tpu.enqueue_indirect_dma source(%arg11 : memref<80x64xf32, #tpu.memory_space<vmem>>) target(%dma_start3A_122 : memref<10240x64xf32, #tpu.memory_space<vmem_shared>>) offsets(%dma_start3A_119 : memref<80xi32, #tpu.memory_space<vmem>>) semaphore(%run_scoped3A_116 : memref<!tpu.dma_semaphore, #tpu.memory_space<semaphore_mem>>) {add = true}
        %dma_wait3A_123 = arith.constant 0 : i32
        %dma_wait3A_124 = tpu.memref_slice %arg7[%add3A_102, %dma_wait3A_123] : memref<125x80xi32, #tpu.memory_space<vmem>> -> memref<1x80xi32, #tpu.memory_space<vmem>>
        %dma_wait3A_125 = tpu.memref_squeeze %dma_wait3A_124 : memref<1x80xi32, #tpu.memory_space<vmem>> -> memref<80xi32, #tpu.memory_space<vmem>>
        %dma_wait3A_126 = arith.constant 0 : i32
        %dma_wait3A_127 = arith.constant 0 : i32
        %dma_wait3A_128 = tpu.memref_slice %arg16[%dma_wait3A_126, %dma_wait3A_127] : memref<10240x64xf32, #tpu.memory_space<vmem_shared>> -> memref<10240x64xf32, #tpu.memory_space<vmem_shared>>
        tpu.wait_indirect_dma semaphore(%run_scoped3A_116 : memref<!tpu.dma_semaphore, #tpu.memory_space<semaphore_mem>>) src(%arg11 : memref<80x64xf32, #tpu.memory_space<vmem>>) dst(%dma_wait3A_128 : memref<10240x64xf32, #tpu.memory_space<vmem_shared>>)
        tpu.yield
      }) : () -> ()
      %add3A_109 = arith.constant 4 : i32
      %add3A_110 = arith.addi %add3A_102, %add3A_109 : i32
      %lt3A_111 = arith.constant 125 : i32
      %lt3A_112 = arith.cmpi slt, %add3A_110, %lt3A_111 : i32
      %convert_element_type3A_113 = arith.extui %lt3A_112 : i1 to i32
      %cond3A_114 = arith.constant 0 : i32
      %cond3A_115 = arith.cmpi ne, %convert_element_type3A_113, %cond3A_114 : i32
      scf.if %cond3A_115 {
        %add3A_116 = arith.constant 4 : i32
        %add3A_117 = arith.addi %add3A_102, %add3A_116 : i32
        %dma_start3A_118 = arith.constant 0 : i32
        %dma_start3A_119 = tpu.memref_slice %arg6[%add3A_117, %dma_start3A_118] : memref<125x80xi32, #tpu.memory_space<vmem>> -> memref<1x80xi32, #tpu.memory_space<vmem>>
        %dma_start3A_120 = tpu.memref_squeeze %dma_start3A_119 : memref<1x80xi32, #tpu.memory_space<vmem>> -> memref<80xi32, #tpu.memory_space<vmem>>
        %dma_start3A_121 = arith.constant 0 : i32
        %dma_start3A_122 = arith.constant 0 : i32
        %dma_start3A_123 = tpu.memref_slice %arg2[%dma_start3A_121, %dma_start3A_122] : memref<10000x64xf32, #tpu.memory_space<hbm>> -> memref<10000x64xf32, #tpu.memory_space<hbm>>
        tpu.enqueue_indirect_dma source(%dma_start3A_123 : memref<10000x64xf32, #tpu.memory_space<hbm>>) target(%arg11 : memref<80x64xf32, #tpu.memory_space<vmem>>) offsets(%dma_start3A_120 : memref<80xi32, #tpu.memory_space<vmem>>) semaphore(%arg15 : memref<!tpu.dma_semaphore, #tpu.memory_space<semaphore_mem>>)
      } else {
      }
    }
    %scan3A_35 = arith.constant 31 : i32
    %dma_wait3A = arith.constant 124 : i32
    %dma_wait3A_36 = arith.constant 0 : i32
    %dma_wait3A_37 = tpu.memref_slice %arg6[%dma_wait3A, %dma_wait3A_36] : memref<125x80xi32, #tpu.memory_space<vmem>> -> memref<1x80xi32, #tpu.memory_space<vmem>>
    %dma_wait3A_38 = tpu.memref_squeeze %dma_wait3A_37 : memref<1x80xi32, #tpu.memory_space<vmem>> -> memref<80xi32, #tpu.memory_space<vmem>>
    %dma_wait3A_39 = arith.constant 0 : i32
    %dma_wait3A_40 = arith.constant 0 : i32
    %dma_wait3A_41 = tpu.memref_slice %arg2[%dma_wait3A_39, %dma_wait3A_40] : memref<10000x64xf32, #tpu.memory_space<hbm>> -> memref<10000x64xf32, #tpu.memory_space<hbm>>
    tpu.wait_indirect_dma semaphore(%arg12 : memref<!tpu.dma_semaphore, #tpu.memory_space<semaphore_mem>>) src(%dma_wait3A_41 : memref<10000x64xf32, #tpu.memory_space<hbm>>) dst(%arg8 : memref<80x64xf32, #tpu.memory_space<vmem>>)
    %run_scoped3A_42 = arith.constant 124 : i32
    "tpu.region"() ({
      %run_scoped3A_50 = tpu.sem_alloc : memref<!tpu.dma_semaphore, #tpu.memory_space<semaphore_mem>>
      %dma_start3A_51 = arith.constant 0 : i32
      %dma_start3A_52 = tpu.memref_slice %arg7[%run_scoped3A_42, %dma_start3A_51] : memref<125x80xi32, #tpu.memory_space<vmem>> -> memref<1x80xi32, #tpu.memory_space<vmem>>
      %dma_start3A_53 = tpu.memref_squeeze %dma_start3A_52 : memref<1x80xi32, #tpu.memory_space<vmem>> -> memref<80xi32, #tpu.memory_space<vmem>>
      %dma_start3A_54 = arith.constant 0 : i32
      %dma_start3A_55 = arith.constant 0 : i32
      %dma_start3A_56 = tpu.memref_slice %arg16[%dma_start3A_54, %dma_start3A_55] : memref<10240x64xf32, #tpu.memory_space<vmem_shared>> -> memref<10240x64xf32, #tpu.memory_space<vmem_shared>>
      tpu.enqueue_indirect_dma source(%arg8 : memref<80x64xf32, #tpu.memory_space<vmem>>) target(%dma_start3A_56 : memref<10240x64xf32, #tpu.memory_space<vmem_shared>>) offsets(%dma_start3A_53 : memref<80xi32, #tpu.memory_space<vmem>>) semaphore(%run_scoped3A_50 : memref<!tpu.dma_semaphore, #tpu.memory_space<semaphore_mem>>) {add = true}
      %dma_wait3A_57 = arith.constant 0 : i32
      %dma_wait3A_58 = tpu.memref_slice %arg7[%run_scoped3A_42, %dma_wait3A_57] : memref<125x80xi32, #tpu.memory_space<vmem>> -> memref<1x80xi32, #tpu.memory_space<vmem>>
      %dma_wait3A_59 = tpu.memref_squeeze %dma_wait3A_58 : memref<1x80xi32, #tpu.memory_space<vmem>> -> memref<80xi32, #tpu.memory_space<vmem>>
      %dma_wait3A_60 = arith.constant 0 : i32
      %dma_wait3A_61 = arith.constant 0 : i32
      %dma_wait3A_62 = tpu.memref_slice %arg16[%dma_wait3A_60, %dma_wait3A_61] : memref<10240x64xf32, #tpu.memory_space<vmem_shared>> -> memref<10240x64xf32, #tpu.memory_space<vmem_shared>>
      tpu.wait_indirect_dma semaphore(%run_scoped3A_50 : memref<!tpu.dma_semaphore, #tpu.memory_space<semaphore_mem>>) src(%arg8 : memref<80x64xf32, #tpu.memory_space<vmem>>) dst(%dma_wait3A_62 : memref<10240x64xf32, #tpu.memory_space<vmem_shared>>)
      tpu.yield
    }) : () -> ()
    %barrier3A_43 = arith.constant 0 : index
    tpu.barrier barrier_id(%barrier3A_43)
    %mul3A_44 = arith.constant 640 : i32
    %mul3A_45 = arith.muli %arg1, %mul3A_44 : i32
    %mul3A_46 = arith.constant 640 : i32
    %mul3A_47 = arith.muli %arg1, %mul3A_46 : i32
    %mul3A_48 = arith.constant 64 : i32
    %mul3A_49 = arith.muli %arg0, %mul3A_48 : i32
    "tpu.region"() ({
      %run_scoped3A_50 = tpu.sem_alloc : memref<!tpu.dma_semaphore, #tpu.memory_space<semaphore_mem>>
      %dma_start3A_51 = tpu.memref_slice %arg5[%mul3A_47, %mul3A_49] : memref<10240x128xf32, #tpu.memory_space<hbm>> -> memref<640x64xf32, #tpu.memory_space<hbm>>
      %dma_start3A_52 = arith.constant 0 : i32
      %dma_start3A_53 = tpu.memref_slice %arg16[%mul3A_45, %dma_start3A_52] : memref<10240x64xf32, #tpu.memory_space<vmem_shared>> -> memref<640x64xf32, #tpu.memory_space<vmem_shared>>
      tpu.enqueue_dma source(%dma_start3A_53 : memref<640x64xf32, #tpu.memory_space<vmem_shared>>) target(%dma_start3A_51 : memref<640x64xf32, #tpu.memory_space<hbm>>) target_semaphore(%run_scoped3A_50 : memref<!tpu.dma_semaphore, #tpu.memory_space<semaphore_mem>>)
      %dma_wait3A_54 = tpu.memref_slice %arg5[%mul3A_47, %mul3A_49] : memref<10240x128xf32, #tpu.memory_space<hbm>> -> memref<640x64xf32, #tpu.memory_space<hbm>>
      %dma_wait3A_55 = arith.constant 0 : i32
      %dma_wait3A_56 = tpu.memref_slice %arg16[%mul3A_45, %dma_wait3A_55] : memref<10240x64xf32, #tpu.memory_space<vmem_shared>> -> memref<640x64xf32, #tpu.memory_space<vmem_shared>>
      tpu.wait_dma2 semaphore(%run_scoped3A_50 : memref<!tpu.dma_semaphore, #tpu.memory_space<semaphore_mem>>) src(%dma_wait3A_56 : memref<640x64xf32, #tpu.memory_space<vmem_shared>>) dst(%dma_wait3A_54 : memref<640x64xf32, #tpu.memory_space<hbm>>)
      tpu.yield
    }) : () -> ()
    return
  }
}

#map = affine_map<(d0, d1) -> (0, 0, 0, 0)>
#map1 = affine_map<(d0, d1) -> (0)>
module attributes {stable_mosaic.version = 14 : i64} {
  func.func @k(%arg0: i32, %arg1: i32, %arg2: memref<2x32x125x80xi32, #tpu.memory_space<hbm>>, %arg3: memref<640xf32, #tpu.memory_space<hbm>>, %arg4: memref<80xf32, #tpu.memory_space<hbm>>, %arg5: memref<10240xf32, #tpu.memory_space<hbm>>, %arg6: memref<250x80xi32, #tpu.memory_space<vmem>>, %arg7: memref<80xf32, #tpu.memory_space<vmem>>, %arg8: memref<10240xf32, #tpu.memory_space<vmem_shared>>) attributes {dimension_semantics = [#tpu.dimension_semantics<core_parallel>, #tpu.dimension_semantics<subcore_parallel>], iteration_bounds = array<i64: 2, 16>, scalar_prefetch = 0 : i64, scratch_operands = 3 : i64, tpu.core_type = #tpu.core_type<sc_vector_subcore>, window_params = [{transform_indices = #map}, {transform_indices = #map1}, {transform_indices = #map1}, {transform_indices = #map1}]} {
    %eq3A = arith.constant 0 : i32
    %eq3A_0 = arith.cmpi eq, %arg0, %eq3A : i32
    %convert_element_type3A = arith.extui %eq3A_0 : i1 to i32
    %cond3A = arith.constant 0 : i32
    %cond3A_1 = arith.cmpi ne, %convert_element_type3A, %cond3A : i32
    scf.if %cond3A_1 {
      %mul3A = arith.constant 2 : i32
      %mul3A_2 = arith.muli %mul3A, %arg1 : i32
      %run_scoped3A = arith.constant 1 : i32
      "tpu.region"() ({
        %run_scoped3A_19 = tpu.sem_alloc : memref<!tpu.dma_semaphore, #tpu.memory_space<semaphore_mem>>
        %dma_start3A = arith.constant 0 : i32
        %dma_start3A_20 = arith.constant 0 : i32
        %dma_start3A_21 = tpu.memref_slice %arg6[%dma_start3A, %dma_start3A_20] : memref<250x80xi32, #tpu.memory_space<vmem>> -> memref<125x80xi32, #tpu.memory_space<vmem>>
        %dma_start3A_22 = arith.constant 0 : i32
        %dma_start3A_23 = arith.constant 0 : i32
        %dma_start3A_24 = tpu.memref_slice %arg2[%run_scoped3A, %mul3A_2, %dma_start3A_22, %dma_start3A_23] : memref<2x32x125x80xi32, #tpu.memory_space<hbm>> -> memref<1x1x125x80xi32, #tpu.memory_space<hbm>>
        %dma_start3A_25 = tpu.memref_squeeze %dma_start3A_24 : memref<1x1x125x80xi32, #tpu.memory_space<hbm>> -> memref<125x80xi32, #tpu.memory_space<hbm>>
        %dma_start3A_26 = arith.constant 0 : i32
        %dma_start3A_27 = arith.constant 0 : i32
        %dma_start3A_28 = tpu.memref_slice %arg6[%dma_start3A_26, %dma_start3A_27] : memref<250x80xi32, #tpu.memory_space<vmem>> -> memref<125x80xi32, #tpu.memory_space<vmem>>
        %dma_start3A_29 = arith.constant 0 : i32
        %dma_start3A_30 = arith.constant 0 : i32
        %dma_start3A_31 = tpu.memref_slice %arg2[%run_scoped3A, %mul3A_2, %dma_start3A_29, %dma_start3A_30] : memref<2x32x125x80xi32, #tpu.memory_space<hbm>> -> memref<1x1x125x80xi32, #tpu.memory_space<hbm>>
        %dma_start3A_32 = tpu.memref_squeeze %dma_start3A_31 : memref<1x1x125x80xi32, #tpu.memory_space<hbm>> -> memref<125x80xi32, #tpu.memory_space<hbm>>
        tpu.enqueue_dma source(%dma_start3A_32 : memref<125x80xi32, #tpu.memory_space<hbm>>) target(%dma_start3A_28 : memref<125x80xi32, #tpu.memory_space<vmem>>) target_semaphore(%run_scoped3A_19 : memref<!tpu.dma_semaphore, #tpu.memory_space<semaphore_mem>>)
        %dma_wait3A = arith.constant 0 : i32
        %dma_wait3A_33 = arith.constant 0 : i32
        %dma_wait3A_34 = tpu.memref_slice %arg6[%dma_wait3A, %dma_wait3A_33] : memref<250x80xi32, #tpu.memory_space<vmem>> -> memref<125x80xi32, #tpu.memory_space<vmem>>
        %dma_wait3A_35 = arith.constant 0 : i32
        %dma_wait3A_36 = arith.constant 0 : i32
        %dma_wait3A_37 = tpu.memref_slice %arg2[%run_scoped3A, %mul3A_2, %dma_wait3A_35, %dma_wait3A_36] : memref<2x32x125x80xi32, #tpu.memory_space<hbm>> -> memref<1x1x125x80xi32, #tpu.memory_space<hbm>>
        %dma_wait3A_38 = tpu.memref_squeeze %dma_wait3A_37 : memref<1x1x125x80xi32, #tpu.memory_space<hbm>> -> memref<125x80xi32, #tpu.memory_space<hbm>>
        %dma_wait3A_39 = arith.constant 0 : i32
        %dma_wait3A_40 = arith.constant 0 : i32
        %dma_wait3A_41 = tpu.memref_slice %arg6[%dma_wait3A_39, %dma_wait3A_40] : memref<250x80xi32, #tpu.memory_space<vmem>> -> memref<125x80xi32, #tpu.memory_space<vmem>>
        %dma_wait3A_42 = arith.constant 0 : i32
        %dma_wait3A_43 = arith.constant 0 : i32
        %dma_wait3A_44 = tpu.memref_slice %arg2[%run_scoped3A, %mul3A_2, %dma_wait3A_42, %dma_wait3A_43] : memref<2x32x125x80xi32, #tpu.memory_space<hbm>> -> memref<1x1x125x80xi32, #tpu.memory_space<hbm>>
        %dma_wait3A_45 = tpu.memref_squeeze %dma_wait3A_44 : memref<1x1x125x80xi32, #tpu.memory_space<hbm>> -> memref<125x80xi32, #tpu.memory_space<hbm>>
        tpu.wait_dma2 semaphore(%run_scoped3A_19 : memref<!tpu.dma_semaphore, #tpu.memory_space<semaphore_mem>>) src(%dma_wait3A_45 : memref<125x80xi32, #tpu.memory_space<hbm>>) dst(%dma_wait3A_41 : memref<125x80xi32, #tpu.memory_space<vmem>>)
        tpu.yield
      }) : () -> ()
      %mul3A_3 = arith.constant 2 : i32
      %mul3A_4 = arith.muli %mul3A_3, %arg1 : i32
      %add3A = arith.constant 1 : i32
      %add3A_5 = arith.addi %mul3A_4, %add3A : i32
      %run_scoped3A_6 = arith.constant 1 : i32
      "tpu.region"() ({
        %run_scoped3A_19 = tpu.sem_alloc : memref<!tpu.dma_semaphore, #tpu.memory_space<semaphore_mem>>
        %dma_start3A = arith.constant 125 : i32
        %dma_start3A_20 = arith.constant 0 : i32
        %dma_start3A_21 = tpu.memref_slice %arg6[%dma_start3A, %dma_start3A_20] : memref<250x80xi32, #tpu.memory_space<vmem>> -> memref<125x80xi32, #tpu.memory_space<vmem>>
        %dma_start3A_22 = arith.constant 0 : i32
        %dma_start3A_23 = arith.constant 0 : i32
        %dma_start3A_24 = tpu.memref_slice %arg2[%run_scoped3A_6, %add3A_5, %dma_start3A_22, %dma_start3A_23] : memref<2x32x125x80xi32, #tpu.memory_space<hbm>> -> memref<1x1x125x80xi32, #tpu.memory_space<hbm>>
        %dma_start3A_25 = tpu.memref_squeeze %dma_start3A_24 : memref<1x1x125x80xi32, #tpu.memory_space<hbm>> -> memref<125x80xi32, #tpu.memory_space<hbm>>
        %dma_start3A_26 = arith.constant 125 : i32
        %dma_start3A_27 = arith.constant 0 : i32
        %dma_start3A_28 = tpu.memref_slice %arg6[%dma_start3A_26, %dma_start3A_27] : memref<250x80xi32, #tpu.memory_space<vmem>> -> memref<125x80xi32, #tpu.memory_space<vmem>>
        %dma_start3A_29 = arith.constant 0 : i32
        %dma_start3A_30 = arith.constant 0 : i32
        %dma_start3A_31 = tpu.memref_slice %arg2[%run_scoped3A_6, %add3A_5, %dma_start3A_29, %dma_start3A_30] : memref<2x32x125x80xi32, #tpu.memory_space<hbm>> -> memref<1x1x125x80xi32, #tpu.memory_space<hbm>>
        %dma_start3A_32 = tpu.memref_squeeze %dma_start3A_31 : memref<1x1x125x80xi32, #tpu.memory_space<hbm>> -> memref<125x80xi32, #tpu.memory_space<hbm>>
        tpu.enqueue_dma source(%dma_start3A_32 : memref<125x80xi32, #tpu.memory_space<hbm>>) target(%dma_start3A_28 : memref<125x80xi32, #tpu.memory_space<vmem>>) target_semaphore(%run_scoped3A_19 : memref<!tpu.dma_semaphore, #tpu.memory_space<semaphore_mem>>)
        %dma_wait3A = arith.constant 125 : i32
        %dma_wait3A_33 = arith.constant 0 : i32
        %dma_wait3A_34 = tpu.memref_slice %arg6[%dma_wait3A, %dma_wait3A_33] : memref<250x80xi32, #tpu.memory_space<vmem>> -> memref<125x80xi32, #tpu.memory_space<vmem>>
        %dma_wait3A_35 = arith.constant 0 : i32
        %dma_wait3A_36 = arith.constant 0 : i32
        %dma_wait3A_37 = tpu.memref_slice %arg2[%run_scoped3A_6, %add3A_5, %dma_wait3A_35, %dma_wait3A_36] : memref<2x32x125x80xi32, #tpu.memory_space<hbm>> -> memref<1x1x125x80xi32, #tpu.memory_space<hbm>>
        %dma_wait3A_38 = tpu.memref_squeeze %dma_wait3A_37 : memref<1x1x125x80xi32, #tpu.memory_space<hbm>> -> memref<125x80xi32, #tpu.memory_space<hbm>>
        %dma_wait3A_39 = arith.constant 125 : i32
        %dma_wait3A_40 = arith.constant 0 : i32
        %dma_wait3A_41 = tpu.memref_slice %arg6[%dma_wait3A_39, %dma_wait3A_40] : memref<250x80xi32, #tpu.memory_space<vmem>> -> memref<125x80xi32, #tpu.memory_space<vmem>>
        %dma_wait3A_42 = arith.constant 0 : i32
        %dma_wait3A_43 = arith.constant 0 : i32
        %dma_wait3A_44 = tpu.memref_slice %arg2[%run_scoped3A_6, %add3A_5, %dma_wait3A_42, %dma_wait3A_43] : memref<2x32x125x80xi32, #tpu.memory_space<hbm>> -> memref<1x1x125x80xi32, #tpu.memory_space<hbm>>
        %dma_wait3A_45 = tpu.memref_squeeze %dma_wait3A_44 : memref<1x1x125x80xi32, #tpu.memory_space<hbm>> -> memref<125x80xi32, #tpu.memory_space<hbm>>
        tpu.wait_dma2 semaphore(%run_scoped3A_19 : memref<!tpu.dma_semaphore, #tpu.memory_space<semaphore_mem>>) src(%dma_wait3A_45 : memref<125x80xi32, #tpu.memory_space<hbm>>) dst(%dma_wait3A_41 : memref<125x80xi32, #tpu.memory_space<vmem>>)
        tpu.yield
      }) : () -> ()
      "tpu.region"() ({
        %run_scoped3A_19 = tpu.sem_alloc : memref<!tpu.dma_semaphore, #tpu.memory_space<semaphore_mem>>
        tpu.enqueue_dma source(%arg4 : memref<80xf32, #tpu.memory_space<hbm>>) target(%arg7 : memref<80xf32, #tpu.memory_space<vmem>>) target_semaphore(%run_scoped3A_19 : memref<!tpu.dma_semaphore, #tpu.memory_space<semaphore_mem>>)
        tpu.wait_dma2 semaphore(%run_scoped3A_19 : memref<!tpu.dma_semaphore, #tpu.memory_space<semaphore_mem>>) src(%arg4 : memref<80xf32, #tpu.memory_space<hbm>>) dst(%arg7 : memref<80xf32, #tpu.memory_space<vmem>>)
        tpu.yield
      }) : () -> ()
      %mul3A_7 = arith.constant 640 : i32
      %mul3A_8 = arith.muli %arg1, %mul3A_7 : i32
      "tpu.region"() ({
        %run_scoped3A_19 = tpu.sem_alloc : memref<!tpu.dma_semaphore, #tpu.memory_space<semaphore_mem>>
        %dma_start3A = tpu.memref_slice %arg8[%mul3A_8] : memref<10240xf32, #tpu.memory_space<vmem_shared>> -> memref<640xf32, #tpu.memory_space<vmem_shared>>
        tpu.enqueue_dma source(%arg3 : memref<640xf32, #tpu.memory_space<hbm>>) target(%dma_start3A : memref<640xf32, #tpu.memory_space<vmem_shared>>) target_semaphore(%run_scoped3A_19 : memref<!tpu.dma_semaphore, #tpu.memory_space<semaphore_mem>>)
        %dma_wait3A = tpu.memref_slice %arg8[%mul3A_8] : memref<10240xf32, #tpu.memory_space<vmem_shared>> -> memref<640xf32, #tpu.memory_space<vmem_shared>>
        tpu.wait_dma2 semaphore(%run_scoped3A_19 : memref<!tpu.dma_semaphore, #tpu.memory_space<semaphore_mem>>) src(%arg3 : memref<640xf32, #tpu.memory_space<hbm>>) dst(%dma_wait3A : memref<640xf32, #tpu.memory_space<vmem_shared>>)
        tpu.yield
      }) : () -> ()
      %barrier3A = arith.constant 0 : index
      tpu.barrier barrier_id(%barrier3A)
      %scan3A = arith.constant 0 : i32
      %scan3A_9 = arith.constant 0 : i32
      %scan3A_10 = arith.constant 250 : i32
      %scan3A_11 = arith.addi %scan3A_9, %scan3A_10 : i32
      %scan3A_12 = arith.constant 1 : i32
      scf.for %scan3A_19 = %scan3A_9 to %scan3A_11 step %scan3A_12  : i32 {
        "tpu.region"() ({
          %run_scoped3A_20 = tpu.sem_alloc : memref<!tpu.dma_semaphore, #tpu.memory_space<semaphore_mem>>
          %dma_start3A = arith.constant 0 : i32
          %dma_start3A_21 = tpu.memref_slice %arg6[%scan3A_19, %dma_start3A] : memref<250x80xi32, #tpu.memory_space<vmem>> -> memref<1x80xi32, #tpu.memory_space<vmem>>
          %dma_start3A_22 = tpu.memref_squeeze %dma_start3A_21 : memref<1x80xi32, #tpu.memory_space<vmem>> -> memref<80xi32, #tpu.memory_space<vmem>>
          %dma_start3A_23 = arith.constant 0 : i32
          %dma_start3A_24 = tpu.memref_slice %arg8[%dma_start3A_23] : memref<10240xf32, #tpu.memory_space<vmem_shared>> -> memref<10240xf32, #tpu.memory_space<vmem_shared>>
          tpu.enqueue_indirect_dma source(%arg7 : memref<80xf32, #tpu.memory_space<vmem>>) target(%dma_start3A_24 : memref<10240xf32, #tpu.memory_space<vmem_shared>>) offsets(%dma_start3A_22 : memref<80xi32, #tpu.memory_space<vmem>>) semaphore(%run_scoped3A_20 : memref<!tpu.dma_semaphore, #tpu.memory_space<semaphore_mem>>) {add = true}
          %dma_wait3A = arith.constant 0 : i32
          %dma_wait3A_25 = tpu.memref_slice %arg6[%scan3A_19, %dma_wait3A] : memref<250x80xi32, #tpu.memory_space<vmem>> -> memref<1x80xi32, #tpu.memory_space<vmem>>
          %dma_wait3A_26 = tpu.memref_squeeze %dma_wait3A_25 : memref<1x80xi32, #tpu.memory_space<vmem>> -> memref<80xi32, #tpu.memory_space<vmem>>
          %dma_wait3A_27 = arith.constant 0 : i32
          %dma_wait3A_28 = tpu.memref_slice %arg8[%dma_wait3A_27] : memref<10240xf32, #tpu.memory_space<vmem_shared>> -> memref<10240xf32, #tpu.memory_space<vmem_shared>>
          tpu.wait_indirect_dma semaphore(%run_scoped3A_20 : memref<!tpu.dma_semaphore, #tpu.memory_space<semaphore_mem>>) src(%arg7 : memref<80xf32, #tpu.memory_space<vmem>>) dst(%dma_wait3A_28 : memref<10240xf32, #tpu.memory_space<vmem_shared>>)
          tpu.yield
        }) : () -> ()
      }
      %scan3A_13 = arith.constant 250 : i32
      %barrier3A_14 = arith.constant 0 : index
      tpu.barrier barrier_id(%barrier3A_14)
      %mul3A_15 = arith.constant 640 : i32
      %mul3A_16 = arith.muli %arg1, %mul3A_15 : i32
      %mul3A_17 = arith.constant 640 : i32
      %mul3A_18 = arith.muli %arg1, %mul3A_17 : i32
      "tpu.region"() ({
        %run_scoped3A_19 = tpu.sem_alloc : memref<!tpu.dma_semaphore, #tpu.memory_space<semaphore_mem>>
        %dma_start3A = tpu.memref_slice %arg5[%mul3A_18] : memref<10240xf32, #tpu.memory_space<hbm>> -> memref<640xf32, #tpu.memory_space<hbm>>
        %dma_start3A_20 = tpu.memref_slice %arg8[%mul3A_16] : memref<10240xf32, #tpu.memory_space<vmem_shared>> -> memref<640xf32, #tpu.memory_space<vmem_shared>>
        tpu.enqueue_dma source(%dma_start3A_20 : memref<640xf32, #tpu.memory_space<vmem_shared>>) target(%dma_start3A : memref<640xf32, #tpu.memory_space<hbm>>) target_semaphore(%run_scoped3A_19 : memref<!tpu.dma_semaphore, #tpu.memory_space<semaphore_mem>>)
        %dma_wait3A = tpu.memref_slice %arg5[%mul3A_18] : memref<10240xf32, #tpu.memory_space<hbm>> -> memref<640xf32, #tpu.memory_space<hbm>>
        %dma_wait3A_21 = tpu.memref_slice %arg8[%mul3A_16] : memref<10240xf32, #tpu.memory_space<vmem_shared>> -> memref<640xf32, #tpu.memory_space<vmem_shared>>
        tpu.wait_dma2 semaphore(%run_scoped3A_19 : memref<!tpu.dma_semaphore, #tpu.memory_space<semaphore_mem>>) src(%dma_wait3A_21 : memref<640xf32, #tpu.memory_space<vmem_shared>>) dst(%dma_wait3A : memref<640xf32, #tpu.memory_space<hbm>>)
        tpu.yield
      }) : () -> ()
    } else {
    }
    return
  }
}

#map = affine_map<(d0, d1) -> (0, 0)>
#map1 = affine_map<(d0, d1) -> (0, 0, 0, 0)>
module attributes {stable_mosaic.version = 14 : i64} {
  func.func @k(%arg0: i32, %arg1: i32, %arg2: memref<10000x32xf32, #tpu.memory_space<hbm>>, %arg3: memref<2x32x125x80xi32, #tpu.memory_space<hbm>>, %arg4: memref<640x32xf32, #tpu.memory_space<hbm>>, %arg5: memref<10240x64xf32, #tpu.memory_space<hbm>>, %arg6: memref<125x80xi32, #tpu.memory_space<vmem>>, %arg7: memref<125x80xi32, #tpu.memory_space<vmem>>, %arg8: memref<80x32xf32, #tpu.memory_space<vmem>>, %arg9: memref<80x32xf32, #tpu.memory_space<vmem>>, %arg10: memref<80x32xf32, #tpu.memory_space<vmem>>, %arg11: memref<80x32xf32, #tpu.memory_space<vmem>>, %arg12: memref<!tpu.dma_semaphore, #tpu.memory_space<semaphore_mem>>, %arg13: memref<!tpu.dma_semaphore, #tpu.memory_space<semaphore_mem>>, %arg14: memref<!tpu.dma_semaphore, #tpu.memory_space<semaphore_mem>>, %arg15: memref<!tpu.dma_semaphore, #tpu.memory_space<semaphore_mem>>, %arg16: memref<10240x32xf32, #tpu.memory_space<vmem_shared>>) attributes {dimension_semantics = [#tpu.dimension_semantics<core_parallel>, #tpu.dimension_semantics<subcore_parallel>], iteration_bounds = array<i64: 2, 16>, scalar_prefetch = 0 : i64, scratch_operands = 11 : i64, tpu.core_type = #tpu.core_type<sc_vector_subcore>, window_params = [{transform_indices = #map}, {transform_indices = #map1}, {transform_indices = #map}, {transform_indices = #map}]} {
    %mul3A = arith.constant 16 : i32
    %mul3A_0 = arith.muli %arg0, %mul3A : i32
    %add3A = arith.addi %mul3A_0, %arg1 : i32
    %run_scoped3A = arith.constant 0 : i32
    "tpu.region"() ({
      %run_scoped3A_50 = tpu.sem_alloc : memref<!tpu.dma_semaphore, #tpu.memory_space<semaphore_mem>>
      %dma_start3A_51 = arith.constant 0 : i32
      %dma_start3A_52 = arith.constant 0 : i32
      %dma_start3A_53 = tpu.memref_slice %arg3[%run_scoped3A, %add3A, %dma_start3A_51, %dma_start3A_52] : memref<2x32x125x80xi32, #tpu.memory_space<hbm>> -> memref<1x1x125x80xi32, #tpu.memory_space<hbm>>
      %dma_start3A_54 = tpu.memref_squeeze %dma_start3A_53 : memref<1x1x125x80xi32, #tpu.memory_space<hbm>> -> memref<125x80xi32, #tpu.memory_space<hbm>>
      %dma_start3A_55 = arith.constant 0 : i32
      %dma_start3A_56 = arith.constant 0 : i32
      %dma_start3A_57 = tpu.memref_slice %arg3[%run_scoped3A, %add3A, %dma_start3A_55, %dma_start3A_56] : memref<2x32x125x80xi32, #tpu.memory_space<hbm>> -> memref<1x1x125x80xi32, #tpu.memory_space<hbm>>
      %dma_start3A_58 = tpu.memref_squeeze %dma_start3A_57 : memref<1x1x125x80xi32, #tpu.memory_space<hbm>> -> memref<125x80xi32, #tpu.memory_space<hbm>>
      tpu.enqueue_dma source(%dma_start3A_58 : memref<125x80xi32, #tpu.memory_space<hbm>>) target(%arg6 : memref<125x80xi32, #tpu.memory_space<vmem>>) target_semaphore(%run_scoped3A_50 : memref<!tpu.dma_semaphore, #tpu.memory_space<semaphore_mem>>)
      %dma_wait3A_59 = arith.constant 0 : i32
      %dma_wait3A_60 = arith.constant 0 : i32
      %dma_wait3A_61 = tpu.memref_slice %arg3[%run_scoped3A, %add3A, %dma_wait3A_59, %dma_wait3A_60] : memref<2x32x125x80xi32, #tpu.memory_space<hbm>> -> memref<1x1x125x80xi32, #tpu.memory_space<hbm>>
      %dma_wait3A_62 = tpu.memref_squeeze %dma_wait3A_61 : memref<1x1x125x80xi32, #tpu.memory_space<hbm>> -> memref<125x80xi32, #tpu.memory_space<hbm>>
      %dma_wait3A_63 = arith.constant 0 : i32
      %dma_wait3A_64 = arith.constant 0 : i32
      %dma_wait3A_65 = tpu.memref_slice %arg3[%run_scoped3A, %add3A, %dma_wait3A_63, %dma_wait3A_64] : memref<2x32x125x80xi32, #tpu.memory_space<hbm>> -> memref<1x1x125x80xi32, #tpu.memory_space<hbm>>
      %dma_wait3A_66 = tpu.memref_squeeze %dma_wait3A_65 : memref<1x1x125x80xi32, #tpu.memory_space<hbm>> -> memref<125x80xi32, #tpu.memory_space<hbm>>
      tpu.wait_dma2 semaphore(%run_scoped3A_50 : memref<!tpu.dma_semaphore, #tpu.memory_space<semaphore_mem>>) src(%dma_wait3A_66 : memref<125x80xi32, #tpu.memory_space<hbm>>) dst(%arg6 : memref<125x80xi32, #tpu.memory_space<vmem>>)
      tpu.yield
    }) : () -> ()
    %run_scoped3A_1 = arith.constant 1 : i32
    "tpu.region"() ({
      %run_scoped3A_50 = tpu.sem_alloc : memref<!tpu.dma_semaphore, #tpu.memory_space<semaphore_mem>>
      %dma_start3A_51 = arith.constant 0 : i32
      %dma_start3A_52 = arith.constant 0 : i32
      %dma_start3A_53 = tpu.memref_slice %arg3[%run_scoped3A_1, %add3A, %dma_start3A_51, %dma_start3A_52] : memref<2x32x125x80xi32, #tpu.memory_space<hbm>> -> memref<1x1x125x80xi32, #tpu.memory_space<hbm>>
      %dma_start3A_54 = tpu.memref_squeeze %dma_start3A_53 : memref<1x1x125x80xi32, #tpu.memory_space<hbm>> -> memref<125x80xi32, #tpu.memory_space<hbm>>
      %dma_start3A_55 = arith.constant 0 : i32
      %dma_start3A_56 = arith.constant 0 : i32
      %dma_start3A_57 = tpu.memref_slice %arg3[%run_scoped3A_1, %add3A, %dma_start3A_55, %dma_start3A_56] : memref<2x32x125x80xi32, #tpu.memory_space<hbm>> -> memref<1x1x125x80xi32, #tpu.memory_space<hbm>>
      %dma_start3A_58 = tpu.memref_squeeze %dma_start3A_57 : memref<1x1x125x80xi32, #tpu.memory_space<hbm>> -> memref<125x80xi32, #tpu.memory_space<hbm>>
      tpu.enqueue_dma source(%dma_start3A_58 : memref<125x80xi32, #tpu.memory_space<hbm>>) target(%arg7 : memref<125x80xi32, #tpu.memory_space<vmem>>) target_semaphore(%run_scoped3A_50 : memref<!tpu.dma_semaphore, #tpu.memory_space<semaphore_mem>>)
      %dma_wait3A_59 = arith.constant 0 : i32
      %dma_wait3A_60 = arith.constant 0 : i32
      %dma_wait3A_61 = tpu.memref_slice %arg3[%run_scoped3A_1, %add3A, %dma_wait3A_59, %dma_wait3A_60] : memref<2x32x125x80xi32, #tpu.memory_space<hbm>> -> memref<1x1x125x80xi32, #tpu.memory_space<hbm>>
      %dma_wait3A_62 = tpu.memref_squeeze %dma_wait3A_61 : memref<1x1x125x80xi32, #tpu.memory_space<hbm>> -> memref<125x80xi32, #tpu.memory_space<hbm>>
      %dma_wait3A_63 = arith.constant 0 : i32
      %dma_wait3A_64 = arith.constant 0 : i32
      %dma_wait3A_65 = tpu.memref_slice %arg3[%run_scoped3A_1, %add3A, %dma_wait3A_63, %dma_wait3A_64] : memref<2x32x125x80xi32, #tpu.memory_space<hbm>> -> memref<1x1x125x80xi32, #tpu.memory_space<hbm>>
      %dma_wait3A_66 = tpu.memref_squeeze %dma_wait3A_65 : memref<1x1x125x80xi32, #tpu.memory_space<hbm>> -> memref<125x80xi32, #tpu.memory_space<hbm>>
      tpu.wait_dma2 semaphore(%run_scoped3A_50 : memref<!tpu.dma_semaphore, #tpu.memory_space<semaphore_mem>>) src(%dma_wait3A_66 : memref<125x80xi32, #tpu.memory_space<hbm>>) dst(%arg7 : memref<125x80xi32, #tpu.memory_space<vmem>>)
      tpu.yield
    }) : () -> ()
    %mul3A_2 = arith.constant 640 : i32
    %mul3A_3 = arith.muli %arg1, %mul3A_2 : i32
    "tpu.region"() ({
      %run_scoped3A_50 = tpu.sem_alloc : memref<!tpu.dma_semaphore, #tpu.memory_space<semaphore_mem>>
      %dma_start3A_51 = arith.constant 0 : i32
      %dma_start3A_52 = tpu.memref_slice %arg16[%mul3A_3, %dma_start3A_51] : memref<10240x32xf32, #tpu.memory_space<vmem_shared>> -> memref<640x32xf32, #tpu.memory_space<vmem_shared>>
      tpu.enqueue_dma source(%arg4 : memref<640x32xf32, #tpu.memory_space<hbm>>) target(%dma_start3A_52 : memref<640x32xf32, #tpu.memory_space<vmem_shared>>) target_semaphore(%run_scoped3A_50 : memref<!tpu.dma_semaphore, #tpu.memory_space<semaphore_mem>>)
      %dma_wait3A_53 = arith.constant 0 : i32
      %dma_wait3A_54 = tpu.memref_slice %arg16[%mul3A_3, %dma_wait3A_53] : memref<10240x32xf32, #tpu.memory_space<vmem_shared>> -> memref<640x32xf32, #tpu.memory_space<vmem_shared>>
      tpu.wait_dma2 semaphore(%run_scoped3A_50 : memref<!tpu.dma_semaphore, #tpu.memory_space<semaphore_mem>>) src(%arg4 : memref<640x32xf32, #tpu.memory_space<hbm>>) dst(%dma_wait3A_54 : memref<640x32xf32, #tpu.memory_space<vmem_shared>>)
      tpu.yield
    }) : () -> ()
    %barrier3A = arith.constant 0 : index
    tpu.barrier barrier_id(%barrier3A)
    %dma_start3A = arith.constant 0 : i32
    %dma_start3A_4 = arith.constant 0 : i32
    %dma_start3A_5 = tpu.memref_slice %arg6[%dma_start3A, %dma_start3A_4] : memref<125x80xi32, #tpu.memory_space<vmem>> -> memref<1x80xi32, #tpu.memory_space<vmem>>
    %dma_start3A_6 = tpu.memref_squeeze %dma_start3A_5 : memref<1x80xi32, #tpu.memory_space<vmem>> -> memref<80xi32, #tpu.memory_space<vmem>>
    %dma_start3A_7 = arith.constant 0 : i32
    %dma_start3A_8 = arith.constant 0 : i32
    %dma_start3A_9 = tpu.memref_slice %arg2[%dma_start3A_7, %dma_start3A_8] : memref<10000x32xf32, #tpu.memory_space<hbm>> -> memref<10000x32xf32, #tpu.memory_space<hbm>>
    tpu.enqueue_indirect_dma source(%dma_start3A_9 : memref<10000x32xf32, #tpu.memory_space<hbm>>) target(%arg8 : memref<80x32xf32, #tpu.memory_space<vmem>>) offsets(%dma_start3A_6 : memref<80xi32, #tpu.memory_space<vmem>>) semaphore(%arg12 : memref<!tpu.dma_semaphore, #tpu.memory_space<semaphore_mem>>)
    %dma_start3A_10 = arith.constant 1 : i32
    %dma_start3A_11 = arith.constant 0 : i32
    %dma_start3A_12 = tpu.memref_slice %arg6[%dma_start3A_10, %dma_start3A_11] : memref<125x80xi32, #tpu.memory_space<vmem>> -> memref<1x80xi32, #tpu.memory_space<vmem>>
    %dma_start3A_13 = tpu.memref_squeeze %dma_start3A_12 : memref<1x80xi32, #tpu.memory_space<vmem>> -> memref<80xi32, #tpu.memory_space<vmem>>
    %dma_start3A_14 = arith.constant 0 : i32
    %dma_start3A_15 = arith.constant 0 : i32
    %dma_start3A_16 = tpu.memref_slice %arg2[%dma_start3A_14, %dma_start3A_15] : memref<10000x32xf32, #tpu.memory_space<hbm>> -> memref<10000x32xf32, #tpu.memory_space<hbm>>
    tpu.enqueue_indirect_dma source(%dma_start3A_16 : memref<10000x32xf32, #tpu.memory_space<hbm>>) target(%arg9 : memref<80x32xf32, #tpu.memory_space<vmem>>) offsets(%dma_start3A_13 : memref<80xi32, #tpu.memory_space<vmem>>) semaphore(%arg13 : memref<!tpu.dma_semaphore, #tpu.memory_space<semaphore_mem>>)
    %dma_start3A_17 = arith.constant 2 : i32
    %dma_start3A_18 = arith.constant 0 : i32
    %dma_start3A_19 = tpu.memref_slice %arg6[%dma_start3A_17, %dma_start3A_18] : memref<125x80xi32, #tpu.memory_space<vmem>> -> memref<1x80xi32, #tpu.memory_space<vmem>>
    %dma_start3A_20 = tpu.memref_squeeze %dma_start3A_19 : memref<1x80xi32, #tpu.memory_space<vmem>> -> memref<80xi32, #tpu.memory_space<vmem>>
    %dma_start3A_21 = arith.constant 0 : i32
    %dma_start3A_22 = arith.constant 0 : i32
    %dma_start3A_23 = tpu.memref_slice %arg2[%dma_start3A_21, %dma_start3A_22] : memref<10000x32xf32, #tpu.memory_space<hbm>> -> memref<10000x32xf32, #tpu.memory_space<hbm>>
    tpu.enqueue_indirect_dma source(%dma_start3A_23 : memref<10000x32xf32, #tpu.memory_space<hbm>>) target(%arg10 : memref<80x32xf32, #tpu.memory_space<vmem>>) offsets(%dma_start3A_20 : memref<80xi32, #tpu.memory_space<vmem>>) semaphore(%arg14 : memref<!tpu.dma_semaphore, #tpu.memory_space<semaphore_mem>>)
    %dma_start3A_24 = arith.constant 3 : i32
    %dma_start3A_25 = arith.constant 0 : i32
    %dma_start3A_26 = tpu.memref_slice %arg6[%dma_start3A_24, %dma_start3A_25] : memref<125x80xi32, #tpu.memory_space<vmem>> -> memref<1x80xi32, #tpu.memory_space<vmem>>
    %dma_start3A_27 = tpu.memref_squeeze %dma_start3A_26 : memref<1x80xi32, #tpu.memory_space<vmem>> -> memref<80xi32, #tpu.memory_space<vmem>>
    %dma_start3A_28 = arith.constant 0 : i32
    %dma_start3A_29 = arith.constant 0 : i32
    %dma_start3A_30 = tpu.memref_slice %arg2[%dma_start3A_28, %dma_start3A_29] : memref<10000x32xf32, #tpu.memory_space<hbm>> -> memref<10000x32xf32, #tpu.memory_space<hbm>>
    tpu.enqueue_indirect_dma source(%dma_start3A_30 : memref<10000x32xf32, #tpu.memory_space<hbm>>) target(%arg11 : memref<80x32xf32, #tpu.memory_space<vmem>>) offsets(%dma_start3A_27 : memref<80xi32, #tpu.memory_space<vmem>>) semaphore(%arg15 : memref<!tpu.dma_semaphore, #tpu.memory_space<semaphore_mem>>)
    %scan3A = arith.constant 0 : i32
    %scan3A_31 = arith.constant 0 : i32
    %scan3A_32 = arith.constant 31 : i32
    %scan3A_33 = arith.addi %scan3A_31, %scan3A_32 : i32
    %scan3A_34 = arith.constant 1 : i32
    scf.for %scan3A_50 = %scan3A_31 to %scan3A_33 step %scan3A_34  : i32 {
      %mul3A_51 = arith.constant 4 : i32
      %mul3A_52 = arith.muli %mul3A_51, %scan3A_50 : i32
      %add3A_53 = arith.constant 0 : i32
      %add3A_54 = arith.addi %mul3A_52, %add3A_53 : i32
      %dma_wait3A_55 = arith.constant 0 : i32
      %dma_wait3A_56 = tpu.memref_slice %arg6[%add3A_54, %dma_wait3A_55] : memref<125x80xi32, #tpu.memory_space<vmem>> -> memref<1x80xi32, #tpu.memory_space<vmem>>
      %dma_wait3A_57 = tpu.memref_squeeze %dma_wait3A_56 : memref<1x80xi32, #tpu.memory_space<vmem>> -> memref<80xi32, #tpu.memory_space<vmem>>
      %dma_wait3A_58 = arith.constant 0 : i32
      %dma_wait3A_59 = arith.constant 0 : i32
      %dma_wait3A_60 = tpu.memref_slice %arg2[%dma_wait3A_58, %dma_wait3A_59] : memref<10000x32xf32, #tpu.memory_space<hbm>> -> memref<10000x32xf32, #tpu.memory_space<hbm>>
      tpu.wait_indirect_dma semaphore(%arg12 : memref<!tpu.dma_semaphore, #tpu.memory_space<semaphore_mem>>) src(%dma_wait3A_60 : memref<10000x32xf32, #tpu.memory_space<hbm>>) dst(%arg8 : memref<80x32xf32, #tpu.memory_space<vmem>>)
      "tpu.region"() ({
        %run_scoped3A_116 = tpu.sem_alloc : memref<!tpu.dma_semaphore, #tpu.memory_space<semaphore_mem>>
        %dma_start3A_117 = arith.constant 0 : i32
        %dma_start3A_118 = tpu.memref_slice %arg7[%add3A_54, %dma_start3A_117] : memref<125x80xi32, #tpu.memory_space<vmem>> -> memref<1x80xi32, #tpu.memory_space<vmem>>
        %dma_start3A_119 = tpu.memref_squeeze %dma_start3A_118 : memref<1x80xi32, #tpu.memory_space<vmem>> -> memref<80xi32, #tpu.memory_space<vmem>>
        %dma_start3A_120 = arith.constant 0 : i32
        %dma_start3A_121 = arith.constant 0 : i32
        %dma_start3A_122 = tpu.memref_slice %arg16[%dma_start3A_120, %dma_start3A_121] : memref<10240x32xf32, #tpu.memory_space<vmem_shared>> -> memref<10240x32xf32, #tpu.memory_space<vmem_shared>>
        tpu.enqueue_indirect_dma source(%arg8 : memref<80x32xf32, #tpu.memory_space<vmem>>) target(%dma_start3A_122 : memref<10240x32xf32, #tpu.memory_space<vmem_shared>>) offsets(%dma_start3A_119 : memref<80xi32, #tpu.memory_space<vmem>>) semaphore(%run_scoped3A_116 : memref<!tpu.dma_semaphore, #tpu.memory_space<semaphore_mem>>) {add = true}
        %dma_wait3A_123 = arith.constant 0 : i32
        %dma_wait3A_124 = tpu.memref_slice %arg7[%add3A_54, %dma_wait3A_123] : memref<125x80xi32, #tpu.memory_space<vmem>> -> memref<1x80xi32, #tpu.memory_space<vmem>>
        %dma_wait3A_125 = tpu.memref_squeeze %dma_wait3A_124 : memref<1x80xi32, #tpu.memory_space<vmem>> -> memref<80xi32, #tpu.memory_space<vmem>>
        %dma_wait3A_126 = arith.constant 0 : i32
        %dma_wait3A_127 = arith.constant 0 : i32
        %dma_wait3A_128 = tpu.memref_slice %arg16[%dma_wait3A_126, %dma_wait3A_127] : memref<10240x32xf32, #tpu.memory_space<vmem_shared>> -> memref<10240x32xf32, #tpu.memory_space<vmem_shared>>
        tpu.wait_indirect_dma semaphore(%run_scoped3A_116 : memref<!tpu.dma_semaphore, #tpu.memory_space<semaphore_mem>>) src(%arg8 : memref<80x32xf32, #tpu.memory_space<vmem>>) dst(%dma_wait3A_128 : memref<10240x32xf32, #tpu.memory_space<vmem_shared>>)
        tpu.yield
      }) : () -> ()
      %add3A_61 = arith.constant 4 : i32
      %add3A_62 = arith.addi %add3A_54, %add3A_61 : i32
      %lt3A = arith.constant 125 : i32
      %lt3A_63 = arith.cmpi slt, %add3A_62, %lt3A : i32
      %convert_element_type3A = arith.extui %lt3A_63 : i1 to i32
      %cond3A = arith.constant 0 : i32
      %cond3A_64 = arith.cmpi ne, %convert_element_type3A, %cond3A : i32
      scf.if %cond3A_64 {
        %add3A_116 = arith.constant 4 : i32
        %add3A_117 = arith.addi %add3A_54, %add3A_116 : i32
        %dma_start3A_118 = arith.constant 0 : i32
        %dma_start3A_119 = tpu.memref_slice %arg6[%add3A_117, %dma_start3A_118] : memref<125x80xi32, #tpu.memory_space<vmem>> -> memref<1x80xi32, #tpu.memory_space<vmem>>
        %dma_start3A_120 = tpu.memref_squeeze %dma_start3A_119 : memref<1x80xi32, #tpu.memory_space<vmem>> -> memref<80xi32, #tpu.memory_space<vmem>>
        %dma_start3A_121 = arith.constant 0 : i32
        %dma_start3A_122 = arith.constant 0 : i32
        %dma_start3A_123 = tpu.memref_slice %arg2[%dma_start3A_121, %dma_start3A_122] : memref<10000x32xf32, #tpu.memory_space<hbm>> -> memref<10000x32xf32, #tpu.memory_space<hbm>>
        tpu.enqueue_indirect_dma source(%dma_start3A_123 : memref<10000x32xf32, #tpu.memory_space<hbm>>) target(%arg8 : memref<80x32xf32, #tpu.memory_space<vmem>>) offsets(%dma_start3A_120 : memref<80xi32, #tpu.memory_space<vmem>>) semaphore(%arg12 : memref<!tpu.dma_semaphore, #tpu.memory_space<semaphore_mem>>)
      } else {
      }
      %mul3A_65 = arith.constant 4 : i32
      %mul3A_66 = arith.muli %mul3A_65, %scan3A_50 : i32
      %add3A_67 = arith.constant 1 : i32
      %add3A_68 = arith.addi %mul3A_66, %add3A_67 : i32
      %dma_wait3A_69 = arith.constant 0 : i32
      %dma_wait3A_70 = tpu.memref_slice %arg6[%add3A_68, %dma_wait3A_69] : memref<125x80xi32, #tpu.memory_space<vmem>> -> memref<1x80xi32, #tpu.memory_space<vmem>>
      %dma_wait3A_71 = tpu.memref_squeeze %dma_wait3A_70 : memref<1x80xi32, #tpu.memory_space<vmem>> -> memref<80xi32, #tpu.memory_space<vmem>>
      %dma_wait3A_72 = arith.constant 0 : i32
      %dma_wait3A_73 = arith.constant 0 : i32
      %dma_wait3A_74 = tpu.memref_slice %arg2[%dma_wait3A_72, %dma_wait3A_73] : memref<10000x32xf32, #tpu.memory_space<hbm>> -> memref<10000x32xf32, #tpu.memory_space<hbm>>
      tpu.wait_indirect_dma semaphore(%arg13 : memref<!tpu.dma_semaphore, #tpu.memory_space<semaphore_mem>>) src(%dma_wait3A_74 : memref<10000x32xf32, #tpu.memory_space<hbm>>) dst(%arg9 : memref<80x32xf32, #tpu.memory_space<vmem>>)
      "tpu.region"() ({
        %run_scoped3A_116 = tpu.sem_alloc : memref<!tpu.dma_semaphore, #tpu.memory_space<semaphore_mem>>
        %dma_start3A_117 = arith.constant 0 : i32
        %dma_start3A_118 = tpu.memref_slice %arg7[%add3A_68, %dma_start3A_117] : memref<125x80xi32, #tpu.memory_space<vmem>> -> memref<1x80xi32, #tpu.memory_space<vmem>>
        %dma_start3A_119 = tpu.memref_squeeze %dma_start3A_118 : memref<1x80xi32, #tpu.memory_space<vmem>> -> memref<80xi32, #tpu.memory_space<vmem>>
        %dma_start3A_120 = arith.constant 0 : i32
        %dma_start3A_121 = arith.constant 0 : i32
        %dma_start3A_122 = tpu.memref_slice %arg16[%dma_start3A_120, %dma_start3A_121] : memref<10240x32xf32, #tpu.memory_space<vmem_shared>> -> memref<10240x32xf32, #tpu.memory_space<vmem_shared>>
        tpu.enqueue_indirect_dma source(%arg9 : memref<80x32xf32, #tpu.memory_space<vmem>>) target(%dma_start3A_122 : memref<10240x32xf32, #tpu.memory_space<vmem_shared>>) offsets(%dma_start3A_119 : memref<80xi32, #tpu.memory_space<vmem>>) semaphore(%run_scoped3A_116 : memref<!tpu.dma_semaphore, #tpu.memory_space<semaphore_mem>>) {add = true}
        %dma_wait3A_123 = arith.constant 0 : i32
        %dma_wait3A_124 = tpu.memref_slice %arg7[%add3A_68, %dma_wait3A_123] : memref<125x80xi32, #tpu.memory_space<vmem>> -> memref<1x80xi32, #tpu.memory_space<vmem>>
        %dma_wait3A_125 = tpu.memref_squeeze %dma_wait3A_124 : memref<1x80xi32, #tpu.memory_space<vmem>> -> memref<80xi32, #tpu.memory_space<vmem>>
        %dma_wait3A_126 = arith.constant 0 : i32
        %dma_wait3A_127 = arith.constant 0 : i32
        %dma_wait3A_128 = tpu.memref_slice %arg16[%dma_wait3A_126, %dma_wait3A_127] : memref<10240x32xf32, #tpu.memory_space<vmem_shared>> -> memref<10240x32xf32, #tpu.memory_space<vmem_shared>>
        tpu.wait_indirect_dma semaphore(%run_scoped3A_116 : memref<!tpu.dma_semaphore, #tpu.memory_space<semaphore_mem>>) src(%arg9 : memref<80x32xf32, #tpu.memory_space<vmem>>) dst(%dma_wait3A_128 : memref<10240x32xf32, #tpu.memory_space<vmem_shared>>)
        tpu.yield
      }) : () -> ()
      %add3A_75 = arith.constant 4 : i32
      %add3A_76 = arith.addi %add3A_68, %add3A_75 : i32
      %lt3A_77 = arith.constant 125 : i32
      %lt3A_78 = arith.cmpi slt, %add3A_76, %lt3A_77 : i32
      %convert_element_type3A_79 = arith.extui %lt3A_78 : i1 to i32
      %cond3A_80 = arith.constant 0 : i32
      %cond3A_81 = arith.cmpi ne, %convert_element_type3A_79, %cond3A_80 : i32
      scf.if %cond3A_81 {
        %add3A_116 = arith.constant 4 : i32
        %add3A_117 = arith.addi %add3A_68, %add3A_116 : i32
        %dma_start3A_118 = arith.constant 0 : i32
        %dma_start3A_119 = tpu.memref_slice %arg6[%add3A_117, %dma_start3A_118] : memref<125x80xi32, #tpu.memory_space<vmem>> -> memref<1x80xi32, #tpu.memory_space<vmem>>
        %dma_start3A_120 = tpu.memref_squeeze %dma_start3A_119 : memref<1x80xi32, #tpu.memory_space<vmem>> -> memref<80xi32, #tpu.memory_space<vmem>>
        %dma_start3A_121 = arith.constant 0 : i32
        %dma_start3A_122 = arith.constant 0 : i32
        %dma_start3A_123 = tpu.memref_slice %arg2[%dma_start3A_121, %dma_start3A_122] : memref<10000x32xf32, #tpu.memory_space<hbm>> -> memref<10000x32xf32, #tpu.memory_space<hbm>>
        tpu.enqueue_indirect_dma source(%dma_start3A_123 : memref<10000x32xf32, #tpu.memory_space<hbm>>) target(%arg9 : memref<80x32xf32, #tpu.memory_space<vmem>>) offsets(%dma_start3A_120 : memref<80xi32, #tpu.memory_space<vmem>>) semaphore(%arg13 : memref<!tpu.dma_semaphore, #tpu.memory_space<semaphore_mem>>)
      } else {
      }
      %mul3A_82 = arith.constant 4 : i32
      %mul3A_83 = arith.muli %mul3A_82, %scan3A_50 : i32
      %add3A_84 = arith.constant 2 : i32
      %add3A_85 = arith.addi %mul3A_83, %add3A_84 : i32
      %dma_wait3A_86 = arith.constant 0 : i32
      %dma_wait3A_87 = tpu.memref_slice %arg6[%add3A_85, %dma_wait3A_86] : memref<125x80xi32, #tpu.memory_space<vmem>> -> memref<1x80xi32, #tpu.memory_space<vmem>>
      %dma_wait3A_88 = tpu.memref_squeeze %dma_wait3A_87 : memref<1x80xi32, #tpu.memory_space<vmem>> -> memref<80xi32, #tpu.memory_space<vmem>>
      %dma_wait3A_89 = arith.constant 0 : i32
      %dma_wait3A_90 = arith.constant 0 : i32
      %dma_wait3A_91 = tpu.memref_slice %arg2[%dma_wait3A_89, %dma_wait3A_90] : memref<10000x32xf32, #tpu.memory_space<hbm>> -> memref<10000x32xf32, #tpu.memory_space<hbm>>
      tpu.wait_indirect_dma semaphore(%arg14 : memref<!tpu.dma_semaphore, #tpu.memory_space<semaphore_mem>>) src(%dma_wait3A_91 : memref<10000x32xf32, #tpu.memory_space<hbm>>) dst(%arg10 : memref<80x32xf32, #tpu.memory_space<vmem>>)
      "tpu.region"() ({
        %run_scoped3A_116 = tpu.sem_alloc : memref<!tpu.dma_semaphore, #tpu.memory_space<semaphore_mem>>
        %dma_start3A_117 = arith.constant 0 : i32
        %dma_start3A_118 = tpu.memref_slice %arg7[%add3A_85, %dma_start3A_117] : memref<125x80xi32, #tpu.memory_space<vmem>> -> memref<1x80xi32, #tpu.memory_space<vmem>>
        %dma_start3A_119 = tpu.memref_squeeze %dma_start3A_118 : memref<1x80xi32, #tpu.memory_space<vmem>> -> memref<80xi32, #tpu.memory_space<vmem>>
        %dma_start3A_120 = arith.constant 0 : i32
        %dma_start3A_121 = arith.constant 0 : i32
        %dma_start3A_122 = tpu.memref_slice %arg16[%dma_start3A_120, %dma_start3A_121] : memref<10240x32xf32, #tpu.memory_space<vmem_shared>> -> memref<10240x32xf32, #tpu.memory_space<vmem_shared>>
        tpu.enqueue_indirect_dma source(%arg10 : memref<80x32xf32, #tpu.memory_space<vmem>>) target(%dma_start3A_122 : memref<10240x32xf32, #tpu.memory_space<vmem_shared>>) offsets(%dma_start3A_119 : memref<80xi32, #tpu.memory_space<vmem>>) semaphore(%run_scoped3A_116 : memref<!tpu.dma_semaphore, #tpu.memory_space<semaphore_mem>>) {add = true}
        %dma_wait3A_123 = arith.constant 0 : i32
        %dma_wait3A_124 = tpu.memref_slice %arg7[%add3A_85, %dma_wait3A_123] : memref<125x80xi32, #tpu.memory_space<vmem>> -> memref<1x80xi32, #tpu.memory_space<vmem>>
        %dma_wait3A_125 = tpu.memref_squeeze %dma_wait3A_124 : memref<1x80xi32, #tpu.memory_space<vmem>> -> memref<80xi32, #tpu.memory_space<vmem>>
        %dma_wait3A_126 = arith.constant 0 : i32
        %dma_wait3A_127 = arith.constant 0 : i32
        %dma_wait3A_128 = tpu.memref_slice %arg16[%dma_wait3A_126, %dma_wait3A_127] : memref<10240x32xf32, #tpu.memory_space<vmem_shared>> -> memref<10240x32xf32, #tpu.memory_space<vmem_shared>>
        tpu.wait_indirect_dma semaphore(%run_scoped3A_116 : memref<!tpu.dma_semaphore, #tpu.memory_space<semaphore_mem>>) src(%arg10 : memref<80x32xf32, #tpu.memory_space<vmem>>) dst(%dma_wait3A_128 : memref<10240x32xf32, #tpu.memory_space<vmem_shared>>)
        tpu.yield
      }) : () -> ()
      %add3A_92 = arith.constant 4 : i32
      %add3A_93 = arith.addi %add3A_85, %add3A_92 : i32
      %lt3A_94 = arith.constant 125 : i32
      %lt3A_95 = arith.cmpi slt, %add3A_93, %lt3A_94 : i32
      %convert_element_type3A_96 = arith.extui %lt3A_95 : i1 to i32
      %cond3A_97 = arith.constant 0 : i32
      %cond3A_98 = arith.cmpi ne, %convert_element_type3A_96, %cond3A_97 : i32
      scf.if %cond3A_98 {
        %add3A_116 = arith.constant 4 : i32
        %add3A_117 = arith.addi %add3A_85, %add3A_116 : i32
        %dma_start3A_118 = arith.constant 0 : i32
        %dma_start3A_119 = tpu.memref_slice %arg6[%add3A_117, %dma_start3A_118] : memref<125x80xi32, #tpu.memory_space<vmem>> -> memref<1x80xi32, #tpu.memory_space<vmem>>
        %dma_start3A_120 = tpu.memref_squeeze %dma_start3A_119 : memref<1x80xi32, #tpu.memory_space<vmem>> -> memref<80xi32, #tpu.memory_space<vmem>>
        %dma_start3A_121 = arith.constant 0 : i32
        %dma_start3A_122 = arith.constant 0 : i32
        %dma_start3A_123 = tpu.memref_slice %arg2[%dma_start3A_121, %dma_start3A_122] : memref<10000x32xf32, #tpu.memory_space<hbm>> -> memref<10000x32xf32, #tpu.memory_space<hbm>>
        tpu.enqueue_indirect_dma source(%dma_start3A_123 : memref<10000x32xf32, #tpu.memory_space<hbm>>) target(%arg10 : memref<80x32xf32, #tpu.memory_space<vmem>>) offsets(%dma_start3A_120 : memref<80xi32, #tpu.memory_space<vmem>>) semaphore(%arg14 : memref<!tpu.dma_semaphore, #tpu.memory_space<semaphore_mem>>)
      } else {
      }
      %mul3A_99 = arith.constant 4 : i32
      %mul3A_100 = arith.muli %mul3A_99, %scan3A_50 : i32
      %add3A_101 = arith.constant 3 : i32
      %add3A_102 = arith.addi %mul3A_100, %add3A_101 : i32
      %dma_wait3A_103 = arith.constant 0 : i32
      %dma_wait3A_104 = tpu.memref_slice %arg6[%add3A_102, %dma_wait3A_103] : memref<125x80xi32, #tpu.memory_space<vmem>> -> memref<1x80xi32, #tpu.memory_space<vmem>>
      %dma_wait3A_105 = tpu.memref_squeeze %dma_wait3A_104 : memref<1x80xi32, #tpu.memory_space<vmem>> -> memref<80xi32, #tpu.memory_space<vmem>>
      %dma_wait3A_106 = arith.constant 0 : i32
      %dma_wait3A_107 = arith.constant 0 : i32
      %dma_wait3A_108 = tpu.memref_slice %arg2[%dma_wait3A_106, %dma_wait3A_107] : memref<10000x32xf32, #tpu.memory_space<hbm>> -> memref<10000x32xf32, #tpu.memory_space<hbm>>
      tpu.wait_indirect_dma semaphore(%arg15 : memref<!tpu.dma_semaphore, #tpu.memory_space<semaphore_mem>>) src(%dma_wait3A_108 : memref<10000x32xf32, #tpu.memory_space<hbm>>) dst(%arg11 : memref<80x32xf32, #tpu.memory_space<vmem>>)
      "tpu.region"() ({
        %run_scoped3A_116 = tpu.sem_alloc : memref<!tpu.dma_semaphore, #tpu.memory_space<semaphore_mem>>
        %dma_start3A_117 = arith.constant 0 : i32
        %dma_start3A_118 = tpu.memref_slice %arg7[%add3A_102, %dma_start3A_117] : memref<125x80xi32, #tpu.memory_space<vmem>> -> memref<1x80xi32, #tpu.memory_space<vmem>>
        %dma_start3A_119 = tpu.memref_squeeze %dma_start3A_118 : memref<1x80xi32, #tpu.memory_space<vmem>> -> memref<80xi32, #tpu.memory_space<vmem>>
        %dma_start3A_120 = arith.constant 0 : i32
        %dma_start3A_121 = arith.constant 0 : i32
        %dma_start3A_122 = tpu.memref_slice %arg16[%dma_start3A_120, %dma_start3A_121] : memref<10240x32xf32, #tpu.memory_space<vmem_shared>> -> memref<10240x32xf32, #tpu.memory_space<vmem_shared>>
        tpu.enqueue_indirect_dma source(%arg11 : memref<80x32xf32, #tpu.memory_space<vmem>>) target(%dma_start3A_122 : memref<10240x32xf32, #tpu.memory_space<vmem_shared>>) offsets(%dma_start3A_119 : memref<80xi32, #tpu.memory_space<vmem>>) semaphore(%run_scoped3A_116 : memref<!tpu.dma_semaphore, #tpu.memory_space<semaphore_mem>>) {add = true}
        %dma_wait3A_123 = arith.constant 0 : i32
        %dma_wait3A_124 = tpu.memref_slice %arg7[%add3A_102, %dma_wait3A_123] : memref<125x80xi32, #tpu.memory_space<vmem>> -> memref<1x80xi32, #tpu.memory_space<vmem>>
        %dma_wait3A_125 = tpu.memref_squeeze %dma_wait3A_124 : memref<1x80xi32, #tpu.memory_space<vmem>> -> memref<80xi32, #tpu.memory_space<vmem>>
        %dma_wait3A_126 = arith.constant 0 : i32
        %dma_wait3A_127 = arith.constant 0 : i32
        %dma_wait3A_128 = tpu.memref_slice %arg16[%dma_wait3A_126, %dma_wait3A_127] : memref<10240x32xf32, #tpu.memory_space<vmem_shared>> -> memref<10240x32xf32, #tpu.memory_space<vmem_shared>>
        tpu.wait_indirect_dma semaphore(%run_scoped3A_116 : memref<!tpu.dma_semaphore, #tpu.memory_space<semaphore_mem>>) src(%arg11 : memref<80x32xf32, #tpu.memory_space<vmem>>) dst(%dma_wait3A_128 : memref<10240x32xf32, #tpu.memory_space<vmem_shared>>)
        tpu.yield
      }) : () -> ()
      %add3A_109 = arith.constant 4 : i32
      %add3A_110 = arith.addi %add3A_102, %add3A_109 : i32
      %lt3A_111 = arith.constant 125 : i32
      %lt3A_112 = arith.cmpi slt, %add3A_110, %lt3A_111 : i32
      %convert_element_type3A_113 = arith.extui %lt3A_112 : i1 to i32
      %cond3A_114 = arith.constant 0 : i32
      %cond3A_115 = arith.cmpi ne, %convert_element_type3A_113, %cond3A_114 : i32
      scf.if %cond3A_115 {
        %add3A_116 = arith.constant 4 : i32
        %add3A_117 = arith.addi %add3A_102, %add3A_116 : i32
        %dma_start3A_118 = arith.constant 0 : i32
        %dma_start3A_119 = tpu.memref_slice %arg6[%add3A_117, %dma_start3A_118] : memref<125x80xi32, #tpu.memory_space<vmem>> -> memref<1x80xi32, #tpu.memory_space<vmem>>
        %dma_start3A_120 = tpu.memref_squeeze %dma_start3A_119 : memref<1x80xi32, #tpu.memory_space<vmem>> -> memref<80xi32, #tpu.memory_space<vmem>>
        %dma_start3A_121 = arith.constant 0 : i32
        %dma_start3A_122 = arith.constant 0 : i32
        %dma_start3A_123 = tpu.memref_slice %arg2[%dma_start3A_121, %dma_start3A_122] : memref<10000x32xf32, #tpu.memory_space<hbm>> -> memref<10000x32xf32, #tpu.memory_space<hbm>>
        tpu.enqueue_indirect_dma source(%dma_start3A_123 : memref<10000x32xf32, #tpu.memory_space<hbm>>) target(%arg11 : memref<80x32xf32, #tpu.memory_space<vmem>>) offsets(%dma_start3A_120 : memref<80xi32, #tpu.memory_space<vmem>>) semaphore(%arg15 : memref<!tpu.dma_semaphore, #tpu.memory_space<semaphore_mem>>)
      } else {
      }
    }
    %scan3A_35 = arith.constant 31 : i32
    %dma_wait3A = arith.constant 124 : i32
    %dma_wait3A_36 = arith.constant 0 : i32
    %dma_wait3A_37 = tpu.memref_slice %arg6[%dma_wait3A, %dma_wait3A_36] : memref<125x80xi32, #tpu.memory_space<vmem>> -> memref<1x80xi32, #tpu.memory_space<vmem>>
    %dma_wait3A_38 = tpu.memref_squeeze %dma_wait3A_37 : memref<1x80xi32, #tpu.memory_space<vmem>> -> memref<80xi32, #tpu.memory_space<vmem>>
    %dma_wait3A_39 = arith.constant 0 : i32
    %dma_wait3A_40 = arith.constant 0 : i32
    %dma_wait3A_41 = tpu.memref_slice %arg2[%dma_wait3A_39, %dma_wait3A_40] : memref<10000x32xf32, #tpu.memory_space<hbm>> -> memref<10000x32xf32, #tpu.memory_space<hbm>>
    tpu.wait_indirect_dma semaphore(%arg12 : memref<!tpu.dma_semaphore, #tpu.memory_space<semaphore_mem>>) src(%dma_wait3A_41 : memref<10000x32xf32, #tpu.memory_space<hbm>>) dst(%arg8 : memref<80x32xf32, #tpu.memory_space<vmem>>)
    %run_scoped3A_42 = arith.constant 124 : i32
    "tpu.region"() ({
      %run_scoped3A_50 = tpu.sem_alloc : memref<!tpu.dma_semaphore, #tpu.memory_space<semaphore_mem>>
      %dma_start3A_51 = arith.constant 0 : i32
      %dma_start3A_52 = tpu.memref_slice %arg7[%run_scoped3A_42, %dma_start3A_51] : memref<125x80xi32, #tpu.memory_space<vmem>> -> memref<1x80xi32, #tpu.memory_space<vmem>>
      %dma_start3A_53 = tpu.memref_squeeze %dma_start3A_52 : memref<1x80xi32, #tpu.memory_space<vmem>> -> memref<80xi32, #tpu.memory_space<vmem>>
      %dma_start3A_54 = arith.constant 0 : i32
      %dma_start3A_55 = arith.constant 0 : i32
      %dma_start3A_56 = tpu.memref_slice %arg16[%dma_start3A_54, %dma_start3A_55] : memref<10240x32xf32, #tpu.memory_space<vmem_shared>> -> memref<10240x32xf32, #tpu.memory_space<vmem_shared>>
      tpu.enqueue_indirect_dma source(%arg8 : memref<80x32xf32, #tpu.memory_space<vmem>>) target(%dma_start3A_56 : memref<10240x32xf32, #tpu.memory_space<vmem_shared>>) offsets(%dma_start3A_53 : memref<80xi32, #tpu.memory_space<vmem>>) semaphore(%run_scoped3A_50 : memref<!tpu.dma_semaphore, #tpu.memory_space<semaphore_mem>>) {add = true}
      %dma_wait3A_57 = arith.constant 0 : i32
      %dma_wait3A_58 = tpu.memref_slice %arg7[%run_scoped3A_42, %dma_wait3A_57] : memref<125x80xi32, #tpu.memory_space<vmem>> -> memref<1x80xi32, #tpu.memory_space<vmem>>
      %dma_wait3A_59 = tpu.memref_squeeze %dma_wait3A_58 : memref<1x80xi32, #tpu.memory_space<vmem>> -> memref<80xi32, #tpu.memory_space<vmem>>
      %dma_wait3A_60 = arith.constant 0 : i32
      %dma_wait3A_61 = arith.constant 0 : i32
      %dma_wait3A_62 = tpu.memref_slice %arg16[%dma_wait3A_60, %dma_wait3A_61] : memref<10240x32xf32, #tpu.memory_space<vmem_shared>> -> memref<10240x32xf32, #tpu.memory_space<vmem_shared>>
      tpu.wait_indirect_dma semaphore(%run_scoped3A_50 : memref<!tpu.dma_semaphore, #tpu.memory_space<semaphore_mem>>) src(%arg8 : memref<80x32xf32, #tpu.memory_space<vmem>>) dst(%dma_wait3A_62 : memref<10240x32xf32, #tpu.memory_space<vmem_shared>>)
      tpu.yield
    }) : () -> ()
    %barrier3A_43 = arith.constant 0 : index
    tpu.barrier barrier_id(%barrier3A_43)
    %mul3A_44 = arith.constant 640 : i32
    %mul3A_45 = arith.muli %arg1, %mul3A_44 : i32
    %mul3A_46 = arith.constant 640 : i32
    %mul3A_47 = arith.muli %arg1, %mul3A_46 : i32
    %mul3A_48 = arith.constant 32 : i32
    %mul3A_49 = arith.muli %arg0, %mul3A_48 : i32
    "tpu.region"() ({
      %run_scoped3A_50 = tpu.sem_alloc : memref<!tpu.dma_semaphore, #tpu.memory_space<semaphore_mem>>
      %dma_start3A_51 = tpu.memref_slice %arg5[%mul3A_47, %mul3A_49] : memref<10240x64xf32, #tpu.memory_space<hbm>> -> memref<640x32xf32, #tpu.memory_space<hbm>>
      %dma_start3A_52 = arith.constant 0 : i32
      %dma_start3A_53 = tpu.memref_slice %arg16[%mul3A_45, %dma_start3A_52] : memref<10240x32xf32, #tpu.memory_space<vmem_shared>> -> memref<640x32xf32, #tpu.memory_space<vmem_shared>>
      tpu.enqueue_dma source(%dma_start3A_53 : memref<640x32xf32, #tpu.memory_space<vmem_shared>>) target(%dma_start3A_51 : memref<640x32xf32, #tpu.memory_space<hbm>>) target_semaphore(%run_scoped3A_50 : memref<!tpu.dma_semaphore, #tpu.memory_space<semaphore_mem>>)
      %dma_wait3A_54 = tpu.memref_slice %arg5[%mul3A_47, %mul3A_49] : memref<10240x64xf32, #tpu.memory_space<hbm>> -> memref<640x32xf32, #tpu.memory_space<hbm>>
      %dma_wait3A_55 = arith.constant 0 : i32
      %dma_wait3A_56 = tpu.memref_slice %arg16[%mul3A_45, %dma_wait3A_55] : memref<10240x32xf32, #tpu.memory_space<vmem_shared>> -> memref<640x32xf32, #tpu.memory_space<vmem_shared>>
      tpu.wait_dma2 semaphore(%run_scoped3A_50 : memref<!tpu.dma_semaphore, #tpu.memory_space<semaphore_mem>>) src(%dma_wait3A_56 : memref<640x32xf32, #tpu.memory_space<vmem_shared>>) dst(%dma_wait3A_54 : memref<640x32xf32, #tpu.memory_space<hbm>>)
      tpu.yield
    }) : () -> ()
    return
  }
}

module attributes {stable_mosaic.version = 14 : i64} {
  func.func @_enc_body(%arg0: i32, %arg1: memref<1000x640xf32, #tpu.memory_space<vmem>>, %arg2: memref<1000x64xf32, #tpu.memory_space<vmem>>, %arg3: memref<1000x1xf32, #tpu.memory_space<vmem>>, %arg4: memref<104x256xf32, #tpu.memory_space<vmem>>, %arg5: memref<64x32xf32, #tpu.memory_space<vmem>>, %arg6: memref<1x32xf32, #tpu.memory_space<vmem>>, %arg7: memref<64x128xf32, #tpu.memory_space<vmem>>, %arg8: memref<32x128xf32, #tpu.memory_space<vmem>>, %arg9: memref<1x128xf32, #tpu.memory_space<vmem>>, %arg10: memref<128x64xf32, #tpu.memory_space<vmem>>, %arg11: memref<1000x64xf32, #tpu.memory_space<vmem>>) attributes {dimension_semantics = [#tpu.dimension_semantics<arbitrary>], iteration_bounds = array<i64: 10>, scalar_prefetch = 0 : i64, scratch_operands = 0 : i64, tpu.core_type = #tpu.core_type<tc>, window_params = [{transform_indices = @transform_0, window_bounds = array<i64: 1000, 640>}, {transform_indices = @transform_1, window_bounds = array<i64: 1000, 64>}, {transform_indices = @transform_2, window_bounds = array<i64: 1000, 1>}, {pipeline_mode = #tpu.pipeline_mode<synchronous>, transform_indices = @transform_3, window_bounds = array<i64: 104, 256>}, {pipeline_mode = #tpu.pipeline_mode<synchronous>, transform_indices = @transform_4, window_bounds = array<i64: 64, 32>}, {pipeline_mode = #tpu.pipeline_mode<synchronous>, transform_indices = @transform_5, window_bounds = array<i64: 1, 32>}, {pipeline_mode = #tpu.pipeline_mode<synchronous>, transform_indices = @transform_6, window_bounds = array<i64: 64, 128>}, {pipeline_mode = #tpu.pipeline_mode<synchronous>, transform_indices = @transform_7, window_bounds = array<i64: 32, 128>}, {pipeline_mode = #tpu.pipeline_mode<synchronous>, transform_indices = @transform_8, window_bounds = array<i64: 1, 128>}, {pipeline_mode = #tpu.pipeline_mode<synchronous>, transform_indices = @transform_9, window_bounds = array<i64: 128, 64>}, {transform_indices = @transform_10, window_bounds = array<i64: 1000, 64>}]} {
    %broadcast_in_dim3A = arith.constant 0.000000e+00 : bf16
    %broadcast_in_dim3A_0 = vector.broadcast %broadcast_in_dim3A : bf16 to vector<1000x64xbf16>
    %broadcast_in_dim3A_1 = arith.constant 0.000000e+00 : f32
    %broadcast_in_dim3A_2 = vector.broadcast %broadcast_in_dim3A_1 : f32 to vector<1000x64xf32>
    %get3A = arith.constant 0 : index
    %get3A_3 = arith.constant 0 : index
    %get3A_4 = vector.load %arg4[%get3A, %get3A_3] : memref<104x256xf32, #tpu.memory_space<vmem>>, vector<104x256xf32>
    %convert_element_type3A = arith.truncf %get3A_4 : vector<104x256xf32> to vector<104x256xbf16>
    %get3A_5 = arith.constant 0 : index
    %get3A_6 = arith.constant 0 : index
    %get3A_7 = vector.load %arg1[%get3A_5, %get3A_6] : memref<1000x640xf32, #tpu.memory_space<vmem>>, vector<1000x640xf32>
    %convert_element_type3A_8 = arith.truncf %get3A_7 : vector<1000x640xf32> to vector<1000x640xbf16>
    %broadcast_in_dim3A_9 = arith.constant 1.000000e+00 : bf16
    %broadcast_in_dim3A_10 = vector.broadcast %broadcast_in_dim3A_9 : bf16 to vector<1000x8xbf16>
    %slice3A = vector.extract_strided_slice %convert_element_type3A_8 {offsets = [0, 0], sizes = [1000, 32], strides = [1, 1]} : vector<1000x640xbf16> to vector<1000x32xbf16>
    %concatenate3A = tpu.concatenate %slice3A, %broadcast_in_dim3A_0, %broadcast_in_dim3A_10 in 1 : vector<1000x32xbf16>, vector<1000x64xbf16>, vector<1000x8xbf16> -> vector<1000x104xbf16>
    %dot_general3A = arith.constant dense<0.000000e+00> : vector<1000x256xf32>
    %dot_general3A_11 = tpu.matmul %concatenate3A, %convert_element_type3A, %dot_general3A {dimension_numbers = #tpu.dot_dimension_numbers<[1], [0], [0], [1], [0, 0, 1, 1], [], []>, transpose_lhs_hint = false} : vector<1000x104xbf16>, vector<104x256xbf16>, vector<1000x256xf32> -> vector<1000x256xf32>
    %tanh3A = math.tanh %dot_general3A_11 : vector<1000x256xf32>
    %slice3A_12 = vector.extract_strided_slice %tanh3A {offsets = [0, 0], sizes = [1000, 64], strides = [1, 1]} : vector<1000x256xf32> to vector<1000x64xf32>
    %mul3A = arith.constant 5.000000e-01 : f32
    %mul3A_13 = vector.broadcast %mul3A : f32 to vector<1000x64xf32>
    %mul3A_14 = arith.mulf %mul3A_13, %slice3A_12 : vector<1000x64xf32>
    %add3A = arith.constant 5.000000e-01 : f32
    %add3A_15 = vector.broadcast %add3A : f32 to vector<1000x64xf32>
    %add3A_16 = arith.addf %mul3A_14, %add3A_15 : vector<1000x64xf32>
    %slice3A_17 = vector.extract_strided_slice %tanh3A {offsets = [0, 64], sizes = [1000, 64], strides = [1, 1]} : vector<1000x256xf32> to vector<1000x64xf32>
    %mul3A_18 = arith.constant 5.000000e-01 : f32
    %mul3A_19 = vector.broadcast %mul3A_18 : f32 to vector<1000x64xf32>
    %mul3A_20 = arith.mulf %mul3A_19, %slice3A_17 : vector<1000x64xf32>
    %add3A_21 = arith.constant 5.000000e-01 : f32
    %add3A_22 = vector.broadcast %add3A_21 : f32 to vector<1000x64xf32>
    %add3A_23 = arith.addf %mul3A_20, %add3A_22 : vector<1000x64xf32>
    %slice3A_24 = vector.extract_strided_slice %tanh3A {offsets = [0, 128], sizes = [1000, 64], strides = [1, 1]} : vector<1000x256xf32> to vector<1000x64xf32>
    %slice3A_25 = vector.extract_strided_slice %tanh3A {offsets = [0, 192], sizes = [1000, 64], strides = [1, 1]} : vector<1000x256xf32> to vector<1000x64xf32>
    %mul3A_26 = arith.constant 5.000000e-01 : f32
    %mul3A_27 = vector.broadcast %mul3A_26 : f32 to vector<1000x64xf32>
    %mul3A_28 = arith.mulf %mul3A_27, %slice3A_25 : vector<1000x64xf32>
    %add3A_29 = arith.constant 5.000000e-01 : f32
    %add3A_30 = vector.broadcast %add3A_29 : f32 to vector<1000x64xf32>
    %add3A_31 = arith.addf %mul3A_28, %add3A_30 : vector<1000x64xf32>
    %mul3A_32 = arith.mulf %add3A_23, %broadcast_in_dim3A_2 : vector<1000x64xf32>
    %mul3A_33 = arith.mulf %add3A_16, %slice3A_24 : vector<1000x64xf32>
    %add3A_34 = arith.addf %mul3A_32, %mul3A_33 : vector<1000x64xf32>
    %tanh3A_35 = math.tanh %add3A_34 : vector<1000x64xf32>
    %mul3A_36 = arith.mulf %add3A_31, %tanh3A_35 : vector<1000x64xf32>
    %convert_element_type3A_37 = arith.truncf %mul3A_36 : vector<1000x64xf32> to vector<1000x64xbf16>
    %slice3A_38 = vector.extract_strided_slice %convert_element_type3A_8 {offsets = [0, 32], sizes = [1000, 32], strides = [1, 1]} : vector<1000x640xbf16> to vector<1000x32xbf16>
    %concatenate3A_39 = tpu.concatenate %slice3A_38, %convert_element_type3A_37, %broadcast_in_dim3A_10 in 1 : vector<1000x32xbf16>, vector<1000x64xbf16>, vector<1000x8xbf16> -> vector<1000x104xbf16>
    %dot_general3A_40 = arith.constant dense<0.000000e+00> : vector<1000x256xf32>
    %dot_general3A_41 = tpu.matmul %concatenate3A_39, %convert_element_type3A, %dot_general3A_40 {dimension_numbers = #tpu.dot_dimension_numbers<[1], [0], [0], [1], [0, 0, 1, 1], [], []>, transpose_lhs_hint = false} : vector<1000x104xbf16>, vector<104x256xbf16>, vector<1000x256xf32> -> vector<1000x256xf32>
    %tanh3A_42 = math.tanh %dot_general3A_41 : vector<1000x256xf32>
    %slice3A_43 = vector.extract_strided_slice %tanh3A_42 {offsets = [0, 0], sizes = [1000, 64], strides = [1, 1]} : vector<1000x256xf32> to vector<1000x64xf32>
    %mul3A_44 = arith.constant 5.000000e-01 : f32
    %mul3A_45 = vector.broadcast %mul3A_44 : f32 to vector<1000x64xf32>
    %mul3A_46 = arith.mulf %mul3A_45, %slice3A_43 : vector<1000x64xf32>
    %add3A_47 = arith.constant 5.000000e-01 : f32
    %add3A_48 = vector.broadcast %add3A_47 : f32 to vector<1000x64xf32>
    %add3A_49 = arith.addf %mul3A_46, %add3A_48 : vector<1000x64xf32>
    %slice3A_50 = vector.extract_strided_slice %tanh3A_42 {offsets = [0, 64], sizes = [1000, 64], strides = [1, 1]} : vector<1000x256xf32> to vector<1000x64xf32>
    %mul3A_51 = arith.constant 5.000000e-01 : f32
    %mul3A_52 = vector.broadcast %mul3A_51 : f32 to vector<1000x64xf32>
    %mul3A_53 = arith.mulf %mul3A_52, %slice3A_50 : vector<1000x64xf32>
    %add3A_54 = arith.constant 5.000000e-01 : f32
    %add3A_55 = vector.broadcast %add3A_54 : f32 to vector<1000x64xf32>
    %add3A_56 = arith.addf %mul3A_53, %add3A_55 : vector<1000x64xf32>
    %slice3A_57 = vector.extract_strided_slice %tanh3A_42 {offsets = [0, 128], sizes = [1000, 64], strides = [1, 1]} : vector<1000x256xf32> to vector<1000x64xf32>
    %slice3A_58 = vector.extract_strided_slice %tanh3A_42 {offsets = [0, 192], sizes = [1000, 64], strides = [1, 1]} : vector<1000x256xf32> to vector<1000x64xf32>
    %mul3A_59 = arith.constant 5.000000e-01 : f32
    %mul3A_60 = vector.broadcast %mul3A_59 : f32 to vector<1000x64xf32>
    %mul3A_61 = arith.mulf %mul3A_60, %slice3A_58 : vector<1000x64xf32>
    %add3A_62 = arith.constant 5.000000e-01 : f32
    %add3A_63 = vector.broadcast %add3A_62 : f32 to vector<1000x64xf32>
    %add3A_64 = arith.addf %mul3A_61, %add3A_63 : vector<1000x64xf32>
    %mul3A_65 = arith.mulf %add3A_56, %add3A_34 : vector<1000x64xf32>
    %mul3A_66 = arith.mulf %add3A_49, %slice3A_57 : vector<1000x64xf32>
    %add3A_67 = arith.addf %mul3A_65, %mul3A_66 : vector<1000x64xf32>
    %tanh3A_68 = math.tanh %add3A_67 : vector<1000x64xf32>
    %mul3A_69 = arith.mulf %add3A_64, %tanh3A_68 : vector<1000x64xf32>
    %convert_element_type3A_70 = arith.truncf %mul3A_69 : vector<1000x64xf32> to vector<1000x64xbf16>
    %slice3A_71 = vector.extract_strided_slice %convert_element_type3A_8 {offsets = [0, 64], sizes = [1000, 32], strides = [1, 1]} : vector<1000x640xbf16> to vector<1000x32xbf16>
    %concatenate3A_72 = tpu.concatenate %slice3A_71, %convert_element_type3A_70, %broadcast_in_dim3A_10 in 1 : vector<1000x32xbf16>, vector<1000x64xbf16>, vector<1000x8xbf16> -> vector<1000x104xbf16>
    %dot_general3A_73 = arith.constant dense<0.000000e+00> : vector<1000x256xf32>
    %dot_general3A_74 = tpu.matmul %concatenate3A_72, %convert_element_type3A, %dot_general3A_73 {dimension_numbers = #tpu.dot_dimension_numbers<[1], [0], [0], [1], [0, 0, 1, 1], [], []>, transpose_lhs_hint = false} : vector<1000x104xbf16>, vector<104x256xbf16>, vector<1000x256xf32> -> vector<1000x256xf32>
    %tanh3A_75 = math.tanh %dot_general3A_74 : vector<1000x256xf32>
    %slice3A_76 = vector.extract_strided_slice %tanh3A_75 {offsets = [0, 0], sizes = [1000, 64], strides = [1, 1]} : vector<1000x256xf32> to vector<1000x64xf32>
    %mul3A_77 = arith.constant 5.000000e-01 : f32
    %mul3A_78 = vector.broadcast %mul3A_77 : f32 to vector<1000x64xf32>
    %mul3A_79 = arith.mulf %mul3A_78, %slice3A_76 : vector<1000x64xf32>
    %add3A_80 = arith.constant 5.000000e-01 : f32
    %add3A_81 = vector.broadcast %add3A_80 : f32 to vector<1000x64xf32>
    %add3A_82 = arith.addf %mul3A_79, %add3A_81 : vector<1000x64xf32>
    %slice3A_83 = vector.extract_strided_slice %tanh3A_75 {offsets = [0, 64], sizes = [1000, 64], strides = [1, 1]} : vector<1000x256xf32> to vector<1000x64xf32>
    %mul3A_84 = arith.constant 5.000000e-01 : f32
    %mul3A_85 = vector.broadcast %mul3A_84 : f32 to vector<1000x64xf32>
    %mul3A_86 = arith.mulf %mul3A_85, %slice3A_83 : vector<1000x64xf32>
    %add3A_87 = arith.constant 5.000000e-01 : f32
    %add3A_88 = vector.broadcast %add3A_87 : f32 to vector<1000x64xf32>
    %add3A_89 = arith.addf %mul3A_86, %add3A_88 : vector<1000x64xf32>
    %slice3A_90 = vector.extract_strided_slice %tanh3A_75 {offsets = [0, 128], sizes = [1000, 64], strides = [1, 1]} : vector<1000x256xf32> to vector<1000x64xf32>
    %slice3A_91 = vector.extract_strided_slice %tanh3A_75 {offsets = [0, 192], sizes = [1000, 64], strides = [1, 1]} : vector<1000x256xf32> to vector<1000x64xf32>
    %mul3A_92 = arith.constant 5.000000e-01 : f32
    %mul3A_93 = vector.broadcast %mul3A_92 : f32 to vector<1000x64xf32>
    %mul3A_94 = arith.mulf %mul3A_93, %slice3A_91 : vector<1000x64xf32>
    %add3A_95 = arith.constant 5.000000e-01 : f32
    %add3A_96 = vector.broadcast %add3A_95 : f32 to vector<1000x64xf32>
    %add3A_97 = arith.addf %mul3A_94, %add3A_96 : vector<1000x64xf32>
    %mul3A_98 = arith.mulf %add3A_89, %add3A_67 : vector<1000x64xf32>
    %mul3A_99 = arith.mulf %add3A_82, %slice3A_90 : vector<1000x64xf32>
    %add3A_100 = arith.addf %mul3A_98, %mul3A_99 : vector<1000x64xf32>
    %tanh3A_101 = math.tanh %add3A_100 : vector<1000x64xf32>
    %mul3A_102 = arith.mulf %add3A_97, %tanh3A_101 : vector<1000x64xf32>
    %convert_element_type3A_103 = arith.truncf %mul3A_102 : vector<1000x64xf32> to vector<1000x64xbf16>
    %slice3A_104 = vector.extract_strided_slice %convert_element_type3A_8 {offsets = [0, 96], sizes = [1000, 32], strides = [1, 1]} : vector<1000x640xbf16> to vector<1000x32xbf16>
    %concatenate3A_105 = tpu.concatenate %slice3A_104, %convert_element_type3A_103, %broadcast_in_dim3A_10 in 1 : vector<1000x32xbf16>, vector<1000x64xbf16>, vector<1000x8xbf16> -> vector<1000x104xbf16>
    %dot_general3A_106 = arith.constant dense<0.000000e+00> : vector<1000x256xf32>
    %dot_general3A_107 = tpu.matmul %concatenate3A_105, %convert_element_type3A, %dot_general3A_106 {dimension_numbers = #tpu.dot_dimension_numbers<[1], [0], [0], [1], [0, 0, 1, 1], [], []>, transpose_lhs_hint = false} : vector<1000x104xbf16>, vector<104x256xbf16>, vector<1000x256xf32> -> vector<1000x256xf32>
    %tanh3A_108 = math.tanh %dot_general3A_107 : vector<1000x256xf32>
    %slice3A_109 = vector.extract_strided_slice %tanh3A_108 {offsets = [0, 0], sizes = [1000, 64], strides = [1, 1]} : vector<1000x256xf32> to vector<1000x64xf32>
    %mul3A_110 = arith.constant 5.000000e-01 : f32
    %mul3A_111 = vector.broadcast %mul3A_110 : f32 to vector<1000x64xf32>
    %mul3A_112 = arith.mulf %mul3A_111, %slice3A_109 : vector<1000x64xf32>
    %add3A_113 = arith.constant 5.000000e-01 : f32
    %add3A_114 = vector.broadcast %add3A_113 : f32 to vector<1000x64xf32>
    %add3A_115 = arith.addf %mul3A_112, %add3A_114 : vector<1000x64xf32>
    %slice3A_116 = vector.extract_strided_slice %tanh3A_108 {offsets = [0, 64], sizes = [1000, 64], strides = [1, 1]} : vector<1000x256xf32> to vector<1000x64xf32>
    %mul3A_117 = arith.constant 5.000000e-01 : f32
    %mul3A_118 = vector.broadcast %mul3A_117 : f32 to vector<1000x64xf32>
    %mul3A_119 = arith.mulf %mul3A_118, %slice3A_116 : vector<1000x64xf32>
    %add3A_120 = arith.constant 5.000000e-01 : f32
    %add3A_121 = vector.broadcast %add3A_120 : f32 to vector<1000x64xf32>
    %add3A_122 = arith.addf %mul3A_119, %add3A_121 : vector<1000x64xf32>
    %slice3A_123 = vector.extract_strided_slice %tanh3A_108 {offsets = [0, 128], sizes = [1000, 64], strides = [1, 1]} : vector<1000x256xf32> to vector<1000x64xf32>
    %slice3A_124 = vector.extract_strided_slice %tanh3A_108 {offsets = [0, 192], sizes = [1000, 64], strides = [1, 1]} : vector<1000x256xf32> to vector<1000x64xf32>
    %mul3A_125 = arith.constant 5.000000e-01 : f32
    %mul3A_126 = vector.broadcast %mul3A_125 : f32 to vector<1000x64xf32>
    %mul3A_127 = arith.mulf %mul3A_126, %slice3A_124 : vector<1000x64xf32>
    %add3A_128 = arith.constant 5.000000e-01 : f32
    %add3A_129 = vector.broadcast %add3A_128 : f32 to vector<1000x64xf32>
    %add3A_130 = arith.addf %mul3A_127, %add3A_129 : vector<1000x64xf32>
    %mul3A_131 = arith.mulf %add3A_122, %add3A_100 : vector<1000x64xf32>
    %mul3A_132 = arith.mulf %add3A_115, %slice3A_123 : vector<1000x64xf32>
    %add3A_133 = arith.addf %mul3A_131, %mul3A_132 : vector<1000x64xf32>
    %tanh3A_134 = math.tanh %add3A_133 : vector<1000x64xf32>
    %mul3A_135 = arith.mulf %add3A_130, %tanh3A_134 : vector<1000x64xf32>
    %convert_element_type3A_136 = arith.truncf %mul3A_135 : vector<1000x64xf32> to vector<1000x64xbf16>
    %slice3A_137 = vector.extract_strided_slice %convert_element_type3A_8 {offsets = [0, 128], sizes = [1000, 32], strides = [1, 1]} : vector<1000x640xbf16> to vector<1000x32xbf16>
    %concatenate3A_138 = tpu.concatenate %slice3A_137, %convert_element_type3A_136, %broadcast_in_dim3A_10 in 1 : vector<1000x32xbf16>, vector<1000x64xbf16>, vector<1000x8xbf16> -> vector<1000x104xbf16>
    %dot_general3A_139 = arith.constant dense<0.000000e+00> : vector<1000x256xf32>
    %dot_general3A_140 = tpu.matmul %concatenate3A_138, %convert_element_type3A, %dot_general3A_139 {dimension_numbers = #tpu.dot_dimension_numbers<[1], [0], [0], [1], [0, 0, 1, 1], [], []>, transpose_lhs_hint = false} : vector<1000x104xbf16>, vector<104x256xbf16>, vector<1000x256xf32> -> vector<1000x256xf32>
    %tanh3A_141 = math.tanh %dot_general3A_140 : vector<1000x256xf32>
    %slice3A_142 = vector.extract_strided_slice %tanh3A_141 {offsets = [0, 0], sizes = [1000, 64], strides = [1, 1]} : vector<1000x256xf32> to vector<1000x64xf32>
    %mul3A_143 = arith.constant 5.000000e-01 : f32
    %mul3A_144 = vector.broadcast %mul3A_143 : f32 to vector<1000x64xf32>
    %mul3A_145 = arith.mulf %mul3A_144, %slice3A_142 : vector<1000x64xf32>
    %add3A_146 = arith.constant 5.000000e-01 : f32
    %add3A_147 = vector.broadcast %add3A_146 : f32 to vector<1000x64xf32>
    %add3A_148 = arith.addf %mul3A_145, %add3A_147 : vector<1000x64xf32>
    %slice3A_149 = vector.extract_strided_slice %tanh3A_141 {offsets = [0, 64], sizes = [1000, 64], strides = [1, 1]} : vector<1000x256xf32> to vector<1000x64xf32>
    %mul3A_150 = arith.constant 5.000000e-01 : f32
    %mul3A_151 = vector.broadcast %mul3A_150 : f32 to vector<1000x64xf32>
    %mul3A_152 = arith.mulf %mul3A_151, %slice3A_149 : vector<1000x64xf32>
    %add3A_153 = arith.constant 5.000000e-01 : f32
    %add3A_154 = vector.broadcast %add3A_153 : f32 to vector<1000x64xf32>
    %add3A_155 = arith.addf %mul3A_152, %add3A_154 : vector<1000x64xf32>
    %slice3A_156 = vector.extract_strided_slice %tanh3A_141 {offsets = [0, 128], sizes = [1000, 64], strides = [1, 1]} : vector<1000x256xf32> to vector<1000x64xf32>
    %slice3A_157 = vector.extract_strided_slice %tanh3A_141 {offsets = [0, 192], sizes = [1000, 64], strides = [1, 1]} : vector<1000x256xf32> to vector<1000x64xf32>
    %mul3A_158 = arith.constant 5.000000e-01 : f32
    %mul3A_159 = vector.broadcast %mul3A_158 : f32 to vector<1000x64xf32>
    %mul3A_160 = arith.mulf %mul3A_159, %slice3A_157 : vector<1000x64xf32>
    %add3A_161 = arith.constant 5.000000e-01 : f32
    %add3A_162 = vector.broadcast %add3A_161 : f32 to vector<1000x64xf32>
    %add3A_163 = arith.addf %mul3A_160, %add3A_162 : vector<1000x64xf32>
    %mul3A_164 = arith.mulf %add3A_155, %add3A_133 : vector<1000x64xf32>
    %mul3A_165 = arith.mulf %add3A_148, %slice3A_156 : vector<1000x64xf32>
    %add3A_166 = arith.addf %mul3A_164, %mul3A_165 : vector<1000x64xf32>
    %tanh3A_167 = math.tanh %add3A_166 : vector<1000x64xf32>
    %mul3A_168 = arith.mulf %add3A_163, %tanh3A_167 : vector<1000x64xf32>
    %convert_element_type3A_169 = arith.truncf %mul3A_168 : vector<1000x64xf32> to vector<1000x64xbf16>
    %slice3A_170 = vector.extract_strided_slice %convert_element_type3A_8 {offsets = [0, 160], sizes = [1000, 32], strides = [1, 1]} : vector<1000x640xbf16> to vector<1000x32xbf16>
    %concatenate3A_171 = tpu.concatenate %slice3A_170, %convert_element_type3A_169, %broadcast_in_dim3A_10 in 1 : vector<1000x32xbf16>, vector<1000x64xbf16>, vector<1000x8xbf16> -> vector<1000x104xbf16>
    %dot_general3A_172 = arith.constant dense<0.000000e+00> : vector<1000x256xf32>
    %dot_general3A_173 = tpu.matmul %concatenate3A_171, %convert_element_type3A, %dot_general3A_172 {dimension_numbers = #tpu.dot_dimension_numbers<[1], [0], [0], [1], [0, 0, 1, 1], [], []>, transpose_lhs_hint = false} : vector<1000x104xbf16>, vector<104x256xbf16>, vector<1000x256xf32> -> vector<1000x256xf32>
    %tanh3A_174 = math.tanh %dot_general3A_173 : vector<1000x256xf32>
    %slice3A_175 = vector.extract_strided_slice %tanh3A_174 {offsets = [0, 0], sizes = [1000, 64], strides = [1, 1]} : vector<1000x256xf32> to vector<1000x64xf32>
    %mul3A_176 = arith.constant 5.000000e-01 : f32
    %mul3A_177 = vector.broadcast %mul3A_176 : f32 to vector<1000x64xf32>
    %mul3A_178 = arith.mulf %mul3A_177, %slice3A_175 : vector<1000x64xf32>
    %add3A_179 = arith.constant 5.000000e-01 : f32
    %add3A_180 = vector.broadcast %add3A_179 : f32 to vector<1000x64xf32>
    %add3A_181 = arith.addf %mul3A_178, %add3A_180 : vector<1000x64xf32>
    %slice3A_182 = vector.extract_strided_slice %tanh3A_174 {offsets = [0, 64], sizes = [1000, 64], strides = [1, 1]} : vector<1000x256xf32> to vector<1000x64xf32>
    %mul3A_183 = arith.constant 5.000000e-01 : f32
    %mul3A_184 = vector.broadcast %mul3A_183 : f32 to vector<1000x64xf32>
    %mul3A_185 = arith.mulf %mul3A_184, %slice3A_182 : vector<1000x64xf32>
    %add3A_186 = arith.constant 5.000000e-01 : f32
    %add3A_187 = vector.broadcast %add3A_186 : f32 to vector<1000x64xf32>
    %add3A_188 = arith.addf %mul3A_185, %add3A_187 : vector<1000x64xf32>
    %slice3A_189 = vector.extract_strided_slice %tanh3A_174 {offsets = [0, 128], sizes = [1000, 64], strides = [1, 1]} : vector<1000x256xf32> to vector<1000x64xf32>
    %slice3A_190 = vector.extract_strided_slice %tanh3A_174 {offsets = [0, 192], sizes = [1000, 64], strides = [1, 1]} : vector<1000x256xf32> to vector<1000x64xf32>
    %mul3A_191 = arith.constant 5.000000e-01 : f32
    %mul3A_192 = vector.broadcast %mul3A_191 : f32 to vector<1000x64xf32>
    %mul3A_193 = arith.mulf %mul3A_192, %slice3A_190 : vector<1000x64xf32>
    %add3A_194 = arith.constant 5.000000e-01 : f32
    %add3A_195 = vector.broadcast %add3A_194 : f32 to vector<1000x64xf32>
    %add3A_196 = arith.addf %mul3A_193, %add3A_195 : vector<1000x64xf32>
    %mul3A_197 = arith.mulf %add3A_188, %add3A_166 : vector<1000x64xf32>
    %mul3A_198 = arith.mulf %add3A_181, %slice3A_189 : vector<1000x64xf32>
    %add3A_199 = arith.addf %mul3A_197, %mul3A_198 : vector<1000x64xf32>
    %tanh3A_200 = math.tanh %add3A_199 : vector<1000x64xf32>
    %mul3A_201 = arith.mulf %add3A_196, %tanh3A_200 : vector<1000x64xf32>
    %convert_element_type3A_202 = arith.truncf %mul3A_201 : vector<1000x64xf32> to vector<1000x64xbf16>
    %slice3A_203 = vector.extract_strided_slice %convert_element_type3A_8 {offsets = [0, 192], sizes = [1000, 32], strides = [1, 1]} : vector<1000x640xbf16> to vector<1000x32xbf16>
    %concatenate3A_204 = tpu.concatenate %slice3A_203, %convert_element_type3A_202, %broadcast_in_dim3A_10 in 1 : vector<1000x32xbf16>, vector<1000x64xbf16>, vector<1000x8xbf16> -> vector<1000x104xbf16>
    %dot_general3A_205 = arith.constant dense<0.000000e+00> : vector<1000x256xf32>
    %dot_general3A_206 = tpu.matmul %concatenate3A_204, %convert_element_type3A, %dot_general3A_205 {dimension_numbers = #tpu.dot_dimension_numbers<[1], [0], [0], [1], [0, 0, 1, 1], [], []>, transpose_lhs_hint = false} : vector<1000x104xbf16>, vector<104x256xbf16>, vector<1000x256xf32> -> vector<1000x256xf32>
    %tanh3A_207 = math.tanh %dot_general3A_206 : vector<1000x256xf32>
    %slice3A_208 = vector.extract_strided_slice %tanh3A_207 {offsets = [0, 0], sizes = [1000, 64], strides = [1, 1]} : vector<1000x256xf32> to vector<1000x64xf32>
    %mul3A_209 = arith.constant 5.000000e-01 : f32
    %mul3A_210 = vector.broadcast %mul3A_209 : f32 to vector<1000x64xf32>
    %mul3A_211 = arith.mulf %mul3A_210, %slice3A_208 : vector<1000x64xf32>
    %add3A_212 = arith.constant 5.000000e-01 : f32
    %add3A_213 = vector.broadcast %add3A_212 : f32 to vector<1000x64xf32>
    %add3A_214 = arith.addf %mul3A_211, %add3A_213 : vector<1000x64xf32>
    %slice3A_215 = vector.extract_strided_slice %tanh3A_207 {offsets = [0, 64], sizes = [1000, 64], strides = [1, 1]} : vector<1000x256xf32> to vector<1000x64xf32>
    %mul3A_216 = arith.constant 5.000000e-01 : f32
    %mul3A_217 = vector.broadcast %mul3A_216 : f32 to vector<1000x64xf32>
    %mul3A_218 = arith.mulf %mul3A_217, %slice3A_215 : vector<1000x64xf32>
    %add3A_219 = arith.constant 5.000000e-01 : f32
    %add3A_220 = vector.broadcast %add3A_219 : f32 to vector<1000x64xf32>
    %add3A_221 = arith.addf %mul3A_218, %add3A_220 : vector<1000x64xf32>
    %slice3A_222 = vector.extract_strided_slice %tanh3A_207 {offsets = [0, 128], sizes = [1000, 64], strides = [1, 1]} : vector<1000x256xf32> to vector<1000x64xf32>
    %slice3A_223 = vector.extract_strided_slice %tanh3A_207 {offsets = [0, 192], sizes = [1000, 64], strides = [1, 1]} : vector<1000x256xf32> to vector<1000x64xf32>
    %mul3A_224 = arith.constant 5.000000e-01 : f32
    %mul3A_225 = vector.broadcast %mul3A_224 : f32 to vector<1000x64xf32>
    %mul3A_226 = arith.mulf %mul3A_225, %slice3A_223 : vector<1000x64xf32>
    %add3A_227 = arith.constant 5.000000e-01 : f32
    %add3A_228 = vector.broadcast %add3A_227 : f32 to vector<1000x64xf32>
    %add3A_229 = arith.addf %mul3A_226, %add3A_228 : vector<1000x64xf32>
    %mul3A_230 = arith.mulf %add3A_221, %add3A_199 : vector<1000x64xf32>
    %mul3A_231 = arith.mulf %add3A_214, %slice3A_222 : vector<1000x64xf32>
    %add3A_232 = arith.addf %mul3A_230, %mul3A_231 : vector<1000x64xf32>
    %tanh3A_233 = math.tanh %add3A_232 : vector<1000x64xf32>
    %mul3A_234 = arith.mulf %add3A_229, %tanh3A_233 : vector<1000x64xf32>
    %convert_element_type3A_235 = arith.truncf %mul3A_234 : vector<1000x64xf32> to vector<1000x64xbf16>
    %slice3A_236 = vector.extract_strided_slice %convert_element_type3A_8 {offsets = [0, 224], sizes = [1000, 32], strides = [1, 1]} : vector<1000x640xbf16> to vector<1000x32xbf16>
    %concatenate3A_237 = tpu.concatenate %slice3A_236, %convert_element_type3A_235, %broadcast_in_dim3A_10 in 1 : vector<1000x32xbf16>, vector<1000x64xbf16>, vector<1000x8xbf16> -> vector<1000x104xbf16>
    %dot_general3A_238 = arith.constant dense<0.000000e+00> : vector<1000x256xf32>
    %dot_general3A_239 = tpu.matmul %concatenate3A_237, %convert_element_type3A, %dot_general3A_238 {dimension_numbers = #tpu.dot_dimension_numbers<[1], [0], [0], [1], [0, 0, 1, 1], [], []>, transpose_lhs_hint = false} : vector<1000x104xbf16>, vector<104x256xbf16>, vector<1000x256xf32> -> vector<1000x256xf32>
    %tanh3A_240 = math.tanh %dot_general3A_239 : vector<1000x256xf32>
    %slice3A_241 = vector.extract_strided_slice %tanh3A_240 {offsets = [0, 0], sizes = [1000, 64], strides = [1, 1]} : vector<1000x256xf32> to vector<1000x64xf32>
    %mul3A_242 = arith.constant 5.000000e-01 : f32
    %mul3A_243 = vector.broadcast %mul3A_242 : f32 to vector<1000x64xf32>
    %mul3A_244 = arith.mulf %mul3A_243, %slice3A_241 : vector<1000x64xf32>
    %add3A_245 = arith.constant 5.000000e-01 : f32
    %add3A_246 = vector.broadcast %add3A_245 : f32 to vector<1000x64xf32>
    %add3A_247 = arith.addf %mul3A_244, %add3A_246 : vector<1000x64xf32>
    %slice3A_248 = vector.extract_strided_slice %tanh3A_240 {offsets = [0, 64], sizes = [1000, 64], strides = [1, 1]} : vector<1000x256xf32> to vector<1000x64xf32>
    %mul3A_249 = arith.constant 5.000000e-01 : f32
    %mul3A_250 = vector.broadcast %mul3A_249 : f32 to vector<1000x64xf32>
    %mul3A_251 = arith.mulf %mul3A_250, %slice3A_248 : vector<1000x64xf32>
    %add3A_252 = arith.constant 5.000000e-01 : f32
    %add3A_253 = vector.broadcast %add3A_252 : f32 to vector<1000x64xf32>
    %add3A_254 = arith.addf %mul3A_251, %add3A_253 : vector<1000x64xf32>
    %slice3A_255 = vector.extract_strided_slice %tanh3A_240 {offsets = [0, 128], sizes = [1000, 64], strides = [1, 1]} : vector<1000x256xf32> to vector<1000x64xf32>
    %slice3A_256 = vector.extract_strided_slice %tanh3A_240 {offsets = [0, 192], sizes = [1000, 64], strides = [1, 1]} : vector<1000x256xf32> to vector<1000x64xf32>
    %mul3A_257 = arith.constant 5.000000e-01 : f32
    %mul3A_258 = vector.broadcast %mul3A_257 : f32 to vector<1000x64xf32>
    %mul3A_259 = arith.mulf %mul3A_258, %slice3A_256 : vector<1000x64xf32>
    %add3A_260 = arith.constant 5.000000e-01 : f32
    %add3A_261 = vector.broadcast %add3A_260 : f32 to vector<1000x64xf32>
    %add3A_262 = arith.addf %mul3A_259, %add3A_261 : vector<1000x64xf32>
    %mul3A_263 = arith.mulf %add3A_254, %add3A_232 : vector<1000x64xf32>
    %mul3A_264 = arith.mulf %add3A_247, %slice3A_255 : vector<1000x64xf32>
    %add3A_265 = arith.addf %mul3A_263, %mul3A_264 : vector<1000x64xf32>
    %tanh3A_266 = math.tanh %add3A_265 : vector<1000x64xf32>
    %mul3A_267 = arith.mulf %add3A_262, %tanh3A_266 : vector<1000x64xf32>
    %convert_element_type3A_268 = arith.truncf %mul3A_267 : vector<1000x64xf32> to vector<1000x64xbf16>
    %slice3A_269 = vector.extract_strided_slice %convert_element_type3A_8 {offsets = [0, 256], sizes = [1000, 32], strides = [1, 1]} : vector<1000x640xbf16> to vector<1000x32xbf16>
    %concatenate3A_270 = tpu.concatenate %slice3A_269, %convert_element_type3A_268, %broadcast_in_dim3A_10 in 1 : vector<1000x32xbf16>, vector<1000x64xbf16>, vector<1000x8xbf16> -> vector<1000x104xbf16>
    %dot_general3A_271 = arith.constant dense<0.000000e+00> : vector<1000x256xf32>
    %dot_general3A_272 = tpu.matmul %concatenate3A_270, %convert_element_type3A, %dot_general3A_271 {dimension_numbers = #tpu.dot_dimension_numbers<[1], [0], [0], [1], [0, 0, 1, 1], [], []>, transpose_lhs_hint = false} : vector<1000x104xbf16>, vector<104x256xbf16>, vector<1000x256xf32> -> vector<1000x256xf32>
    %tanh3A_273 = math.tanh %dot_general3A_272 : vector<1000x256xf32>
    %slice3A_274 = vector.extract_strided_slice %tanh3A_273 {offsets = [0, 0], sizes = [1000, 64], strides = [1, 1]} : vector<1000x256xf32> to vector<1000x64xf32>
    %mul3A_275 = arith.constant 5.000000e-01 : f32
    %mul3A_276 = vector.broadcast %mul3A_275 : f32 to vector<1000x64xf32>
    %mul3A_277 = arith.mulf %mul3A_276, %slice3A_274 : vector<1000x64xf32>
    %add3A_278 = arith.constant 5.000000e-01 : f32
    %add3A_279 = vector.broadcast %add3A_278 : f32 to vector<1000x64xf32>
    %add3A_280 = arith.addf %mul3A_277, %add3A_279 : vector<1000x64xf32>
    %slice3A_281 = vector.extract_strided_slice %tanh3A_273 {offsets = [0, 64], sizes = [1000, 64], strides = [1, 1]} : vector<1000x256xf32> to vector<1000x64xf32>
    %mul3A_282 = arith.constant 5.000000e-01 : f32
    %mul3A_283 = vector.broadcast %mul3A_282 : f32 to vector<1000x64xf32>
    %mul3A_284 = arith.mulf %mul3A_283, %slice3A_281 : vector<1000x64xf32>
    %add3A_285 = arith.constant 5.000000e-01 : f32
    %add3A_286 = vector.broadcast %add3A_285 : f32 to vector<1000x64xf32>
    %add3A_287 = arith.addf %mul3A_284, %add3A_286 : vector<1000x64xf32>
    %slice3A_288 = vector.extract_strided_slice %tanh3A_273 {offsets = [0, 128], sizes = [1000, 64], strides = [1, 1]} : vector<1000x256xf32> to vector<1000x64xf32>
    %slice3A_289 = vector.extract_strided_slice %tanh3A_273 {offsets = [0, 192], sizes = [1000, 64], strides = [1, 1]} : vector<1000x256xf32> to vector<1000x64xf32>
    %mul3A_290 = arith.constant 5.000000e-01 : f32
    %mul3A_291 = vector.broadcast %mul3A_290 : f32 to vector<1000x64xf32>
    %mul3A_292 = arith.mulf %mul3A_291, %slice3A_289 : vector<1000x64xf32>
    %add3A_293 = arith.constant 5.000000e-01 : f32
    %add3A_294 = vector.broadcast %add3A_293 : f32 to vector<1000x64xf32>
    %add3A_295 = arith.addf %mul3A_292, %add3A_294 : vector<1000x64xf32>
    %mul3A_296 = arith.mulf %add3A_287, %add3A_265 : vector<1000x64xf32>
    %mul3A_297 = arith.mulf %add3A_280, %slice3A_288 : vector<1000x64xf32>
    %add3A_298 = arith.addf %mul3A_296, %mul3A_297 : vector<1000x64xf32>
    %tanh3A_299 = math.tanh %add3A_298 : vector<1000x64xf32>
    %mul3A_300 = arith.mulf %add3A_295, %tanh3A_299 : vector<1000x64xf32>
    %convert_element_type3A_301 = arith.truncf %mul3A_300 : vector<1000x64xf32> to vector<1000x64xbf16>
    %slice3A_302 = vector.extract_strided_slice %convert_element_type3A_8 {offsets = [0, 288], sizes = [1000, 32], strides = [1, 1]} : vector<1000x640xbf16> to vector<1000x32xbf16>
    %concatenate3A_303 = tpu.concatenate %slice3A_302, %convert_element_type3A_301, %broadcast_in_dim3A_10 in 1 : vector<1000x32xbf16>, vector<1000x64xbf16>, vector<1000x8xbf16> -> vector<1000x104xbf16>
    %dot_general3A_304 = arith.constant dense<0.000000e+00> : vector<1000x256xf32>
    %dot_general3A_305 = tpu.matmul %concatenate3A_303, %convert_element_type3A, %dot_general3A_304 {dimension_numbers = #tpu.dot_dimension_numbers<[1], [0], [0], [1], [0, 0, 1, 1], [], []>, transpose_lhs_hint = false} : vector<1000x104xbf16>, vector<104x256xbf16>, vector<1000x256xf32> -> vector<1000x256xf32>
    %tanh3A_306 = math.tanh %dot_general3A_305 : vector<1000x256xf32>
    %slice3A_307 = vector.extract_strided_slice %tanh3A_306 {offsets = [0, 0], sizes = [1000, 64], strides = [1, 1]} : vector<1000x256xf32> to vector<1000x64xf32>
    %mul3A_308 = arith.constant 5.000000e-01 : f32
    %mul3A_309 = vector.broadcast %mul3A_308 : f32 to vector<1000x64xf32>
    %mul3A_310 = arith.mulf %mul3A_309, %slice3A_307 : vector<1000x64xf32>
    %add3A_311 = arith.constant 5.000000e-01 : f32
    %add3A_312 = vector.broadcast %add3A_311 : f32 to vector<1000x64xf32>
    %add3A_313 = arith.addf %mul3A_310, %add3A_312 : vector<1000x64xf32>
    %slice3A_314 = vector.extract_strided_slice %tanh3A_306 {offsets = [0, 64], sizes = [1000, 64], strides = [1, 1]} : vector<1000x256xf32> to vector<1000x64xf32>
    %mul3A_315 = arith.constant 5.000000e-01 : f32
    %mul3A_316 = vector.broadcast %mul3A_315 : f32 to vector<1000x64xf32>
    %mul3A_317 = arith.mulf %mul3A_316, %slice3A_314 : vector<1000x64xf32>
    %add3A_318 = arith.constant 5.000000e-01 : f32
    %add3A_319 = vector.broadcast %add3A_318 : f32 to vector<1000x64xf32>
    %add3A_320 = arith.addf %mul3A_317, %add3A_319 : vector<1000x64xf32>
    %slice3A_321 = vector.extract_strided_slice %tanh3A_306 {offsets = [0, 128], sizes = [1000, 64], strides = [1, 1]} : vector<1000x256xf32> to vector<1000x64xf32>
    %slice3A_322 = vector.extract_strided_slice %tanh3A_306 {offsets = [0, 192], sizes = [1000, 64], strides = [1, 1]} : vector<1000x256xf32> to vector<1000x64xf32>
    %mul3A_323 = arith.constant 5.000000e-01 : f32
    %mul3A_324 = vector.broadcast %mul3A_323 : f32 to vector<1000x64xf32>
    %mul3A_325 = arith.mulf %mul3A_324, %slice3A_322 : vector<1000x64xf32>
    %add3A_326 = arith.constant 5.000000e-01 : f32
    %add3A_327 = vector.broadcast %add3A_326 : f32 to vector<1000x64xf32>
    %add3A_328 = arith.addf %mul3A_325, %add3A_327 : vector<1000x64xf32>
    %mul3A_329 = arith.mulf %add3A_320, %add3A_298 : vector<1000x64xf32>
    %mul3A_330 = arith.mulf %add3A_313, %slice3A_321 : vector<1000x64xf32>
    %add3A_331 = arith.addf %mul3A_329, %mul3A_330 : vector<1000x64xf32>
    %tanh3A_332 = math.tanh %add3A_331 : vector<1000x64xf32>
    %mul3A_333 = arith.mulf %add3A_328, %tanh3A_332 : vector<1000x64xf32>
    %convert_element_type3A_334 = arith.truncf %mul3A_333 : vector<1000x64xf32> to vector<1000x64xbf16>
    %slice3A_335 = vector.extract_strided_slice %convert_element_type3A_8 {offsets = [0, 320], sizes = [1000, 32], strides = [1, 1]} : vector<1000x640xbf16> to vector<1000x32xbf16>
    %concatenate3A_336 = tpu.concatenate %slice3A_335, %convert_element_type3A_334, %broadcast_in_dim3A_10 in 1 : vector<1000x32xbf16>, vector<1000x64xbf16>, vector<1000x8xbf16> -> vector<1000x104xbf16>
    %dot_general3A_337 = arith.constant dense<0.000000e+00> : vector<1000x256xf32>
    %dot_general3A_338 = tpu.matmul %concatenate3A_336, %convert_element_type3A, %dot_general3A_337 {dimension_numbers = #tpu.dot_dimension_numbers<[1], [0], [0], [1], [0, 0, 1, 1], [], []>, transpose_lhs_hint = false} : vector<1000x104xbf16>, vector<104x256xbf16>, vector<1000x256xf32> -> vector<1000x256xf32>
    %tanh3A_339 = math.tanh %dot_general3A_338 : vector<1000x256xf32>
    %slice3A_340 = vector.extract_strided_slice %tanh3A_339 {offsets = [0, 0], sizes = [1000, 64], strides = [1, 1]} : vector<1000x256xf32> to vector<1000x64xf32>
    %mul3A_341 = arith.constant 5.000000e-01 : f32
    %mul3A_342 = vector.broadcast %mul3A_341 : f32 to vector<1000x64xf32>
    %mul3A_343 = arith.mulf %mul3A_342, %slice3A_340 : vector<1000x64xf32>
    %add3A_344 = arith.constant 5.000000e-01 : f32
    %add3A_345 = vector.broadcast %add3A_344 : f32 to vector<1000x64xf32>
    %add3A_346 = arith.addf %mul3A_343, %add3A_345 : vector<1000x64xf32>
    %slice3A_347 = vector.extract_strided_slice %tanh3A_339 {offsets = [0, 64], sizes = [1000, 64], strides = [1, 1]} : vector<1000x256xf32> to vector<1000x64xf32>
    %mul3A_348 = arith.constant 5.000000e-01 : f32
    %mul3A_349 = vector.broadcast %mul3A_348 : f32 to vector<1000x64xf32>
    %mul3A_350 = arith.mulf %mul3A_349, %slice3A_347 : vector<1000x64xf32>
    %add3A_351 = arith.constant 5.000000e-01 : f32
    %add3A_352 = vector.broadcast %add3A_351 : f32 to vector<1000x64xf32>
    %add3A_353 = arith.addf %mul3A_350, %add3A_352 : vector<1000x64xf32>
    %slice3A_354 = vector.extract_strided_slice %tanh3A_339 {offsets = [0, 128], sizes = [1000, 64], strides = [1, 1]} : vector<1000x256xf32> to vector<1000x64xf32>
    %slice3A_355 = vector.extract_strided_slice %tanh3A_339 {offsets = [0, 192], sizes = [1000, 64], strides = [1, 1]} : vector<1000x256xf32> to vector<1000x64xf32>
    %mul3A_356 = arith.constant 5.000000e-01 : f32
    %mul3A_357 = vector.broadcast %mul3A_356 : f32 to vector<1000x64xf32>
    %mul3A_358 = arith.mulf %mul3A_357, %slice3A_355 : vector<1000x64xf32>
    %add3A_359 = arith.constant 5.000000e-01 : f32
    %add3A_360 = vector.broadcast %add3A_359 : f32 to vector<1000x64xf32>
    %add3A_361 = arith.addf %mul3A_358, %add3A_360 : vector<1000x64xf32>
    %mul3A_362 = arith.mulf %add3A_353, %add3A_331 : vector<1000x64xf32>
    %mul3A_363 = arith.mulf %add3A_346, %slice3A_354 : vector<1000x64xf32>
    %add3A_364 = arith.addf %mul3A_362, %mul3A_363 : vector<1000x64xf32>
    %tanh3A_365 = math.tanh %add3A_364 : vector<1000x64xf32>
    %mul3A_366 = arith.mulf %add3A_361, %tanh3A_365 : vector<1000x64xf32>
    %convert_element_type3A_367 = arith.truncf %mul3A_366 : vector<1000x64xf32> to vector<1000x64xbf16>
    %slice3A_368 = vector.extract_strided_slice %convert_element_type3A_8 {offsets = [0, 352], sizes = [1000, 32], strides = [1, 1]} : vector<1000x640xbf16> to vector<1000x32xbf16>
    %concatenate3A_369 = tpu.concatenate %slice3A_368, %convert_element_type3A_367, %broadcast_in_dim3A_10 in 1 : vector<1000x32xbf16>, vector<1000x64xbf16>, vector<1000x8xbf16> -> vector<1000x104xbf16>
    %dot_general3A_370 = arith.constant dense<0.000000e+00> : vector<1000x256xf32>
    %dot_general3A_371 = tpu.matmul %concatenate3A_369, %convert_element_type3A, %dot_general3A_370 {dimension_numbers = #tpu.dot_dimension_numbers<[1], [0], [0], [1], [0, 0, 1, 1], [], []>, transpose_lhs_hint = false} : vector<1000x104xbf16>, vector<104x256xbf16>, vector<1000x256xf32> -> vector<1000x256xf32>
    %tanh3A_372 = math.tanh %dot_general3A_371 : vector<1000x256xf32>
    %slice3A_373 = vector.extract_strided_slice %tanh3A_372 {offsets = [0, 0], sizes = [1000, 64], strides = [1, 1]} : vector<1000x256xf32> to vector<1000x64xf32>
    %mul3A_374 = arith.constant 5.000000e-01 : f32
    %mul3A_375 = vector.broadcast %mul3A_374 : f32 to vector<1000x64xf32>
    %mul3A_376 = arith.mulf %mul3A_375, %slice3A_373 : vector<1000x64xf32>
    %add3A_377 = arith.constant 5.000000e-01 : f32
    %add3A_378 = vector.broadcast %add3A_377 : f32 to vector<1000x64xf32>
    %add3A_379 = arith.addf %mul3A_376, %add3A_378 : vector<1000x64xf32>
    %slice3A_380 = vector.extract_strided_slice %tanh3A_372 {offsets = [0, 64], sizes = [1000, 64], strides = [1, 1]} : vector<1000x256xf32> to vector<1000x64xf32>
    %mul3A_381 = arith.constant 5.000000e-01 : f32
    %mul3A_382 = vector.broadcast %mul3A_381 : f32 to vector<1000x64xf32>
    %mul3A_383 = arith.mulf %mul3A_382, %slice3A_380 : vector<1000x64xf32>
    %add3A_384 = arith.constant 5.000000e-01 : f32
    %add3A_385 = vector.broadcast %add3A_384 : f32 to vector<1000x64xf32>
    %add3A_386 = arith.addf %mul3A_383, %add3A_385 : vector<1000x64xf32>
    %slice3A_387 = vector.extract_strided_slice %tanh3A_372 {offsets = [0, 128], sizes = [1000, 64], strides = [1, 1]} : vector<1000x256xf32> to vector<1000x64xf32>
    %slice3A_388 = vector.extract_strided_slice %tanh3A_372 {offsets = [0, 192], sizes = [1000, 64], strides = [1, 1]} : vector<1000x256xf32> to vector<1000x64xf32>
    %mul3A_389 = arith.constant 5.000000e-01 : f32
    %mul3A_390 = vector.broadcast %mul3A_389 : f32 to vector<1000x64xf32>
    %mul3A_391 = arith.mulf %mul3A_390, %slice3A_388 : vector<1000x64xf32>
    %add3A_392 = arith.constant 5.000000e-01 : f32
    %add3A_393 = vector.broadcast %add3A_392 : f32 to vector<1000x64xf32>
    %add3A_394 = arith.addf %mul3A_391, %add3A_393 : vector<1000x64xf32>
    %mul3A_395 = arith.mulf %add3A_386, %add3A_364 : vector<1000x64xf32>
    %mul3A_396 = arith.mulf %add3A_379, %slice3A_387 : vector<1000x64xf32>
    %add3A_397 = arith.addf %mul3A_395, %mul3A_396 : vector<1000x64xf32>
    %tanh3A_398 = math.tanh %add3A_397 : vector<1000x64xf32>
    %mul3A_399 = arith.mulf %add3A_394, %tanh3A_398 : vector<1000x64xf32>
    %convert_element_type3A_400 = arith.truncf %mul3A_399 : vector<1000x64xf32> to vector<1000x64xbf16>
    %slice3A_401 = vector.extract_strided_slice %convert_element_type3A_8 {offsets = [0, 384], sizes = [1000, 32], strides = [1, 1]} : vector<1000x640xbf16> to vector<1000x32xbf16>
    %concatenate3A_402 = tpu.concatenate %slice3A_401, %convert_element_type3A_400, %broadcast_in_dim3A_10 in 1 : vector<1000x32xbf16>, vector<1000x64xbf16>, vector<1000x8xbf16> -> vector<1000x104xbf16>
    %dot_general3A_403 = arith.constant dense<0.000000e+00> : vector<1000x256xf32>
    %dot_general3A_404 = tpu.matmul %concatenate3A_402, %convert_element_type3A, %dot_general3A_403 {dimension_numbers = #tpu.dot_dimension_numbers<[1], [0], [0], [1], [0, 0, 1, 1], [], []>, transpose_lhs_hint = false} : vector<1000x104xbf16>, vector<104x256xbf16>, vector<1000x256xf32> -> vector<1000x256xf32>
    %tanh3A_405 = math.tanh %dot_general3A_404 : vector<1000x256xf32>
    %slice3A_406 = vector.extract_strided_slice %tanh3A_405 {offsets = [0, 0], sizes = [1000, 64], strides = [1, 1]} : vector<1000x256xf32> to vector<1000x64xf32>
    %mul3A_407 = arith.constant 5.000000e-01 : f32
    %mul3A_408 = vector.broadcast %mul3A_407 : f32 to vector<1000x64xf32>
    %mul3A_409 = arith.mulf %mul3A_408, %slice3A_406 : vector<1000x64xf32>
    %add3A_410 = arith.constant 5.000000e-01 : f32
    %add3A_411 = vector.broadcast %add3A_410 : f32 to vector<1000x64xf32>
    %add3A_412 = arith.addf %mul3A_409, %add3A_411 : vector<1000x64xf32>
    %slice3A_413 = vector.extract_strided_slice %tanh3A_405 {offsets = [0, 64], sizes = [1000, 64], strides = [1, 1]} : vector<1000x256xf32> to vector<1000x64xf32>
    %mul3A_414 = arith.constant 5.000000e-01 : f32
    %mul3A_415 = vector.broadcast %mul3A_414 : f32 to vector<1000x64xf32>
    %mul3A_416 = arith.mulf %mul3A_415, %slice3A_413 : vector<1000x64xf32>
    %add3A_417 = arith.constant 5.000000e-01 : f32
    %add3A_418 = vector.broadcast %add3A_417 : f32 to vector<1000x64xf32>
    %add3A_419 = arith.addf %mul3A_416, %add3A_418 : vector<1000x64xf32>
    %slice3A_420 = vector.extract_strided_slice %tanh3A_405 {offsets = [0, 128], sizes = [1000, 64], strides = [1, 1]} : vector<1000x256xf32> to vector<1000x64xf32>
    %slice3A_421 = vector.extract_strided_slice %tanh3A_405 {offsets = [0, 192], sizes = [1000, 64], strides = [1, 1]} : vector<1000x256xf32> to vector<1000x64xf32>
    %mul3A_422 = arith.constant 5.000000e-01 : f32
    %mul3A_423 = vector.broadcast %mul3A_422 : f32 to vector<1000x64xf32>
    %mul3A_424 = arith.mulf %mul3A_423, %slice3A_421 : vector<1000x64xf32>
    %add3A_425 = arith.constant 5.000000e-01 : f32
    %add3A_426 = vector.broadcast %add3A_425 : f32 to vector<1000x64xf32>
    %add3A_427 = arith.addf %mul3A_424, %add3A_426 : vector<1000x64xf32>
    %mul3A_428 = arith.mulf %add3A_419, %add3A_397 : vector<1000x64xf32>
    %mul3A_429 = arith.mulf %add3A_412, %slice3A_420 : vector<1000x64xf32>
    %add3A_430 = arith.addf %mul3A_428, %mul3A_429 : vector<1000x64xf32>
    %tanh3A_431 = math.tanh %add3A_430 : vector<1000x64xf32>
    %mul3A_432 = arith.mulf %add3A_427, %tanh3A_431 : vector<1000x64xf32>
    %convert_element_type3A_433 = arith.truncf %mul3A_432 : vector<1000x64xf32> to vector<1000x64xbf16>
    %slice3A_434 = vector.extract_strided_slice %convert_element_type3A_8 {offsets = [0, 416], sizes = [1000, 32], strides = [1, 1]} : vector<1000x640xbf16> to vector<1000x32xbf16>
    %concatenate3A_435 = tpu.concatenate %slice3A_434, %convert_element_type3A_433, %broadcast_in_dim3A_10 in 1 : vector<1000x32xbf16>, vector<1000x64xbf16>, vector<1000x8xbf16> -> vector<1000x104xbf16>
    %dot_general3A_436 = arith.constant dense<0.000000e+00> : vector<1000x256xf32>
    %dot_general3A_437 = tpu.matmul %concatenate3A_435, %convert_element_type3A, %dot_general3A_436 {dimension_numbers = #tpu.dot_dimension_numbers<[1], [0], [0], [1], [0, 0, 1, 1], [], []>, transpose_lhs_hint = false} : vector<1000x104xbf16>, vector<104x256xbf16>, vector<1000x256xf32> -> vector<1000x256xf32>
    %tanh3A_438 = math.tanh %dot_general3A_437 : vector<1000x256xf32>
    %slice3A_439 = vector.extract_strided_slice %tanh3A_438 {offsets = [0, 0], sizes = [1000, 64], strides = [1, 1]} : vector<1000x256xf32> to vector<1000x64xf32>
    %mul3A_440 = arith.constant 5.000000e-01 : f32
    %mul3A_441 = vector.broadcast %mul3A_440 : f32 to vector<1000x64xf32>
    %mul3A_442 = arith.mulf %mul3A_441, %slice3A_439 : vector<1000x64xf32>
    %add3A_443 = arith.constant 5.000000e-01 : f32
    %add3A_444 = vector.broadcast %add3A_443 : f32 to vector<1000x64xf32>
    %add3A_445 = arith.addf %mul3A_442, %add3A_444 : vector<1000x64xf32>
    %slice3A_446 = vector.extract_strided_slice %tanh3A_438 {offsets = [0, 64], sizes = [1000, 64], strides = [1, 1]} : vector<1000x256xf32> to vector<1000x64xf32>
    %mul3A_447 = arith.constant 5.000000e-01 : f32
    %mul3A_448 = vector.broadcast %mul3A_447 : f32 to vector<1000x64xf32>
    %mul3A_449 = arith.mulf %mul3A_448, %slice3A_446 : vector<1000x64xf32>
    %add3A_450 = arith.constant 5.000000e-01 : f32
    %add3A_451 = vector.broadcast %add3A_450 : f32 to vector<1000x64xf32>
    %add3A_452 = arith.addf %mul3A_449, %add3A_451 : vector<1000x64xf32>
    %slice3A_453 = vector.extract_strided_slice %tanh3A_438 {offsets = [0, 128], sizes = [1000, 64], strides = [1, 1]} : vector<1000x256xf32> to vector<1000x64xf32>
    %slice3A_454 = vector.extract_strided_slice %tanh3A_438 {offsets = [0, 192], sizes = [1000, 64], strides = [1, 1]} : vector<1000x256xf32> to vector<1000x64xf32>
    %mul3A_455 = arith.constant 5.000000e-01 : f32
    %mul3A_456 = vector.broadcast %mul3A_455 : f32 to vector<1000x64xf32>
    %mul3A_457 = arith.mulf %mul3A_456, %slice3A_454 : vector<1000x64xf32>
    %add3A_458 = arith.constant 5.000000e-01 : f32
    %add3A_459 = vector.broadcast %add3A_458 : f32 to vector<1000x64xf32>
    %add3A_460 = arith.addf %mul3A_457, %add3A_459 : vector<1000x64xf32>
    %mul3A_461 = arith.mulf %add3A_452, %add3A_430 : vector<1000x64xf32>
    %mul3A_462 = arith.mulf %add3A_445, %slice3A_453 : vector<1000x64xf32>
    %add3A_463 = arith.addf %mul3A_461, %mul3A_462 : vector<1000x64xf32>
    %tanh3A_464 = math.tanh %add3A_463 : vector<1000x64xf32>
    %mul3A_465 = arith.mulf %add3A_460, %tanh3A_464 : vector<1000x64xf32>
    %convert_element_type3A_466 = arith.truncf %mul3A_465 : vector<1000x64xf32> to vector<1000x64xbf16>
    %slice3A_467 = vector.extract_strided_slice %convert_element_type3A_8 {offsets = [0, 448], sizes = [1000, 32], strides = [1, 1]} : vector<1000x640xbf16> to vector<1000x32xbf16>
    %concatenate3A_468 = tpu.concatenate %slice3A_467, %convert_element_type3A_466, %broadcast_in_dim3A_10 in 1 : vector<1000x32xbf16>, vector<1000x64xbf16>, vector<1000x8xbf16> -> vector<1000x104xbf16>
    %dot_general3A_469 = arith.constant dense<0.000000e+00> : vector<1000x256xf32>
    %dot_general3A_470 = tpu.matmul %concatenate3A_468, %convert_element_type3A, %dot_general3A_469 {dimension_numbers = #tpu.dot_dimension_numbers<[1], [0], [0], [1], [0, 0, 1, 1], [], []>, transpose_lhs_hint = false} : vector<1000x104xbf16>, vector<104x256xbf16>, vector<1000x256xf32> -> vector<1000x256xf32>
    %tanh3A_471 = math.tanh %dot_general3A_470 : vector<1000x256xf32>
    %slice3A_472 = vector.extract_strided_slice %tanh3A_471 {offsets = [0, 0], sizes = [1000, 64], strides = [1, 1]} : vector<1000x256xf32> to vector<1000x64xf32>
    %mul3A_473 = arith.constant 5.000000e-01 : f32
    %mul3A_474 = vector.broadcast %mul3A_473 : f32 to vector<1000x64xf32>
    %mul3A_475 = arith.mulf %mul3A_474, %slice3A_472 : vector<1000x64xf32>
    %add3A_476 = arith.constant 5.000000e-01 : f32
    %add3A_477 = vector.broadcast %add3A_476 : f32 to vector<1000x64xf32>
    %add3A_478 = arith.addf %mul3A_475, %add3A_477 : vector<1000x64xf32>
    %slice3A_479 = vector.extract_strided_slice %tanh3A_471 {offsets = [0, 64], sizes = [1000, 64], strides = [1, 1]} : vector<1000x256xf32> to vector<1000x64xf32>
    %mul3A_480 = arith.constant 5.000000e-01 : f32
    %mul3A_481 = vector.broadcast %mul3A_480 : f32 to vector<1000x64xf32>
    %mul3A_482 = arith.mulf %mul3A_481, %slice3A_479 : vector<1000x64xf32>
    %add3A_483 = arith.constant 5.000000e-01 : f32
    %add3A_484 = vector.broadcast %add3A_483 : f32 to vector<1000x64xf32>
    %add3A_485 = arith.addf %mul3A_482, %add3A_484 : vector<1000x64xf32>
    %slice3A_486 = vector.extract_strided_slice %tanh3A_471 {offsets = [0, 128], sizes = [1000, 64], strides = [1, 1]} : vector<1000x256xf32> to vector<1000x64xf32>
    %slice3A_487 = vector.extract_strided_slice %tanh3A_471 {offsets = [0, 192], sizes = [1000, 64], strides = [1, 1]} : vector<1000x256xf32> to vector<1000x64xf32>
    %mul3A_488 = arith.constant 5.000000e-01 : f32
    %mul3A_489 = vector.broadcast %mul3A_488 : f32 to vector<1000x64xf32>
    %mul3A_490 = arith.mulf %mul3A_489, %slice3A_487 : vector<1000x64xf32>
    %add3A_491 = arith.constant 5.000000e-01 : f32
    %add3A_492 = vector.broadcast %add3A_491 : f32 to vector<1000x64xf32>
    %add3A_493 = arith.addf %mul3A_490, %add3A_492 : vector<1000x64xf32>
    %mul3A_494 = arith.mulf %add3A_485, %add3A_463 : vector<1000x64xf32>
    %mul3A_495 = arith.mulf %add3A_478, %slice3A_486 : vector<1000x64xf32>
    %add3A_496 = arith.addf %mul3A_494, %mul3A_495 : vector<1000x64xf32>
    %tanh3A_497 = math.tanh %add3A_496 : vector<1000x64xf32>
    %mul3A_498 = arith.mulf %add3A_493, %tanh3A_497 : vector<1000x64xf32>
    %convert_element_type3A_499 = arith.truncf %mul3A_498 : vector<1000x64xf32> to vector<1000x64xbf16>
    %slice3A_500 = vector.extract_strided_slice %convert_element_type3A_8 {offsets = [0, 480], sizes = [1000, 32], strides = [1, 1]} : vector<1000x640xbf16> to vector<1000x32xbf16>
    %concatenate3A_501 = tpu.concatenate %slice3A_500, %convert_element_type3A_499, %broadcast_in_dim3A_10 in 1 : vector<1000x32xbf16>, vector<1000x64xbf16>, vector<1000x8xbf16> -> vector<1000x104xbf16>
    %dot_general3A_502 = arith.constant dense<0.000000e+00> : vector<1000x256xf32>
    %dot_general3A_503 = tpu.matmul %concatenate3A_501, %convert_element_type3A, %dot_general3A_502 {dimension_numbers = #tpu.dot_dimension_numbers<[1], [0], [0], [1], [0, 0, 1, 1], [], []>, transpose_lhs_hint = false} : vector<1000x104xbf16>, vector<104x256xbf16>, vector<1000x256xf32> -> vector<1000x256xf32>
    %tanh3A_504 = math.tanh %dot_general3A_503 : vector<1000x256xf32>
    %slice3A_505 = vector.extract_strided_slice %tanh3A_504 {offsets = [0, 0], sizes = [1000, 64], strides = [1, 1]} : vector<1000x256xf32> to vector<1000x64xf32>
    %mul3A_506 = arith.constant 5.000000e-01 : f32
    %mul3A_507 = vector.broadcast %mul3A_506 : f32 to vector<1000x64xf32>
    %mul3A_508 = arith.mulf %mul3A_507, %slice3A_505 : vector<1000x64xf32>
    %add3A_509 = arith.constant 5.000000e-01 : f32
    %add3A_510 = vector.broadcast %add3A_509 : f32 to vector<1000x64xf32>
    %add3A_511 = arith.addf %mul3A_508, %add3A_510 : vector<1000x64xf32>
    %slice3A_512 = vector.extract_strided_slice %tanh3A_504 {offsets = [0, 64], sizes = [1000, 64], strides = [1, 1]} : vector<1000x256xf32> to vector<1000x64xf32>
    %mul3A_513 = arith.constant 5.000000e-01 : f32
    %mul3A_514 = vector.broadcast %mul3A_513 : f32 to vector<1000x64xf32>
    %mul3A_515 = arith.mulf %mul3A_514, %slice3A_512 : vector<1000x64xf32>
    %add3A_516 = arith.constant 5.000000e-01 : f32
    %add3A_517 = vector.broadcast %add3A_516 : f32 to vector<1000x64xf32>
    %add3A_518 = arith.addf %mul3A_515, %add3A_517 : vector<1000x64xf32>
    %slice3A_519 = vector.extract_strided_slice %tanh3A_504 {offsets = [0, 128], sizes = [1000, 64], strides = [1, 1]} : vector<1000x256xf32> to vector<1000x64xf32>
    %slice3A_520 = vector.extract_strided_slice %tanh3A_504 {offsets = [0, 192], sizes = [1000, 64], strides = [1, 1]} : vector<1000x256xf32> to vector<1000x64xf32>
    %mul3A_521 = arith.constant 5.000000e-01 : f32
    %mul3A_522 = vector.broadcast %mul3A_521 : f32 to vector<1000x64xf32>
    %mul3A_523 = arith.mulf %mul3A_522, %slice3A_520 : vector<1000x64xf32>
    %add3A_524 = arith.constant 5.000000e-01 : f32
    %add3A_525 = vector.broadcast %add3A_524 : f32 to vector<1000x64xf32>
    %add3A_526 = arith.addf %mul3A_523, %add3A_525 : vector<1000x64xf32>
    %mul3A_527 = arith.mulf %add3A_518, %add3A_496 : vector<1000x64xf32>
    %mul3A_528 = arith.mulf %add3A_511, %slice3A_519 : vector<1000x64xf32>
    %add3A_529 = arith.addf %mul3A_527, %mul3A_528 : vector<1000x64xf32>
    %tanh3A_530 = math.tanh %add3A_529 : vector<1000x64xf32>
    %mul3A_531 = arith.mulf %add3A_526, %tanh3A_530 : vector<1000x64xf32>
    %convert_element_type3A_532 = arith.truncf %mul3A_531 : vector<1000x64xf32> to vector<1000x64xbf16>
    %slice3A_533 = vector.extract_strided_slice %convert_element_type3A_8 {offsets = [0, 512], sizes = [1000, 32], strides = [1, 1]} : vector<1000x640xbf16> to vector<1000x32xbf16>
    %concatenate3A_534 = tpu.concatenate %slice3A_533, %convert_element_type3A_532, %broadcast_in_dim3A_10 in 1 : vector<1000x32xbf16>, vector<1000x64xbf16>, vector<1000x8xbf16> -> vector<1000x104xbf16>
    %dot_general3A_535 = arith.constant dense<0.000000e+00> : vector<1000x256xf32>
    %dot_general3A_536 = tpu.matmul %concatenate3A_534, %convert_element_type3A, %dot_general3A_535 {dimension_numbers = #tpu.dot_dimension_numbers<[1], [0], [0], [1], [0, 0, 1, 1], [], []>, transpose_lhs_hint = false} : vector<1000x104xbf16>, vector<104x256xbf16>, vector<1000x256xf32> -> vector<1000x256xf32>
    %tanh3A_537 = math.tanh %dot_general3A_536 : vector<1000x256xf32>
    %slice3A_538 = vector.extract_strided_slice %tanh3A_537 {offsets = [0, 0], sizes = [1000, 64], strides = [1, 1]} : vector<1000x256xf32> to vector<1000x64xf32>
    %mul3A_539 = arith.constant 5.000000e-01 : f32
    %mul3A_540 = vector.broadcast %mul3A_539 : f32 to vector<1000x64xf32>
    %mul3A_541 = arith.mulf %mul3A_540, %slice3A_538 : vector<1000x64xf32>
    %add3A_542 = arith.constant 5.000000e-01 : f32
    %add3A_543 = vector.broadcast %add3A_542 : f32 to vector<1000x64xf32>
    %add3A_544 = arith.addf %mul3A_541, %add3A_543 : vector<1000x64xf32>
    %slice3A_545 = vector.extract_strided_slice %tanh3A_537 {offsets = [0, 64], sizes = [1000, 64], strides = [1, 1]} : vector<1000x256xf32> to vector<1000x64xf32>
    %mul3A_546 = arith.constant 5.000000e-01 : f32
    %mul3A_547 = vector.broadcast %mul3A_546 : f32 to vector<1000x64xf32>
    %mul3A_548 = arith.mulf %mul3A_547, %slice3A_545 : vector<1000x64xf32>
    %add3A_549 = arith.constant 5.000000e-01 : f32
    %add3A_550 = vector.broadcast %add3A_549 : f32 to vector<1000x64xf32>
    %add3A_551 = arith.addf %mul3A_548, %add3A_550 : vector<1000x64xf32>
    %slice3A_552 = vector.extract_strided_slice %tanh3A_537 {offsets = [0, 128], sizes = [1000, 64], strides = [1, 1]} : vector<1000x256xf32> to vector<1000x64xf32>
    %slice3A_553 = vector.extract_strided_slice %tanh3A_537 {offsets = [0, 192], sizes = [1000, 64], strides = [1, 1]} : vector<1000x256xf32> to vector<1000x64xf32>
    %mul3A_554 = arith.constant 5.000000e-01 : f32
    %mul3A_555 = vector.broadcast %mul3A_554 : f32 to vector<1000x64xf32>
    %mul3A_556 = arith.mulf %mul3A_555, %slice3A_553 : vector<1000x64xf32>
    %add3A_557 = arith.constant 5.000000e-01 : f32
    %add3A_558 = vector.broadcast %add3A_557 : f32 to vector<1000x64xf32>
    %add3A_559 = arith.addf %mul3A_556, %add3A_558 : vector<1000x64xf32>
    %mul3A_560 = arith.mulf %add3A_551, %add3A_529 : vector<1000x64xf32>
    %mul3A_561 = arith.mulf %add3A_544, %slice3A_552 : vector<1000x64xf32>
    %add3A_562 = arith.addf %mul3A_560, %mul3A_561 : vector<1000x64xf32>
    %tanh3A_563 = math.tanh %add3A_562 : vector<1000x64xf32>
    %mul3A_564 = arith.mulf %add3A_559, %tanh3A_563 : vector<1000x64xf32>
    %convert_element_type3A_565 = arith.truncf %mul3A_564 : vector<1000x64xf32> to vector<1000x64xbf16>
    %slice3A_566 = vector.extract_strided_slice %convert_element_type3A_8 {offsets = [0, 544], sizes = [1000, 32], strides = [1, 1]} : vector<1000x640xbf16> to vector<1000x32xbf16>
    %concatenate3A_567 = tpu.concatenate %slice3A_566, %convert_element_type3A_565, %broadcast_in_dim3A_10 in 1 : vector<1000x32xbf16>, vector<1000x64xbf16>, vector<1000x8xbf16> -> vector<1000x104xbf16>
    %dot_general3A_568 = arith.constant dense<0.000000e+00> : vector<1000x256xf32>
    %dot_general3A_569 = tpu.matmul %concatenate3A_567, %convert_element_type3A, %dot_general3A_568 {dimension_numbers = #tpu.dot_dimension_numbers<[1], [0], [0], [1], [0, 0, 1, 1], [], []>, transpose_lhs_hint = false} : vector<1000x104xbf16>, vector<104x256xbf16>, vector<1000x256xf32> -> vector<1000x256xf32>
    %tanh3A_570 = math.tanh %dot_general3A_569 : vector<1000x256xf32>
    %slice3A_571 = vector.extract_strided_slice %tanh3A_570 {offsets = [0, 0], sizes = [1000, 64], strides = [1, 1]} : vector<1000x256xf32> to vector<1000x64xf32>
    %mul3A_572 = arith.constant 5.000000e-01 : f32
    %mul3A_573 = vector.broadcast %mul3A_572 : f32 to vector<1000x64xf32>
    %mul3A_574 = arith.mulf %mul3A_573, %slice3A_571 : vector<1000x64xf32>
    %add3A_575 = arith.constant 5.000000e-01 : f32
    %add3A_576 = vector.broadcast %add3A_575 : f32 to vector<1000x64xf32>
    %add3A_577 = arith.addf %mul3A_574, %add3A_576 : vector<1000x64xf32>
    %slice3A_578 = vector.extract_strided_slice %tanh3A_570 {offsets = [0, 64], sizes = [1000, 64], strides = [1, 1]} : vector<1000x256xf32> to vector<1000x64xf32>
    %mul3A_579 = arith.constant 5.000000e-01 : f32
    %mul3A_580 = vector.broadcast %mul3A_579 : f32 to vector<1000x64xf32>
    %mul3A_581 = arith.mulf %mul3A_580, %slice3A_578 : vector<1000x64xf32>
    %add3A_582 = arith.constant 5.000000e-01 : f32
    %add3A_583 = vector.broadcast %add3A_582 : f32 to vector<1000x64xf32>
    %add3A_584 = arith.addf %mul3A_581, %add3A_583 : vector<1000x64xf32>
    %slice3A_585 = vector.extract_strided_slice %tanh3A_570 {offsets = [0, 128], sizes = [1000, 64], strides = [1, 1]} : vector<1000x256xf32> to vector<1000x64xf32>
    %slice3A_586 = vector.extract_strided_slice %tanh3A_570 {offsets = [0, 192], sizes = [1000, 64], strides = [1, 1]} : vector<1000x256xf32> to vector<1000x64xf32>
    %mul3A_587 = arith.constant 5.000000e-01 : f32
    %mul3A_588 = vector.broadcast %mul3A_587 : f32 to vector<1000x64xf32>
    %mul3A_589 = arith.mulf %mul3A_588, %slice3A_586 : vector<1000x64xf32>
    %add3A_590 = arith.constant 5.000000e-01 : f32
    %add3A_591 = vector.broadcast %add3A_590 : f32 to vector<1000x64xf32>
    %add3A_592 = arith.addf %mul3A_589, %add3A_591 : vector<1000x64xf32>
    %mul3A_593 = arith.mulf %add3A_584, %add3A_562 : vector<1000x64xf32>
    %mul3A_594 = arith.mulf %add3A_577, %slice3A_585 : vector<1000x64xf32>
    %add3A_595 = arith.addf %mul3A_593, %mul3A_594 : vector<1000x64xf32>
    %tanh3A_596 = math.tanh %add3A_595 : vector<1000x64xf32>
    %mul3A_597 = arith.mulf %add3A_592, %tanh3A_596 : vector<1000x64xf32>
    %convert_element_type3A_598 = arith.truncf %mul3A_597 : vector<1000x64xf32> to vector<1000x64xbf16>
    %slice3A_599 = vector.extract_strided_slice %convert_element_type3A_8 {offsets = [0, 576], sizes = [1000, 32], strides = [1, 1]} : vector<1000x640xbf16> to vector<1000x32xbf16>
    %concatenate3A_600 = tpu.concatenate %slice3A_599, %convert_element_type3A_598, %broadcast_in_dim3A_10 in 1 : vector<1000x32xbf16>, vector<1000x64xbf16>, vector<1000x8xbf16> -> vector<1000x104xbf16>
    %dot_general3A_601 = arith.constant dense<0.000000e+00> : vector<1000x256xf32>
    %dot_general3A_602 = tpu.matmul %concatenate3A_600, %convert_element_type3A, %dot_general3A_601 {dimension_numbers = #tpu.dot_dimension_numbers<[1], [0], [0], [1], [0, 0, 1, 1], [], []>, transpose_lhs_hint = false} : vector<1000x104xbf16>, vector<104x256xbf16>, vector<1000x256xf32> -> vector<1000x256xf32>
    %tanh3A_603 = math.tanh %dot_general3A_602 : vector<1000x256xf32>
    %slice3A_604 = vector.extract_strided_slice %tanh3A_603 {offsets = [0, 0], sizes = [1000, 64], strides = [1, 1]} : vector<1000x256xf32> to vector<1000x64xf32>
    %mul3A_605 = arith.constant 5.000000e-01 : f32
    %mul3A_606 = vector.broadcast %mul3A_605 : f32 to vector<1000x64xf32>
    %mul3A_607 = arith.mulf %mul3A_606, %slice3A_604 : vector<1000x64xf32>
    %add3A_608 = arith.constant 5.000000e-01 : f32
    %add3A_609 = vector.broadcast %add3A_608 : f32 to vector<1000x64xf32>
    %add3A_610 = arith.addf %mul3A_607, %add3A_609 : vector<1000x64xf32>
    %slice3A_611 = vector.extract_strided_slice %tanh3A_603 {offsets = [0, 64], sizes = [1000, 64], strides = [1, 1]} : vector<1000x256xf32> to vector<1000x64xf32>
    %mul3A_612 = arith.constant 5.000000e-01 : f32
    %mul3A_613 = vector.broadcast %mul3A_612 : f32 to vector<1000x64xf32>
    %mul3A_614 = arith.mulf %mul3A_613, %slice3A_611 : vector<1000x64xf32>
    %add3A_615 = arith.constant 5.000000e-01 : f32
    %add3A_616 = vector.broadcast %add3A_615 : f32 to vector<1000x64xf32>
    %add3A_617 = arith.addf %mul3A_614, %add3A_616 : vector<1000x64xf32>
    %slice3A_618 = vector.extract_strided_slice %tanh3A_603 {offsets = [0, 128], sizes = [1000, 64], strides = [1, 1]} : vector<1000x256xf32> to vector<1000x64xf32>
    %slice3A_619 = vector.extract_strided_slice %tanh3A_603 {offsets = [0, 192], sizes = [1000, 64], strides = [1, 1]} : vector<1000x256xf32> to vector<1000x64xf32>
    %mul3A_620 = arith.constant 5.000000e-01 : f32
    %mul3A_621 = vector.broadcast %mul3A_620 : f32 to vector<1000x64xf32>
    %mul3A_622 = arith.mulf %mul3A_621, %slice3A_619 : vector<1000x64xf32>
    %add3A_623 = arith.constant 5.000000e-01 : f32
    %add3A_624 = vector.broadcast %add3A_623 : f32 to vector<1000x64xf32>
    %add3A_625 = arith.addf %mul3A_622, %add3A_624 : vector<1000x64xf32>
    %mul3A_626 = arith.mulf %add3A_617, %add3A_595 : vector<1000x64xf32>
    %mul3A_627 = arith.mulf %add3A_610, %slice3A_618 : vector<1000x64xf32>
    %add3A_628 = arith.addf %mul3A_626, %mul3A_627 : vector<1000x64xf32>
    %tanh3A_629 = math.tanh %add3A_628 : vector<1000x64xf32>
    %mul3A_630 = arith.mulf %add3A_625, %tanh3A_629 : vector<1000x64xf32>
    %convert_element_type3A_631 = arith.truncf %mul3A_630 : vector<1000x64xf32> to vector<1000x64xbf16>
    %slice3A_632 = vector.extract_strided_slice %convert_element_type3A_8 {offsets = [0, 608], sizes = [1000, 32], strides = [1, 1]} : vector<1000x640xbf16> to vector<1000x32xbf16>
    %concatenate3A_633 = tpu.concatenate %slice3A_632, %convert_element_type3A_631, %broadcast_in_dim3A_10 in 1 : vector<1000x32xbf16>, vector<1000x64xbf16>, vector<1000x8xbf16> -> vector<1000x104xbf16>
    %dot_general3A_634 = arith.constant dense<0.000000e+00> : vector<1000x256xf32>
    %dot_general3A_635 = tpu.matmul %concatenate3A_633, %convert_element_type3A, %dot_general3A_634 {dimension_numbers = #tpu.dot_dimension_numbers<[1], [0], [0], [1], [0, 0, 1, 1], [], []>, transpose_lhs_hint = false} : vector<1000x104xbf16>, vector<104x256xbf16>, vector<1000x256xf32> -> vector<1000x256xf32>
    %tanh3A_636 = math.tanh %dot_general3A_635 : vector<1000x256xf32>
    %slice3A_637 = vector.extract_strided_slice %tanh3A_636 {offsets = [0, 0], sizes = [1000, 64], strides = [1, 1]} : vector<1000x256xf32> to vector<1000x64xf32>
    %mul3A_638 = arith.constant 5.000000e-01 : f32
    %mul3A_639 = vector.broadcast %mul3A_638 : f32 to vector<1000x64xf32>
    %mul3A_640 = arith.mulf %mul3A_639, %slice3A_637 : vector<1000x64xf32>
    %add3A_641 = arith.constant 5.000000e-01 : f32
    %add3A_642 = vector.broadcast %add3A_641 : f32 to vector<1000x64xf32>
    %add3A_643 = arith.addf %mul3A_640, %add3A_642 : vector<1000x64xf32>
    %slice3A_644 = vector.extract_strided_slice %tanh3A_636 {offsets = [0, 64], sizes = [1000, 64], strides = [1, 1]} : vector<1000x256xf32> to vector<1000x64xf32>
    %mul3A_645 = arith.constant 5.000000e-01 : f32
    %mul3A_646 = vector.broadcast %mul3A_645 : f32 to vector<1000x64xf32>
    %mul3A_647 = arith.mulf %mul3A_646, %slice3A_644 : vector<1000x64xf32>
    %add3A_648 = arith.constant 5.000000e-01 : f32
    %add3A_649 = vector.broadcast %add3A_648 : f32 to vector<1000x64xf32>
    %add3A_650 = arith.addf %mul3A_647, %add3A_649 : vector<1000x64xf32>
    %slice3A_651 = vector.extract_strided_slice %tanh3A_636 {offsets = [0, 128], sizes = [1000, 64], strides = [1, 1]} : vector<1000x256xf32> to vector<1000x64xf32>
    %slice3A_652 = vector.extract_strided_slice %tanh3A_636 {offsets = [0, 192], sizes = [1000, 64], strides = [1, 1]} : vector<1000x256xf32> to vector<1000x64xf32>
    %mul3A_653 = arith.constant 5.000000e-01 : f32
    %mul3A_654 = vector.broadcast %mul3A_653 : f32 to vector<1000x64xf32>
    %mul3A_655 = arith.mulf %mul3A_654, %slice3A_652 : vector<1000x64xf32>
    %add3A_656 = arith.constant 5.000000e-01 : f32
    %add3A_657 = vector.broadcast %add3A_656 : f32 to vector<1000x64xf32>
    %add3A_658 = arith.addf %mul3A_655, %add3A_657 : vector<1000x64xf32>
    %mul3A_659 = arith.mulf %add3A_650, %add3A_628 : vector<1000x64xf32>
    %mul3A_660 = arith.mulf %add3A_643, %slice3A_651 : vector<1000x64xf32>
    %add3A_661 = arith.addf %mul3A_659, %mul3A_660 : vector<1000x64xf32>
    %tanh3A_662 = math.tanh %add3A_661 : vector<1000x64xf32>
    %mul3A_663 = arith.mulf %add3A_658, %tanh3A_662 : vector<1000x64xf32>
    %convert_element_type3A_664 = arith.truncf %mul3A_663 : vector<1000x64xf32> to vector<1000x64xbf16>
    %get3A_665 = arith.constant 0 : index
    %get3A_666 = arith.constant 0 : index
    %get3A_667 = vector.load %arg2[%get3A_665, %get3A_666] : memref<1000x64xf32, #tpu.memory_space<vmem>>, vector<1000x64xf32>
    %get3A_668 = arith.constant 0 : index
    %get3A_669 = arith.constant 0 : index
    %get3A_670 = vector.load %arg5[%get3A_668, %get3A_669] : memref<64x32xf32, #tpu.memory_space<vmem>>, vector<64x32xf32>
    %dot_general3A_671 = arith.constant dense<0.000000e+00> : vector<1000x32xf32>
    %dot_general3A_672 = tpu.matmul %get3A_667, %get3A_670, %dot_general3A_671 {dimension_numbers = #tpu.dot_dimension_numbers<[1], [0], [0], [1], [0, 0, 1, 1], [], []>, transpose_lhs_hint = false} : vector<1000x64xf32>, vector<64x32xf32>, vector<1000x32xf32> -> vector<1000x32xf32>
    %get3A_673 = arith.constant 0 : index
    %get3A_674 = arith.constant 0 : index
    %get3A_675 = vector.load %arg6[%get3A_673, %get3A_674] : memref<1x32xf32, #tpu.memory_space<vmem>>, vector<1x32xf32>
    %add3A_676 = vector.broadcast %get3A_675 : vector<1x32xf32> to vector<1000x32xf32>
    %add3A_677 = arith.addf %dot_general3A_672, %add3A_676 : vector<1000x32xf32>
    %max3A = arith.constant 0.000000e+00 : f32
    %max3A_678 = vector.broadcast %max3A : f32 to vector<1000x32xf32>
    %max3A_679 = arith.maximumf %add3A_677, %max3A_678 : vector<1000x32xf32>
    %get3A_680 = arith.constant 0 : index
    %get3A_681 = arith.constant 0 : index
    %get3A_682 = vector.load %arg7[%get3A_680, %get3A_681] : memref<64x128xf32, #tpu.memory_space<vmem>>, vector<64x128xf32>
    %dot_general3A_683 = arith.constant dense<0.000000e+00> : vector<1000x128xf32>
    %dot_general3A_684 = tpu.matmul %convert_element_type3A_664, %get3A_682, %dot_general3A_683 {dimension_numbers = #tpu.dot_dimension_numbers<[1], [0], [0], [1], [0, 0, 1, 1], [], []>, transpose_lhs_hint = false} : vector<1000x64xbf16>, vector<64x128xf32>, vector<1000x128xf32> -> vector<1000x128xf32>
    %get3A_685 = arith.constant 0 : index
    %get3A_686 = arith.constant 0 : index
    %get3A_687 = vector.load %arg8[%get3A_685, %get3A_686] : memref<32x128xf32, #tpu.memory_space<vmem>>, vector<32x128xf32>
    %dot_general3A_688 = arith.constant dense<0.000000e+00> : vector<1000x128xf32>
    %dot_general3A_689 = tpu.matmul %max3A_679, %get3A_687, %dot_general3A_688 {dimension_numbers = #tpu.dot_dimension_numbers<[1], [0], [0], [1], [0, 0, 1, 1], [], []>, transpose_lhs_hint = false} : vector<1000x32xf32>, vector<32x128xf32>, vector<1000x128xf32> -> vector<1000x128xf32>
    %add3A_690 = arith.addf %dot_general3A_684, %dot_general3A_689 : vector<1000x128xf32>
    %get3A_691 = arith.constant 0 : index
    %get3A_692 = arith.constant 0 : index
    %get3A_693 = vector.load %arg9[%get3A_691, %get3A_692] : memref<1x128xf32, #tpu.memory_space<vmem>>, vector<1x128xf32>
    %add3A_694 = vector.broadcast %get3A_693 : vector<1x128xf32> to vector<1000x128xf32>
    %add3A_695 = arith.addf %add3A_690, %add3A_694 : vector<1000x128xf32>
    %max3A_696 = arith.constant 0.000000e+00 : f32
    %max3A_697 = vector.broadcast %max3A_696 : f32 to vector<1000x128xf32>
    %max3A_698 = arith.maximumf %add3A_695, %max3A_697 : vector<1000x128xf32>
    %get3A_699 = arith.constant 0 : index
    %get3A_700 = arith.constant 0 : index
    %get3A_701 = vector.load %arg10[%get3A_699, %get3A_700] : memref<128x64xf32, #tpu.memory_space<vmem>>, vector<128x64xf32>
    %dot_general3A_702 = arith.constant dense<0.000000e+00> : vector<1000x64xf32>
    %dot_general3A_703 = tpu.matmul %max3A_698, %get3A_701, %dot_general3A_702 {dimension_numbers = #tpu.dot_dimension_numbers<[1], [0], [0], [1], [0, 0, 1, 1], [], []>, transpose_lhs_hint = false} : vector<1000x128xf32>, vector<128x64xf32>, vector<1000x64xf32> -> vector<1000x64xf32>
    %get3A_704 = arith.constant 0 : index
    %get3A_705 = arith.constant 0 : index
    %get3A_706 = vector.load %arg3[%get3A_704, %get3A_705] : memref<1000x1xf32, #tpu.memory_space<vmem>>, vector<1000x1xf32>
    %add3A_707 = arith.constant 1.000000e+00 : f32
    %add3A_708 = vector.broadcast %add3A_707 : f32 to vector<1000x1xf32>
    %add3A_709 = arith.addf %get3A_706, %add3A_708 : vector<1000x1xf32>
    %rsqrt3A = math.rsqrt %add3A_709 : vector<1000x1xf32>
    %mul3A_710 = vector.broadcast %rsqrt3A : vector<1000x1xf32> to vector<1000x64xf32>
    %mul3A_711 = arith.mulf %mul3A_710, %dot_general3A_703 : vector<1000x64xf32>
    %swap3A = arith.constant 0 : index
    %swap3A_712 = arith.constant 0 : index
    %swap3A_713 = vector.load %arg11[%swap3A, %swap3A_712] : memref<1000x64xf32, #tpu.memory_space<vmem>>, vector<1000x64xf32>
    tpu.vector_store %arg11[%swap3A, %swap3A_712], %mul3A_711 {strides = array<i32>} : memref<1000x64xf32, #tpu.memory_space<vmem>>, vector<1000x64xf32>,
    return
  }
  func.func @transform_0(%arg0: i32) -> (i32, i32) {
    %c0_i32 = arith.constant 0 : i32
    %c0_i32_0 = arith.constant 0 : i32
    return %arg0, %c0_i32 : i32, i32
  }
  func.func @transform_1(%arg0: i32) -> (i32, i32) {
    %c0_i32 = arith.constant 0 : i32
    %c0_i32_0 = arith.constant 0 : i32
    return %arg0, %c0_i32 : i32, i32
  }
  func.func @transform_2(%arg0: i32) -> (i32, i32) {
    %c0_i32 = arith.constant 0 : i32
    %c0_i32_0 = arith.constant 0 : i32
    return %arg0, %c0_i32 : i32, i32
  }
  func.func @transform_3(%arg0: i32) -> (i32, i32) {
    %c0_i32 = arith.constant 0 : i32
    %c0_i32_0 = arith.constant 0 : i32
    %c0_i32_1 = arith.constant 0 : i32
    return %c0_i32, %c0_i32_0 : i32, i32
  }
  func.func @transform_4(%arg0: i32) -> (i32, i32) {
    %c0_i32 = arith.constant 0 : i32
    %c0_i32_0 = arith.constant 0 : i32
    %c0_i32_1 = arith.constant 0 : i32
    return %c0_i32, %c0_i32_0 : i32, i32
  }
  func.func @transform_5(%arg0: i32) -> (i32, i32) {
    %c0_i32 = arith.constant 0 : i32
    %c0_i32_0 = arith.constant 0 : i32
    %c0_i32_1 = arith.constant 0 : i32
    return %c0_i32, %c0_i32_0 : i32, i32
  }
  func.func @transform_6(%arg0: i32) -> (i32, i32) {
    %c0_i32 = arith.constant 0 : i32
    %c0_i32_0 = arith.constant 0 : i32
    %c0_i32_1 = arith.constant 0 : i32
    return %c0_i32, %c0_i32_0 : i32, i32
  }
  func.func @transform_7(%arg0: i32) -> (i32, i32) {
    %c0_i32 = arith.constant 0 : i32
    %c0_i32_0 = arith.constant 0 : i32
    %c0_i32_1 = arith.constant 0 : i32
    return %c0_i32, %c0_i32_0 : i32, i32
  }
  func.func @transform_8(%arg0: i32) -> (i32, i32) {
    %c0_i32 = arith.constant 0 : i32
    %c0_i32_0 = arith.constant 0 : i32
    %c0_i32_1 = arith.constant 0 : i32
    return %c0_i32, %c0_i32_0 : i32, i32
  }
  func.func @transform_9(%arg0: i32) -> (i32, i32) {
    %c0_i32 = arith.constant 0 : i32
    %c0_i32_0 = arith.constant 0 : i32
    %c0_i32_1 = arith.constant 0 : i32
    return %c0_i32, %c0_i32_0 : i32, i32
  }
  func.func @transform_10(%arg0: i32) -> (i32, i32) {
    %c0_i32 = arith.constant 0 : i32
    %c0_i32_0 = arith.constant 0 : i32
    return %arg0, %c0_i32 : i32, i32
  }
}

module attributes {stable_mosaic.version = 14 : i64} {
  func.func @_mid_body(%arg0: i32, %arg1: memref<2000x128xf32, #tpu.memory_space<vmem>>, %arg2: memref<2000x64xf32, #tpu.memory_space<vmem>>, %arg3: memref<2000x1xf32, #tpu.memory_space<vmem>>, %arg4: memref<1x64xf32, #tpu.memory_space<vmem>>, %arg5: memref<64x32xf32, #tpu.memory_space<vmem>>, %arg6: memref<2000x32xf32, #tpu.memory_space<vmem>>) attributes {dimension_semantics = [#tpu.dimension_semantics<arbitrary>], iteration_bounds = array<i64: 5>, scalar_prefetch = 0 : i64, scratch_operands = 0 : i64, tpu.core_type = #tpu.core_type<tc>, window_params = [{transform_indices = @transform_0, window_bounds = array<i64: 2000, 128>}, {transform_indices = @transform_1, window_bounds = array<i64: 2000, 64>}, {transform_indices = @transform_2, window_bounds = array<i64: 2000, 1>}, {pipeline_mode = #tpu.pipeline_mode<synchronous>, transform_indices = @transform_3, window_bounds = array<i64: 1, 64>}, {pipeline_mode = #tpu.pipeline_mode<synchronous>, transform_indices = @transform_4, window_bounds = array<i64: 64, 32>}, {transform_indices = @transform_5, window_bounds = array<i64: 2000, 32>}]} {
    %get3A = arith.constant 0 : index
    %get3A_0 = arith.constant 0 : index
    %get3A_1 = vector.load %arg3[%get3A, %get3A_0] : memref<2000x1xf32, #tpu.memory_space<vmem>>, vector<2000x1xf32>
    %add3A = arith.constant 1.000000e+00 : f32
    %add3A_2 = vector.broadcast %add3A : f32 to vector<2000x1xf32>
    %add3A_3 = arith.addf %get3A_1, %add3A_2 : vector<2000x1xf32>
    %rsqrt3A = math.rsqrt %add3A_3 : vector<2000x1xf32>
    %get3A_4 = arith.constant 0 : index
    %get3A_5 = arith.constant 0 : index
    %get3A_6 = vector.load %arg1[%get3A_4, %get3A_5] : memref<2000x128xf32, #tpu.memory_space<vmem>>, vector<2000x128xf32>
    %slice3A = vector.extract_strided_slice %get3A_6 {offsets = [0, 0], sizes = [2000, 64], strides = [1, 1]} : vector<2000x128xf32> to vector<2000x64xf32>
    %slice3A_7 = vector.extract_strided_slice %get3A_6 {offsets = [0, 64], sizes = [2000, 64], strides = [1, 1]} : vector<2000x128xf32> to vector<2000x64xf32>
    %add3A_8 = arith.addf %slice3A, %slice3A_7 : vector<2000x64xf32>
    %get3A_9 = arith.constant 0 : index
    %get3A_10 = arith.constant 0 : index
    %get3A_11 = vector.load %arg2[%get3A_9, %get3A_10] : memref<2000x64xf32, #tpu.memory_space<vmem>>, vector<2000x64xf32>
    %add3A_12 = arith.addf %add3A_8, %get3A_11 : vector<2000x64xf32>
    %mul3A = vector.broadcast %rsqrt3A : vector<2000x1xf32> to vector<2000x64xf32>
    %mul3A_13 = arith.mulf %mul3A, %add3A_12 : vector<2000x64xf32>
    %get3A_14 = arith.constant 0 : index
    %get3A_15 = arith.constant 0 : index
    %get3A_16 = vector.load %arg4[%get3A_14, %get3A_15] : memref<1x64xf32, #tpu.memory_space<vmem>>, vector<1x64xf32>
    %add3A_17 = vector.broadcast %get3A_16 : vector<1x64xf32> to vector<2000x64xf32>
    %add3A_18 = arith.addf %mul3A_13, %add3A_17 : vector<2000x64xf32>
    %max3A = arith.constant 0.000000e+00 : f32
    %max3A_19 = vector.broadcast %max3A : f32 to vector<2000x64xf32>
    %max3A_20 = arith.maximumf %add3A_18, %max3A_19 : vector<2000x64xf32>
    %get3A_21 = arith.constant 0 : index
    %get3A_22 = arith.constant 0 : index
    %get3A_23 = vector.load %arg5[%get3A_21, %get3A_22] : memref<64x32xf32, #tpu.memory_space<vmem>>, vector<64x32xf32>
    %dot_general3A = arith.constant dense<0.000000e+00> : vector<2000x32xf32>
    %dot_general3A_24 = tpu.matmul %max3A_20, %get3A_23, %dot_general3A {dimension_numbers = #tpu.dot_dimension_numbers<[1], [0], [0], [1], [0, 0, 1, 1], [], []>, transpose_lhs_hint = false} : vector<2000x64xf32>, vector<64x32xf32>, vector<2000x32xf32> -> vector<2000x32xf32>
    %mul3A_25 = vector.broadcast %rsqrt3A : vector<2000x1xf32> to vector<2000x32xf32>
    %mul3A_26 = arith.mulf %mul3A_25, %dot_general3A_24 : vector<2000x32xf32>
    %swap3A = arith.constant 0 : index
    %swap3A_27 = arith.constant 0 : index
    %swap3A_28 = vector.load %arg6[%swap3A, %swap3A_27] : memref<2000x32xf32, #tpu.memory_space<vmem>>, vector<2000x32xf32>
    tpu.vector_store %arg6[%swap3A, %swap3A_27], %mul3A_26 {strides = array<i32>} : memref<2000x32xf32, #tpu.memory_space<vmem>>, vector<2000x32xf32>,
    return
  }
  func.func @transform_0(%arg0: i32) -> (i32, i32) {
    %c0_i32 = arith.constant 0 : i32
    %c0_i32_0 = arith.constant 0 : i32
    return %arg0, %c0_i32 : i32, i32
  }
  func.func @transform_1(%arg0: i32) -> (i32, i32) {
    %c0_i32 = arith.constant 0 : i32
    %c0_i32_0 = arith.constant 0 : i32
    return %arg0, %c0_i32 : i32, i32
  }
  func.func @transform_2(%arg0: i32) -> (i32, i32) {
    %c0_i32 = arith.constant 0 : i32
    %c0_i32_0 = arith.constant 0 : i32
    return %arg0, %c0_i32 : i32, i32
  }
  func.func @transform_3(%arg0: i32) -> (i32, i32) {
    %c0_i32 = arith.constant 0 : i32
    %c0_i32_0 = arith.constant 0 : i32
    %c0_i32_1 = arith.constant 0 : i32
    return %c0_i32, %c0_i32_0 : i32, i32
  }
  func.func @transform_4(%arg0: i32) -> (i32, i32) {
    %c0_i32 = arith.constant 0 : i32
    %c0_i32_0 = arith.constant 0 : i32
    %c0_i32_1 = arith.constant 0 : i32
    return %c0_i32, %c0_i32_0 : i32, i32
  }
  func.func @transform_5(%arg0: i32) -> (i32, i32) {
    %c0_i32 = arith.constant 0 : i32
    %c0_i32_0 = arith.constant 0 : i32
    return %arg0, %c0_i32 : i32, i32
  }
}

module attributes {stable_mosaic.version = 14 : i64} {
  func.func @_fin_body(%arg0: i32, %arg1: memref<2000x64xf32, #tpu.memory_space<vmem>>, %arg2: memref<2000x32xf32, #tpu.memory_space<vmem>>, %arg3: memref<2000x1xf32, #tpu.memory_space<vmem>>, %arg4: memref<1x32xf32, #tpu.memory_space<vmem>>, %arg5: memref<2000x32xf32, #tpu.memory_space<vmem>>) attributes {dimension_semantics = [#tpu.dimension_semantics<arbitrary>], iteration_bounds = array<i64: 5>, scalar_prefetch = 0 : i64, scratch_operands = 0 : i64, tpu.core_type = #tpu.core_type<tc>, window_params = [{transform_indices = @transform_0, window_bounds = array<i64: 2000, 64>}, {transform_indices = @transform_1, window_bounds = array<i64: 2000, 32>}, {transform_indices = @transform_2, window_bounds = array<i64: 2000, 1>}, {pipeline_mode = #tpu.pipeline_mode<synchronous>, transform_indices = @transform_3, window_bounds = array<i64: 1, 32>}, {transform_indices = @transform_4, window_bounds = array<i64: 2000, 32>}]} {
    %get3A = arith.constant 0 : index
    %get3A_0 = arith.constant 0 : index
    %get3A_1 = vector.load %arg3[%get3A, %get3A_0] : memref<2000x1xf32, #tpu.memory_space<vmem>>, vector<2000x1xf32>
    %add3A = arith.constant 1.000000e+00 : f32
    %add3A_2 = vector.broadcast %add3A : f32 to vector<2000x1xf32>
    %add3A_3 = arith.addf %get3A_1, %add3A_2 : vector<2000x1xf32>
    %rsqrt3A = math.rsqrt %add3A_3 : vector<2000x1xf32>
    %get3A_4 = arith.constant 0 : index
    %get3A_5 = arith.constant 0 : index
    %get3A_6 = vector.load %arg1[%get3A_4, %get3A_5] : memref<2000x64xf32, #tpu.memory_space<vmem>>, vector<2000x64xf32>
    %slice3A = vector.extract_strided_slice %get3A_6 {offsets = [0, 0], sizes = [2000, 32], strides = [1, 1]} : vector<2000x64xf32> to vector<2000x32xf32>
    %slice3A_7 = vector.extract_strided_slice %get3A_6 {offsets = [0, 32], sizes = [2000, 32], strides = [1, 1]} : vector<2000x64xf32> to vector<2000x32xf32>
    %add3A_8 = arith.addf %slice3A, %slice3A_7 : vector<2000x32xf32>
    %get3A_9 = arith.constant 0 : index
    %get3A_10 = arith.constant 0 : index
    %get3A_11 = vector.load %arg2[%get3A_9, %get3A_10] : memref<2000x32xf32, #tpu.memory_space<vmem>>, vector<2000x32xf32>
    %add3A_12 = arith.addf %add3A_8, %get3A_11 : vector<2000x32xf32>
    %mul3A = vector.broadcast %rsqrt3A : vector<2000x1xf32> to vector<2000x32xf32>
    %mul3A_13 = arith.mulf %mul3A, %add3A_12 : vector<2000x32xf32>
    %get3A_14 = arith.constant 0 : index
    %get3A_15 = arith.constant 0 : index
    %get3A_16 = vector.load %arg4[%get3A_14, %get3A_15] : memref<1x32xf32, #tpu.memory_space<vmem>>, vector<1x32xf32>
    %add3A_17 = vector.broadcast %get3A_16 : vector<1x32xf32> to vector<2000x32xf32>
    %add3A_18 = arith.addf %mul3A_13, %add3A_17 : vector<2000x32xf32>
    %swap3A = arith.constant 0 : index
    %swap3A_19 = arith.constant 0 : index
    %swap3A_20 = vector.load %arg5[%swap3A, %swap3A_19] : memref<2000x32xf32, #tpu.memory_space<vmem>>, vector<2000x32xf32>
    tpu.vector_store %arg5[%swap3A, %swap3A_19], %add3A_18 {strides = array<i32>} : memref<2000x32xf32, #tpu.memory_space<vmem>>, vector<2000x32xf32>,
    return
  }
  func.func @transform_0(%arg0: i32) -> (i32, i32) {
    %c0_i32 = arith.constant 0 : i32
    %c0_i32_0 = arith.constant 0 : i32
    return %arg0, %c0_i32 : i32, i32
  }
  func.func @transform_1(%arg0: i32) -> (i32, i32) {
    %c0_i32 = arith.constant 0 : i32
    %c0_i32_0 = arith.constant 0 : i32
    return %arg0, %c0_i32 : i32, i32
  }
  func.func @transform_2(%arg0: i32) -> (i32, i32) {
    %c0_i32 = arith.constant 0 : i32
    %c0_i32_0 = arith.constant 0 : i32
    return %arg0, %c0_i32 : i32, i32
  }
  func.func @transform_3(%arg0: i32) -> (i32, i32) {
    %c0_i32 = arith.constant 0 : i32
    %c0_i32_0 = arith.constant 0 : i32
    %c0_i32_1 = arith.constant 0 : i32
    return %c0_i32, %c0_i32_0 : i32, i32
  }
  func.func @transform_4(%arg0: i32) -> (i32, i32) {
    %c0_i32 = arith.constant 0 : i32
    %c0_i32_0 = arith.constant 0 : i32
    return %arg0, %c0_i32 : i32, i32
  }
}

</mosaic_0001>

<sc_bundles>
// kernel: kernel.11.cloned.1.call-start
scs
__scs_entry_jumppad:
0x0: {  	(pc) =	sbr.rel $0x88, $3  }
0x1: {  	(tag) =	ssettag $0x0;
	lr =	simm.s32 $0x1  }
0x2: {  	[smem:$0x3F92] =	sst lr;
	_ =	strace $0xD0000000  }
0x3: {  	_ = 	snop  }
0x4: {  	_ = 	snop  }
0x5: {  	_ = 	snop  }
0x6: {  	_ = 	snop  }
0x7: {  	_ = 	snop  }
__scs_overlays_trampoline_lowered:
0x8: {  	[smem:$0x3FA1] =	sst s0  }
0x9: {  	[smem:$0x3FA2] =	sst s1  }
0xa: {  	[smem:$0x3FA3] =	sst s2  }
0xb: {  	[smem:$0x3FA4] =	sst s3  }
0xc: {  	[smem:$0x3FA5] =	sst s4  }
0xd: {  	[smem:$0x3FA6] =	sst s5  }
0xe: {  	[smem:$0x3FA7] =	sst s6  }
0xf: {  	[smem:$0x3FA8] =	sst s7  }
0x10: {  	[smem:$0x3FA9] =	sst s8  }
0x11: {  	[smem:$0x3FAA] =	sst s9;
	s0 =	simm.s32 @!p0 $0x0  }
0x12: {  	s1 =	sld [smem:$0x3F90];
	s0 =	simm.s32 @p0 $0x1  }
0x13: {  	[smem:$0x3FAB] =	sst s0;
	s0 =	simm.s32 @!p1 $0x0  }
0x14: {  	s2 =	sld [smem:$0x3F8F];
	s0 =	simm.s32 @p1 $0x1  }
0x15: {  	[smem:$0x3FAC] =	sst s0;
	s0 =	simm.s32 @!p2 $0x0  }
0x16: {  	s3 =	sld [smem:$0x3FDB];
	s0 =	simm.s32 @p2 $0x1  }
0x17: {  	s4 =	simm.s32 $0x1BF5;
	[smem:$0x3FAE] =	sst s0  }
0x18: {  	s0 =	sld [smem:$0x3F91];
	_ =	swait.ge [sflag:s4], $0x0  }
0x19: {  	s7 =	sld [smem:$0x3F92]  }
0x1a: {  	s8 =	sadd.s32 $0xFFFFE003, lr  }
0x1b: {  	s9 =	sadd.s32 $0xFFFFFEF7, lr;
	s5 =	simm.s32 $0xFFFFFFFF;
	p2 =	slt.u32 s8, $0xFFFFF086  }
0x1c: {  	p1 =	slt.u32 s9, $0xF7A;
	s5 =	simm.s32 @!p2 $0x0  }
0x1d: {  	s5 =	simm.s32 @p1 $0x1;
	p0 =	seq.s32 s7, s2  }
0x1e: {  	s7 =	smul.u32 @!p0 $0xF7A, s2;
	p2 =	seq.s32 @!p0 s5, $0x0  }
0x1f: {  	s9 =	smul.u32 $0xF7A, s1;
	s8 =	simm.s32 @!p0 $0x1BF5;
	p2 =	por !p2, p0  }
0x20: {  	[sflag:s8] =	ssyncset.s32 @!p0 $0xFFFFF086;
	s6 =	sadd.s32 @!p0 s3, s7;
	s7 =	simm.s32 @!p0 $0x108  }
0x21: {  	s3 =	sadd.s32 s3, s9;
	s6 =	sadd.s32 @!p0 $0x88, s6;
	s7 =	simm.s32 @p2 $0x1082  }
0x22: {  	[simem:s7], [sflag:s8] =	dma.local @!p0 [hbm:s6], $0xF7A  }
0x23: {  	s9 =	sor.u32 $0xD0000000, s2;
	s6 =	simm.s32 $0x108;
	_ =	swait.ge @!p0 [sflag:s8], $0x0  }
0x24: {  	s3 =	sadd.s32 $0x88, s3;
	s6 =	simm.s32 @!p1 $0x1082;
	[sflag:s4] =	ssyncset.s32 $0xFFFFF086  }
0x25: {  	[simem:s6], [sflag:s4] =	dma.local [hbm:s3], $0xF7A  }
0x26: {  	[smem:$0x3F92] =	sst s1;
	(tag) =	ssettag s2;
	_ =	strace s9  }
0x27: {  	s1 =	sld [smem:$0x3FA2]  }
0x28: {  	s2 =	sld [smem:$0x3FA3]  }
0x29: {  	s4 =	sld [smem:$0x3FA5]  }
0x2a: {  	p0 =	seq.s32 s5, $0x0;
	s5 =	sld [smem:$0x3FA6]  }
0x2b: {  	s6 =	sld [smem:$0x3FA7]  }
0x2c: {  	s7 =	sld [smem:$0x3FA8]  }
0x2d: {  	s3 =	simm.s32 $0x108;
	s8 =	sld [smem:$0x3FA9]  }
0x2e: {  	s3 =	simm.s32 @!p0 $0x1082;
	s9 =	sld [smem:$0x3FAA]  }
0x2f: {  	lr =	sadd.s32 s0, s3;
	s0 =	sld [smem:$0x3FA1]  }
0x30: {  	s3 =	sld [smem:$0x3FA4]  }
0x31: {  	[smem:$0x3FAD] =	sst s10  }
0x32: {  	s10 =	sld [smem:$0x3FAB];
	_ =	sdelay $0x3  }
0x33: {  	p0 =	seq.s32 s10, $0x1;
	s10 =	sld [smem:$0x3FAD];
	_ =	sdelay $0x3  }
0x34: {  	[smem:$0x3FAD] =	sst s10  }
0x35: {  	s10 =	sld [smem:$0x3FAC];
	_ =	sdelay $0x3  }
0x36: {  	p1 =	seq.s32 s10, $0x1;
	s10 =	sld [smem:$0x3FAD];
	_ =	sdelay $0x3  }
0x37: {  	[smem:$0x3FAD] =	sst s10  }
0x38: {  	s10 =	sld [smem:$0x3FAE]  }
0x39: {  	_ = 	snop;
	(pc) =	sbr.ind lr, $3  }
0x3a: {  	_ = 	snop  }
0x3b: {  	_ = 	snop  }
0x3c: {  	p2 =	seq.s32 s10, $0x1;
	s10 =	sld [smem:$0x3FAD]  }
0x3d: {  	_ =	shalt  }
0x3e: {  	_ =	shalt  }
0x3f: {  	_ =	shalt  }
0x40: {  	_ =	shalt  }
0x41: {  	_ =	shalt  }
0x42: {  	_ =	shalt  }
0x43: {  	_ =	shalt  }
0x44: {  	_ =	shalt  }
0x45: {  	_ =	shalt  }
0x46: {  	_ =	shalt  }
0x47: {  	_ =	shalt  }
0x48: {  	_ =	shalt  }
0x49: {  	_ =	shalt  }
0x4a: {  	_ =	shalt  }
0x4b: {  	_ =	shalt  }
0x4c: {  	_ =	shalt  }
0x4d: {  	_ =	shalt  }
0x4e: {  	_ =	shalt  }
0x4f: {  	_ =	shalt  }
0x50: {  	_ =	shalt  }
0x51: {  	_ =	shalt  }
0x52: {  	_ =	shalt  }
0x53: {  	_ =	shalt  }
0x54: {  	_ =	shalt  }
0x55: {  	_ =	shalt  }
0x56: {  	_ =	shalt  }
0x57: {  	_ =	shalt  }
0x58: {  	_ =	shalt  }
0x59: {  	_ =	shalt  }
0x5a: {  	_ =	shalt  }
0x5b: {  	_ =	shalt  }
0x5c: {  	_ =	shalt  }
0x5d: {  	_ =	shalt  }
0x5e: {  	_ =	shalt  }
0x5f: {  	_ =	shalt  }
0x60: {  	_ =	shalt  }
0x61: {  	_ =	shalt  }
0x62: {  	_ =	shalt  }
0x63: {  	_ =	shalt  }
0x64: {  	_ =	shalt  }
0x65: {  	_ =	shalt  }
0x66: {  	_ =	shalt  }
0x67: {  	_ =	shalt  }
0x68: {  	_ =	shalt  }
0x69: {  	_ =	shalt  }
0x6a: {  	_ =	shalt  }
0x6b: {  	_ =	shalt  }
0x6c: {  	_ =	shalt  }
0x6d: {  	_ =	shalt  }
0x6e: {  	_ =	shalt  }
0x6f: {  	_ =	shalt  }
0x70: {  	_ =	shalt  }
0x71: {  	_ =	shalt  }
0x72: {  	_ =	shalt  }
0x73: {  	_ =	shalt  }
0x74: {  	_ =	shalt  }
0x75: {  	_ =	shalt  }
0x76: {  	_ =	shalt  }
0x77: {  	_ =	shalt  }
0x78: {  	_ =	shalt  }
0x79: {  	_ =	shalt  }
0x7a: {  	_ =	shalt  }
0x7b: {  	_ =	shalt  }
0x7c: {  	_ =	shalt  }
0x7d: {  	_ =	shalt  }
0x7e: {  	_ =	shalt  }
0x7f: {  	_ =	shalt  }
0x80: {  	_ =	shalt  }
0x81: {  	_ =	shalt  }
0x82: {  	_ =	shalt  }
0x83: {  	_ =	shalt  }
0x84: {  	_ =	shalt  }
0x85: {  	_ =	shalt  }
0x86: {  	_ =	shalt  }
0x87: {  	_ =	shalt  }
.Lfunc_end0:
.L_simem_size_0:
called_computation.1_lowered:
.L_overlay_start_0:
0x88: {  	s2 =	sld [smem:$0x3FD9]  }
0x89: {  	s3 =	sld [smem:$0x3FFE];
	_ =	sdelay $0x1  }
0x8a: {  	s1 =	srdreg.scid  }
0x8b: {  	s0 =	sand.u32 $0x1, s1  }
0x8c: {  	s17 =	sshll.u32 s0, $0xA;
	s2 =	sadd.s32 s3, s2  }
0x8d: {  	s2 =	sadd.s32 s2, s17  }
0x8e: {  	[smem:$0x3FB9] =	sst s2  }
0x8f: {  	_ = 	snop  }
0x90: {  	s2 =	sld [smem:$0x3FD0];
	(tm) =	ssettm $0x1  }
0x91: {  	s18 =	sld [smem:$0x3FFB];
	_ =	sdelay $0x3  }
0x92: {  	_ =	strace s18  }
0x93: {  	s3 =	sld [smem:$0x3FFC];
	_ =	sdelay $0x3  }
0x94: {  	_ =	strace s3  }
0x95: {  	s3 =	sld [smem:$0x3FFD];
	_ =	sdelay $0x3  }
0x96: {  	_ =	strace s3  }
0x97: {  	_ =	strace $0x8FFFFFFF  }
0x98: {  	s19 =	sld [smem:$0x3FDB];
	_ =	sdelay $0x1  }
0x99: {  	s4 =	simm.s32 $_scs_section_size  }
0x9a: {  	s5 =	simm.s32 $_size__tile_overlayer_lowered;
	s6 =	simm.s32 $_tile_overlayer_lowered  }
0x9b: {  	s22 =	simm.s32 $0x1BFF;
	s21 =	sshll.u32 s6, $0x1;
	s3 =	sadd.s32 s4, s19  }
0x9c: {  	s7 =	simm.s32 $0x0;
	s20 =	sshll.u32 s5, $0x1;
	s5 =	sadd.s32 s21, s3  }
0x9d: {  	[timem:s7], [sflag:s22] =	dma.local [hbm:s5], s20  }
0x9e: {  	_ =	swait.ge [sflag:s22], s20  }
0x9f: {  	s4 =	ssub.s32 $0x0, s20;
	[sflag:s22] =	ssyncset.done $0x0  }
0xa0: {  	[sflag:s22] =	ssyncadd.s32 s4;
	_ =	sdelay $0x1  }
0xa1: {  	s23 =	simm.s32 $0x1B8B  }
0xa2: {  	_ =	swait.ge [sflag:s23], $0x1  }
0xa3: {  	[sflag:s23] =	ssyncset.done $0x0  }
0xa4: {  	s25 =	simm.s32 $0x1B8E;
	s24 =	sld [smem:$0x3FFE];
	[sflag:s23] =	ssyncadd.s32 $0xFFFFFFFF  }
0xa5: {  	s26 =	simm.s32 $execute0_lowered;
	[smem:$0x3FD2] =	sst s25  }
0xa6: {  	s5 =	sshll.u32 s26, $0x1;
	_ =	strace $0x80000049;
	[dreg:$0x1] =	wrdreg $0xFFFFFFFF  }
0xa7: {  	s28 =	simm.s32 $_size_execute0_lowered;
	s3 =	sadd.s32 s3, s5;
	[dreg:$0x0] =	wrdreg $0x0  }
0xa8: {  	s5 =	sshll.u32 s28, $0x1;
	[dreg:$0x2] =	wrdreg s3  }
0xa9: {  	[dreg:$0x3] =	wrdreg s5  }
0xaa: {  	[dreg:$0x4] =	wrdreg $0xC0  }
0xab: {  	_ =	task [dreg:s7], $0x5FFFF  }
0xac: {  	[dreg:$0x1] =	wrdreg $0xFFFFFFFF  }
0xad: {  	[dreg:$0x0] =	wrdreg $0x60  }
0xae: {  	[dreg:$0x2] =	wrdreg s24  }
0xaf: {  	[dreg:$0x3] =	wrdreg s2  }
0xb0: {  	[dreg:$0x4] =	wrdreg $0x9E200  }
0xb1: {  	[dreg:$0x5] =	wrdreg $0x9  }
0xb2: {  	_ =	task.clear_ibuf [dreg:s7], $0x6FFFF;
	_ =	strace $0x90000049  }
0xb3: {  	s29 =	simm.s32 $0x9;
	_ =	strace $0x8000004B  }
0xb4: {  	_ =	swait.ge [sflag:s29], $0x1  }
0xb5: {  	[sflag:s29] =	ssyncadd.s32 $0xFFFFFFFF  }
0xb6: {  	_ =	strace $0x9000004B  }
0xb7: {  	_ =	sfence  }
0xb8: {  	s30 =	sld [smem:$0x0];
	_ =	sdelay $0x2  }
0xb9: {  	s31 =	sshll.u32 s1, $0xD;
	s1 =	sshrl.u32 s1, $0x2  }
0xba: {  	s3 =	sand.u32 $0x4000, s31;
	s1 =	sadd.s32 s1, s30  }
0xbb: {  	s0 =	sor.u32 s3, s0;
	s1 =	sshll.u32 s1, $0x11  }
0xbc: {  	s0 =	sor.u32 s1, s0  }
0xbd: {  	s0 =	sadd.s32 $0x8F2B, s0  }
0xbe: {  	[sflag:s0] =	ssyncadd.remote.s32 $0x1  }
0xbf: {  	_ =	sfence.sel $0xFFFF  }
0xc0: {  	[dreg:$0x0] =	wrdreg $0xFFFFFFFF;
	(pc) =	sbr.abs _section_cstart, $3  }
0xc1: {  	[dreg:$0x1] =	wrdreg $0xFFFFFFFF  }
0xc2: {  	_ =	task.clear_ibuf [dreg:s7], $0x2FFFF;
	_ =	strace $0x9FFFFFFF  }
0xc3: {  	(tm) =	ssettm $0x7FFFFFFF  }
tec
execute0_lowered:
.L_overlay_start_1:
0x0: {  	(tag) =	ssettag $0x1  }
0x1: {  	s0 =	rddreg [dreg:$0x0]  }
0x2: {  	s1 =	srdreg.scid;
	s3 =	rddreg [dreg:$0x2]  }
0x3: {  	s10 =	stileid.u32;
	s4 =	simm.s32 $0x0;
	s14 =	simm.s32 $0x50  }
0x4: {  	s15 =	simm.s32 $0x4E20;
	s16 =	simm.s32 $0x6220;
	s18 =	simm.s32 $0x7620  }
0x5: {  	s20 =	simm.s32 $0x8A20;
	s21 =	simm.s32 $0x1;
	s22 =	simm.s32 $0x2  }
0x6: {  	s28 =	simm.s32 $0x4CE0;
	s29 =	simm.s32 $0x4D30;
	s30 =	simm.s32 $0x4D80  }
0x7: {  	s31 =	simm.s32 $0x4DD0;
	s1 =	sand.u32 $0x1, s1;
	s6 =	smul.u32 $0x14000, s10  }
0x8: {  	[smem:$0x7FF] =	sst s4;
	s5 =	sadd.s32 $0x16400, s0;
	s23 =	smul.u32 $0x28000, s10  }
0x9: {  	s26 =	sshll.u32 s10, $0x6;
	s2 =	sshll.u32 s1, $0x4;
	_ =	strace $0x8000004A  }
0xa: {  	s7 =	sshll.u32 s1, $0x6;
	s1 =	ssub.s32 $0x2, s1;
	s12 =	sor.u32 $0x1C05, s26  }
0xb: {  	s26 =	simm.s32 $0x26C0;
	s2 =	sor.u32 s10, s2;
	s6 =	sor.u32 s7, s6  }
0xc: {  	s8 =	sshrl.u32 s1, $0x1;
	s24 =	sshrl.u32 s23, $0x2;
	s10 =	simm.s32 $0x5  }
0xd: {  	s23 =	simm.s32 $0x3;
	s2 =	smul.u32 $0x2710, s2;
	s6 =	sshrl.u32 s6, $0x3  }
0xe: {  	s1 =	ssub.s32 s1, s8;
	s25 =	sadd.s32 s24, s3;
	s24 =	simm.s32 $0x4  }
0xf: {  	s9 =	smax.u32 s1, $0x1;
	s13 =	sshrl.u32 s25, $0x3;
	s2 =	sshrl.u32 s2, $0x3  }
0x10: {  	s25 =	simm.s32 $0x4C90;
	s1 =	simm.s32 $0x8;
	s2 =	sadd.s32 s2, s0  }
0x11: {  	s0 =	sadd.s32 s6, s0;
	s6 =	sadd.s32 $0x2A00, s2;
	s7 =	sadd.s32 $0xC640, s2  }
0x12: {  	s8 =	sadd.s32 $0x29E00, s0;
	s0 =	simm.s32 $0x10;
	s2 =	simm.s32 $0x0  }
.LBB2_1:
0x13: {  	[tilespmem:s4], [sflag:$0x5] =	stream.linear.gather [hbm4b:s6+s4], $0x2710, $0x38;
	[tilespmem:$0x13E20] =	vst v63  }
0x14: {  	_ =	swait.ge [sflag:s10], $0x2710  }
0x15: {  	[sflag:s10] =	ssyncset.done $0x0  }
0x16: {  	s11 =	simm.s32 $0x2710;
	[sflag:s10] =	ssyncadd.s32 $0xFFFFD8F0  }
0x17: {  	[tilespmem:s11], [sflag:$0x5] =	stream.linear.gather [hbm4b:s7+s4], $0x2710, $0x38;
	[tilespmem:$0x13E20] =	vst v63  }
0x18: {  	_ =	swait.ge [sflag:s10], $0x2710  }
0x19: {  	[sflag:s10] =	ssyncset.done $0x0  }
0x1a: {  	[sflag:s10] =	ssyncadd.s32 $0xFFFFD8F0  }
0x1b: {  	s17 =	rddreg [dreg:$0x1]  }
0x1c: {  	[spmem:s13], [sflag:s12] =	dma.local [hbm:s17], $0x1400  }
0x1d: {  	_ =	swait.ge [sflag:s10], $0x1400  }
0x1e: {  	[sflag:s10] =	ssyncset.done $0x0  }
0x1f: {  	[sflag:s10] =	ssyncadd.s32 $0xFFFFEC00  }
0x20: {  	[bflag:$0x0] =	sbarrier.arrive $0xFFFF  }
0x21: {  	[tilespmem:s15], [sflag:$0x1] =	stream.indirect.gather [hbm4b:s5+s14], $0x40, s4, s14, $0xb8;
	[tilespmem:$0x13E20] =	vst v63  }
0x22: {  	_ = 	snop  }
0x23: {  	[tilespmem:s16], [sflag:$0x2] =	stream.indirect.gather [hbm4b:s5+s14], $0x40, s14, s14, $0xb8;
	[tilespmem:$0x13E20] =	vst v63  }
0x24: {  	s19 =	simm.s32 $0xA0  }
0x25: {  	[tilespmem:s18], [sflag:$0x3] =	stream.indirect.gather [hbm4b:s5+s14], $0x40, s19, s14, $0xb8;
	[tilespmem:$0x13E20] =	vst v63  }
0x26: {  	s17 =	simm.s32 $0xF0  }
0x27: {  	[tilespmem:s20], [sflag:$0x4] =	stream.indirect.gather [hbm4b:s5+s14], $0x40, s17, s14, $0xb8;
	[tilespmem:$0x13E20] =	vst v63  }
0x28: {  	_ =	swait.ge [sflag:s21], $0x1400  }
0x29: {  	[sflag:s21] =	ssyncset.done $0x0  }
0x2a: {  	s19 =	simm.s32 $0x2710;
	[sflag:s21] =	ssyncadd.s32 $0xFFFFEC00  }
0x2b: {  	[spmem:s3] =	stream.indirect.scatter.add.f32 [tilespmem:s15], [sflag:$0x5], $0x40, s19, s14, $0xb8;
	[tilespmem:$0x13E20] =	vst v63  }
0x2c: {  	_ =	swait.ge [sflag:s10], $0x1400  }
0x2d: {  	[sflag:s10] =	ssyncset.done $0x0  }
0x2e: {  	s17 =	simm.s32 $0x140;
	[sflag:s10] =	ssyncadd.s32 $0xFFFFEC00  }
0x2f: {  	[tilespmem:s15], [sflag:$0x1] =	stream.indirect.gather [hbm4b:s5+s14], $0x40, s17, s14, $0xb8;
	[tilespmem:$0x13E20] =	vst v63  }
0x30: {  	_ =	swait.ge [sflag:s22], $0x1400  }
0x31: {  	[sflag:s22] =	ssyncset.done $0x0  }
0x32: {  	s19 =	simm.s32 $0x2760;
	[sflag:s22] =	ssyncadd.s32 $0xFFFFEC00  }
0x33: {  	[spmem:s3] =	stream.indirect.scatter.add.f32 [tilespmem:s16], [sflag:$0x5], $0x40, s19, s14, $0xb8;
	[tilespmem:$0x13E20] =	vst v63  }
0x34: {  	_ =	swait.ge [sflag:s10], $0x1400  }
0x35: {  	[sflag:s10] =	ssyncset.done $0x0  }
0x36: {  	s17 =	simm.s32 $0x190;
	[sflag:s10] =	ssyncadd.s32 $0xFFFFEC00  }
0x37: {  	[tilespmem:s16], [sflag:$0x2] =	stream.indirect.gather [hbm4b:s5+s14], $0x40, s17, s14, $0xb8;
	[tilespmem:$0x13E20] =	vst v63  }
0x38: {  	_ =	swait.ge [sflag:s23], $0x1400  }
0x39: {  	[sflag:s23] =	ssyncset.done $0x0  }
0x3a: {  	s19 =	simm.s32 $0x27B0;
	[sflag:s23] =	ssyncadd.s32 $0xFFFFEC00  }
0x3b: {  	[spmem:s3] =	stream.indirect.scatter.add.f32 [tilespmem:s18], [sflag:$0x5], $0x40, s19, s14, $0xb8;
	[tilespmem:$0x13E20] =	vst v63  }
0x3c: {  	_ =	swait.ge [sflag:s10], $0x1400  }
0x3d: {  	[sflag:s10] =	ssyncset.done $0x0  }
0x3e: {  	s17 =	simm.s32 $0x1E0;
	[sflag:s10] =	ssyncadd.s32 $0xFFFFEC00  }
0x3f: {  	[tilespmem:s18], [sflag:$0x3] =	stream.indirect.gather [hbm4b:s5+s14], $0x40, s17, s14, $0xb8;
	[tilespmem:$0x13E20] =	vst v63  }
0x40: {  	_ =	swait.ge [sflag:s24], $0x1400  }
0x41: {  	[sflag:s24] =	ssyncset.done $0x0  }
0x42: {  	s19 =	simm.s32 $0x2800;
	[sflag:s24] =	ssyncadd.s32 $0xFFFFEC00  }
0x43: {  	[spmem:s3] =	stream.indirect.scatter.add.f32 [tilespmem:s20], [sflag:$0x5], $0x40, s19, s14, $0xb8;
	[tilespmem:$0x13E20] =	vst v63  }
0x44: {  	_ =	swait.ge [sflag:s10], $0x1400  }
0x45: {  	[sflag:s10] =	ssyncset.done $0x0  }
0x46: {  	s11 =	simm.s32 $0x500;
	s17 =	simm.s32 $0x230;
	[sflag:s10] =	ssyncadd.s32 $0xFFFFEC00  }
.LBB2_2:
0x47: {  	[tilespmem:s20], [sflag:$0x4] =	stream.indirect.gather [hbm4b:s5+s14], $0x40, s17, s14, $0xb8;
	[tilespmem:$0x13E20] =	vst v63  }
0x48: {  	s17 =	smov.u32 s11  }
0x49: {  	p0 =	sne.s32 s11, $0x9100;
	s11 =	sadd.s32 $0x500, s11;
	_ =	swait.ge [sflag:s21], $0x1400  }
0x4a: {  	s17 =	sshra.s32 s17, $0x2;
	[sflag:s21] =	ssyncset.done $0x0  }
0x4b: {  	s19 =	sadd.s32 $0x2710, s17;
	[sflag:s21] =	ssyncadd.s32 $0xFFFFEC00  }
0x4c: {  	[spmem:s3] =	stream.indirect.scatter.add.f32 [tilespmem:s15], [sflag:$0x5], $0x40, s19, s14, $0xb8;
	[tilespmem:$0x13E20] =	vst v63  }
0x4d: {  	_ =	swait.ge [sflag:s10], $0x1400  }
0x4e: {  	[sflag:s10] =	ssyncset.done $0x0  }
0x4f: {  	s19 =	sadd.s32 $0x140, s17;
	[sflag:s10] =	ssyncadd.s32 $0xFFFFEC00  }
0x50: {  	[tilespmem:s15], [sflag:$0x1] =	stream.indirect.gather [hbm4b:s5+s14], $0x40, s19, s14, $0xb8;
	[tilespmem:$0x13E20] =	vst v63  }
0x51: {  	_ =	swait.ge [sflag:s22], $0x1400  }
0x52: {  	[sflag:s22] =	ssyncset.done $0x0  }
0x53: {  	s19 =	sadd.s32 $0x2760, s17;
	[sflag:s22] =	ssyncadd.s32 $0xFFFFEC00  }
0x54: {  	[spmem:s3] =	stream.indirect.scatter.add.f32 [tilespmem:s16], [sflag:$0x5], $0x40, s19, s14, $0xb8;
	[tilespmem:$0x13E20] =	vst v63  }
0x55: {  	_ =	swait.ge [sflag:s10], $0x1400  }
0x56: {  	[sflag:s10] =	ssyncset.done $0x0  }
0x57: {  	s19 =	sadd.s32 $0x190, s17;
	[sflag:s10] =	ssyncadd.s32 $0xFFFFEC00  }
0x58: {  	[tilespmem:s16], [sflag:$0x2] =	stream.indirect.gather [hbm4b:s5+s14], $0x40, s19, s14, $0xb8;
	[tilespmem:$0x13E20] =	vst v63  }
0x59: {  	_ =	swait.ge [sflag:s23], $0x1400  }
0x5a: {  	[sflag:s23] =	ssyncset.done $0x0  }
0x5b: {  	s19 =	sadd.s32 $0x27B0, s17;
	[sflag:s23] =	ssyncadd.s32 $0xFFFFEC00  }
0x5c: {  	[spmem:s3] =	stream.indirect.scatter.add.f32 [tilespmem:s18], [sflag:$0x5], $0x40, s19, s14, $0xb8;
	[tilespmem:$0x13E20] =	vst v63  }
0x5d: {  	_ =	swait.ge [sflag:s10], $0x1400  }
0x5e: {  	[sflag:s10] =	ssyncset.done $0x0  }
0x5f: {  	s19 =	sadd.s32 $0x1E0, s17;
	[sflag:s10] =	ssyncadd.s32 $0xFFFFEC00  }
0x60: {  	[tilespmem:s18], [sflag:$0x3] =	stream.indirect.gather [hbm4b:s5+s14], $0x40, s19, s14, $0xb8;
	[tilespmem:$0x13E20] =	vst v63  }
0x61: {  	_ =	swait.ge [sflag:s24], $0x1400  }
0x62: {  	[sflag:s24] =	ssyncset.done $0x0  }
.Ltmp0:
0x63: {  	s19 =	sadd.s32 $0x2800, s17;
	[sflag:s24] =	ssyncadd.s32 $0xFFFFEC00;
	(pc) =	sbr.rel @p0 .LBB2_2-.Ltmp0, $4  }
0x64: {  	[spmem:s3] =	stream.indirect.scatter.add.f32 [tilespmem:s20], [sflag:$0x5], $0x40, s19, s14, $0xb8;
	[tilespmem:$0x13E20] =	vst v63  }
0x65: {  	_ =	swait.ge [sflag:s10], $0x1400  }
0x66: {  	[sflag:s10] =	ssyncset.done $0x0  }
0x67: {  	s17 =	sadd.s32 $0x230, s17;
	[sflag:s10] =	ssyncadd.s32 $0xFFFFEC00  }
0x68: {  	[tilespmem:s20], [sflag:$0x4] =	stream.indirect.gather [hbm4b:s5+s14], $0x40, s17, s14, $0xb8;
	[tilespmem:$0x13E20] =	vst v63  }
0x69: {  	_ =	swait.ge [sflag:s21], $0x1400  }
0x6a: {  	[sflag:s21] =	ssyncset.done $0x0  }
0x6b: {  	[sflag:s21] =	ssyncadd.s32 $0xFFFFEC00  }
0x6c: {  	[spmem:s3] =	stream.indirect.scatter.add.f32 [tilespmem:s15], [sflag:$0x5], $0x40, s25, s14, $0xb8;
	[tilespmem:$0x13E20] =	vst v63  }
0x6d: {  	_ =	swait.ge [sflag:s10], $0x1400  }
0x6e: {  	[sflag:s10] =	ssyncset.done $0x0  }
0x6f: {  	[sflag:s10] =	ssyncadd.s32 $0xFFFFEC00  }
0x70: {  	[tilespmem:s15], [sflag:$0x1] =	stream.indirect.gather [hbm4b:s5+s14], $0x40, s26, s14, $0xb8;
	[tilespmem:$0x13E20] =	vst v63  }
0x71: {  	_ =	swait.ge [sflag:s22], $0x1400  }
0x72: {  	[sflag:s22] =	ssyncset.done $0x0  }
0x73: {  	[sflag:s22] =	ssyncadd.s32 $0xFFFFEC00  }
0x74: {  	[spmem:s3] =	stream.indirect.scatter.add.f32 [tilespmem:s16], [sflag:$0x5], $0x40, s28, s14, $0xb8;
	[tilespmem:$0x13E20] =	vst v63  }
0x75: {  	_ =	swait.ge [sflag:s10], $0x1400  }
0x76: {  	[sflag:s10] =	ssyncset.done $0x0  }
0x77: {  	[sflag:s10] =	ssyncadd.s32 $0xFFFFEC00  }
0x78: {  	_ =	swait.ge [sflag:s23], $0x1400  }
0x79: {  	[sflag:s23] =	ssyncset.done $0x0  }
0x7a: {  	[sflag:s23] =	ssyncadd.s32 $0xFFFFEC00  }
0x7b: {  	[spmem:s3] =	stream.indirect.scatter.add.f32 [tilespmem:s18], [sflag:$0x5], $0x40, s29, s14, $0xb8;
	[tilespmem:$0x13E20] =	vst v63  }
0x7c: {  	_ =	swait.ge [sflag:s10], $0x1400  }
0x7d: {  	[sflag:s10] =	ssyncset.done $0x0  }
0x7e: {  	[sflag:s10] =	ssyncadd.s32 $0xFFFFEC00  }
0x7f: {  	_ =	swait.ge [sflag:s24], $0x1400  }
0x80: {  	[sflag:s24] =	ssyncset.done $0x0  }
0x81: {  	[sflag:s24] =	ssyncadd.s32 $0xFFFFEC00  }
0x82: {  	[spmem:s3] =	stream.indirect.scatter.add.f32 [tilespmem:s20], [sflag:$0x5], $0x40, s30, s14, $0xb8;
	[tilespmem:$0x13E20] =	vst v63  }
0x83: {  	_ =	swait.ge [sflag:s10], $0x1400  }
0x84: {  	[sflag:s10] =	ssyncset.done $0x0  }
0x85: {  	[sflag:s10] =	ssyncadd.s32 $0xFFFFEC00  }
0x86: {  	_ =	swait.ge [sflag:s21], $0x1400  }
0x87: {  	[sflag:s21] =	ssyncset.done $0x0  }
0x88: {  	[sflag:s21] =	ssyncadd.s32 $0xFFFFEC00  }
0x89: {  	[spmem:s3] =	stream.indirect.scatter.add.f32 [tilespmem:s15], [sflag:$0x5], $0x40, s31, s14, $0xb8;
	[tilespmem:$0x13E20] =	vst v63  }
0x8a: {  	_ =	swait.ge [sflag:s10], $0x1400  }
0x8b: {  	s2 =	sadd.s32 $0x1, s2;
	[sflag:s10] =	ssyncset.done $0x0  }
0x8c: {  	p0 =	sne.s32 s2, s9;
	[sflag:s10] =	ssyncadd.s32 $0xFFFFEC00  }
.Ltmp1:
0x8d: {  	[bflag:$0x0] =	sbarrier.arrive $0xFFFF;
	(pc) =	sbr.rel @p0 .LBB2_1-.Ltmp1, $4  }
0x8e: {  	[hbm:s8@s0], [sflag:s12] =	dma.strided [spmem:s13@s1], $0x1400, s21, $0x8   }
0x8f: {  	_ =	swait.ge [sflag:s10], $0x1400  }
0x90: {  	[sflag:s10] =	ssyncset.done $0x0  }
0x91: {  	[sflag:s10] =	ssyncadd.s32 $0xFFFFEC00  }
0x92: {  	_ =	sfence.sel $0x180000  }
0x93: {  	[bflag:$0x0] =	sbarrier.arrive $0xFFFF  }
0x94: {  	_ =	strace $0x9000004A  }
0x95: {  	s0 =	stileid.u32;
	[bflag:$0x2] =	sbarrier.arrive $0xFFFF  }
0x96: {  	p0 =	sne.s32 s0, $0x0;
	s0 =	rddreg [dreg:$0x3]  }
0x97: {  	s0 =	sadd.s32 @!p0 $0x100000, s0  }
0x98: {  	[sflag:s0] =	ssyncadd.tile.s32 @!p0 $0x1;
	_ =	shalt  }
.Lfunc_end2:
_tile_overlayer_lowered:
.L_overlay_start_2:
0x99: {  	(tag) =	ssettag $0x2  }
0x9a: {  	s0 =	rddreg [dreg:$0x0];
	s2 =	stileid.u32  }
0x9b: {  	s1 =	rddreg [dreg:$0x1];
	p0 =	sne.s32 s2, $0x0  }
0x9c: {  	s3 =	rddreg [dreg:$0x2];
	[bflag:$0x3] =	sbarrier.arrive $0xFFFF;
	s2 =	simm.s32 @!p0 $0x1C05  }
0x9d: {  	[timem:s3], [sflag:s2] =	dma.local @!p0 [hbm:s0], s1  }
0x9e: {  	s0 =	simm.s32 @!p0 $0x5  }
0x9f: {  	_ =	swait.ge @!p0 [sflag:s0], s1  }
0xa0: {  	s1 =	ssub.s32 @!p0 $0x0, s1;
	[sflag:s0] =	ssyncset.done @!p0 $0x0  }
0xa1: {  	[sflag:s0] =	ssyncadd.s32 @!p0 s1  }
0xa2: {  	[bflag:$0x3] =	sbarrier.arrive $0xFFFF  }
0xa3: {  	_ =	shalt  }

// kernel: kernel.14.cloned.1.call-start
scs
__scs_entry_jumppad:
0x0: {  	(pc) =	sbr.rel $0x88, $3  }
0x1: {  	(tag) =	ssettag $0x0;
	lr =	simm.s32 $0x1  }
0x2: {  	[smem:$0x3F92] =	sst lr;
	_ =	strace $0xD0000000  }
0x3: {  	_ = 	snop  }
0x4: {  	_ = 	snop  }
0x5: {  	_ = 	snop  }
0x6: {  	_ = 	snop  }
0x7: {  	_ = 	snop  }
__scs_overlays_trampoline_lowered:
0x8: {  	[smem:$0x3FA1] =	sst s0  }
0x9: {  	[smem:$0x3FA2] =	sst s1  }
0xa: {  	[smem:$0x3FA3] =	sst s2  }
0xb: {  	[smem:$0x3FA4] =	sst s3  }
0xc: {  	[smem:$0x3FA5] =	sst s4  }
0xd: {  	[smem:$0x3FA6] =	sst s5  }
0xe: {  	[smem:$0x3FA7] =	sst s6  }
0xf: {  	[smem:$0x3FA8] =	sst s7  }
0x10: {  	[smem:$0x3FA9] =	sst s8  }
0x11: {  	[smem:$0x3FAA] =	sst s9;
	s0 =	simm.s32 @!p0 $0x0  }
0x12: {  	s1 =	sld [smem:$0x3F90];
	s0 =	simm.s32 @p0 $0x1  }
0x13: {  	[smem:$0x3FAB] =	sst s0;
	s0 =	simm.s32 @!p1 $0x0  }
0x14: {  	s2 =	sld [smem:$0x3F8F];
	s0 =	simm.s32 @p1 $0x1  }
0x15: {  	[smem:$0x3FAC] =	sst s0;
	s0 =	simm.s32 @!p2 $0x0  }
0x16: {  	s3 =	sld [smem:$0x3FDB];
	s0 =	simm.s32 @p2 $0x1  }
0x17: {  	s4 =	simm.s32 $0x1BF5;
	[smem:$0x3FAE] =	sst s0  }
0x18: {  	s0 =	sld [smem:$0x3F91];
	_ =	swait.ge [sflag:s4], $0x0  }
0x19: {  	s7 =	sld [smem:$0x3F92]  }
0x1a: {  	s8 =	sadd.s32 $0xFFFFE003, lr  }
0x1b: {  	s9 =	sadd.s32 $0xFFFFFEF7, lr;
	s5 =	simm.s32 $0xFFFFFFFF;
	p2 =	slt.u32 s8, $0xFFFFF086  }
0x1c: {  	p1 =	slt.u32 s9, $0xF7A;
	s5 =	simm.s32 @!p2 $0x0  }
0x1d: {  	s5 =	simm.s32 @p1 $0x1;
	p0 =	seq.s32 s7, s2  }
0x1e: {  	s7 =	smul.u32 @!p0 $0xF7A, s2;
	p2 =	seq.s32 @!p0 s5, $0x0  }
0x1f: {  	s9 =	smul.u32 $0xF7A, s1;
	s8 =	simm.s32 @!p0 $0x1BF5;
	p2 =	por !p2, p0  }
0x20: {  	[sflag:s8] =	ssyncset.s32 @!p0 $0xFFFFF086;
	s6 =	sadd.s32 @!p0 s3, s7;
	s7 =	simm.s32 @!p0 $0x108  }
0x21: {  	s3 =	sadd.s32 s3, s9;
	s6 =	sadd.s32 @!p0 $0x88, s6;
	s7 =	simm.s32 @p2 $0x1082  }
0x22: {  	[simem:s7], [sflag:s8] =	dma.local @!p0 [hbm:s6], $0xF7A  }
0x23: {  	s9 =	sor.u32 $0xD0000000, s2;
	s6 =	simm.s32 $0x108;
	_ =	swait.ge @!p0 [sflag:s8], $0x0  }
0x24: {  	s3 =	sadd.s32 $0x88, s3;
	s6 =	simm.s32 @!p1 $0x1082;
	[sflag:s4] =	ssyncset.s32 $0xFFFFF086  }
0x25: {  	[simem:s6], [sflag:s4] =	dma.local [hbm:s3], $0xF7A  }
0x26: {  	[smem:$0x3F92] =	sst s1;
	(tag) =	ssettag s2;
	_ =	strace s9  }
0x27: {  	s1 =	sld [smem:$0x3FA2]  }
0x28: {  	s2 =	sld [smem:$0x3FA3]  }
0x29: {  	s4 =	sld [smem:$0x3FA5]  }
0x2a: {  	p0 =	seq.s32 s5, $0x0;
	s5 =	sld [smem:$0x3FA6]  }
0x2b: {  	s6 =	sld [smem:$0x3FA7]  }
0x2c: {  	s7 =	sld [smem:$0x3FA8]  }
0x2d: {  	s3 =	simm.s32 $0x108;
	s8 =	sld [smem:$0x3FA9]  }
0x2e: {  	s3 =	simm.s32 @!p0 $0x1082;
	s9 =	sld [smem:$0x3FAA]  }
0x2f: {  	lr =	sadd.s32 s0, s3;
	s0 =	sld [smem:$0x3FA1]  }
0x30: {  	s3 =	sld [smem:$0x3FA4]  }
0x31: {  	[smem:$0x3FAD] =	sst s10  }
0x32: {  	s10 =	sld [smem:$0x3FAB];
	_ =	sdelay $0x3  }
0x33: {  	p0 =	seq.s32 s10, $0x1;
	s10 =	sld [smem:$0x3FAD];
	_ =	sdelay $0x3  }
0x34: {  	[smem:$0x3FAD] =	sst s10  }
0x35: {  	s10 =	sld [smem:$0x3FAC];
	_ =	sdelay $0x3  }
0x36: {  	p1 =	seq.s32 s10, $0x1;
	s10 =	sld [smem:$0x3FAD];
	_ =	sdelay $0x3  }
0x37: {  	[smem:$0x3FAD] =	sst s10  }
0x38: {  	s10 =	sld [smem:$0x3FAE]  }
0x39: {  	_ = 	snop;
	(pc) =	sbr.ind lr, $3  }
0x3a: {  	_ = 	snop  }
0x3b: {  	_ = 	snop  }
0x3c: {  	p2 =	seq.s32 s10, $0x1;
	s10 =	sld [smem:$0x3FAD]  }
0x3d: {  	_ =	shalt  }
0x3e: {  	_ =	shalt  }
0x3f: {  	_ =	shalt  }
0x40: {  	_ =	shalt  }
0x41: {  	_ =	shalt  }
0x42: {  	_ =	shalt  }
0x43: {  	_ =	shalt  }
0x44: {  	_ =	shalt  }
0x45: {  	_ =	shalt  }
0x46: {  	_ =	shalt  }
0x47: {  	_ =	shalt  }
0x48: {  	_ =	shalt  }
0x49: {  	_ =	shalt  }
0x4a: {  	_ =	shalt  }
0x4b: {  	_ =	shalt  }
0x4c: {  	_ =	shalt  }
0x4d: {  	_ =	shalt  }
0x4e: {  	_ =	shalt  }
0x4f: {  	_ =	shalt  }
0x50: {  	_ =	shalt  }
0x51: {  	_ =	shalt  }
0x52: {  	_ =	shalt  }
0x53: {  	_ =	shalt  }
0x54: {  	_ =	shalt  }
0x55: {  	_ =	shalt  }
0x56: {  	_ =	shalt  }
0x57: {  	_ =	shalt  }
0x58: {  	_ =	shalt  }
0x59: {  	_ =	shalt  }
0x5a: {  	_ =	shalt  }
0x5b: {  	_ =	shalt  }
0x5c: {  	_ =	shalt  }
0x5d: {  	_ =	shalt  }
0x5e: {  	_ =	shalt  }
0x5f: {  	_ =	shalt  }
0x60: {  	_ =	shalt  }
0x61: {  	_ =	shalt  }
0x62: {  	_ =	shalt  }
0x63: {  	_ =	shalt  }
0x64: {  	_ =	shalt  }
0x65: {  	_ =	shalt  }
0x66: {  	_ =	shalt  }
0x67: {  	_ =	shalt  }
0x68: {  	_ =	shalt  }
0x69: {  	_ =	shalt  }
0x6a: {  	_ =	shalt  }
0x6b: {  	_ =	shalt  }
0x6c: {  	_ =	shalt  }
0x6d: {  	_ =	shalt  }
0x6e: {  	_ =	shalt  }
0x6f: {  	_ =	shalt  }
0x70: {  	_ =	shalt  }
0x71: {  	_ =	shalt  }
0x72: {  	_ =	shalt  }
0x73: {  	_ =	shalt  }
0x74: {  	_ =	shalt  }
0x75: {  	_ =	shalt  }
0x76: {  	_ =	shalt  }
0x77: {  	_ =	shalt  }
0x78: {  	_ =	shalt  }
0x79: {  	_ =	shalt  }
0x7a: {  	_ =	shalt  }
0x7b: {  	_ =	shalt  }
0x7c: {  	_ =	shalt  }
0x7d: {  	_ =	shalt  }
0x7e: {  	_ =	shalt  }
0x7f: {  	_ =	shalt  }
0x80: {  	_ =	shalt  }
0x81: {  	_ =	shalt  }
0x82: {  	_ =	shalt  }
0x83: {  	_ =	shalt  }
0x84: {  	_ =	shalt  }
0x85: {  	_ =	shalt  }
0x86: {  	_ =	shalt  }
0x87: {  	_ =	shalt  }
.Lfunc_end0:
.L_simem_size_0:
called_computation.2_lowered:
.L_overlay_start_0:
0x88: {  	s2 =	sld [smem:$0x3FD9]  }
0x89: {  	s3 =	sld [smem:$0x3FFE];
	_ =	sdelay $0x1  }
0x8a: {  	s1 =	srdreg.scid  }
0x8b: {  	s0 =	sand.u32 $0x1, s1  }
0x8c: {  	s17 =	sshll.u32 s0, $0xA;
	s2 =	sadd.s32 s3, s2  }
0x8d: {  	s2 =	sadd.s32 s2, s17  }
0x8e: {  	[smem:$0x3FB9] =	sst s2  }
0x8f: {  	_ = 	snop  }
0x90: {  	s2 =	sld [smem:$0x3FD0];
	(tm) =	ssettm $0x1  }
0x91: {  	s18 =	sld [smem:$0x3FFB];
	_ =	sdelay $0x3  }
0x92: {  	_ =	strace s18  }
0x93: {  	s3 =	sld [smem:$0x3FFC];
	_ =	sdelay $0x3  }
0x94: {  	_ =	strace s3  }
0x95: {  	s3 =	sld [smem:$0x3FFD];
	_ =	sdelay $0x3  }
0x96: {  	_ =	strace s3  }
0x97: {  	_ =	strace $0x8FFFFFFF  }
0x98: {  	s19 =	sld [smem:$0x3FDB];
	_ =	sdelay $0x1  }
0x99: {  	s4 =	simm.s32 $_scs_section_size  }
0x9a: {  	s5 =	simm.s32 $_size__tile_overlayer_lowered;
	s6 =	simm.s32 $_tile_overlayer_lowered  }
0x9b: {  	s22 =	simm.s32 $0x1BFF;
	s21 =	sshll.u32 s6, $0x1;
	s3 =	sadd.s32 s4, s19  }
0x9c: {  	s7 =	simm.s32 $0x0;
	s20 =	sshll.u32 s5, $0x1;
	s5 =	sadd.s32 s21, s3  }
0x9d: {  	[timem:s7], [sflag:s22] =	dma.local [hbm:s5], s20  }
0x9e: {  	_ =	swait.ge [sflag:s22], s20  }
0x9f: {  	s4 =	ssub.s32 $0x0, s20;
	[sflag:s22] =	ssyncset.done $0x0  }
0xa0: {  	[sflag:s22] =	ssyncadd.s32 s4;
	_ =	sdelay $0x1  }
0xa1: {  	s23 =	simm.s32 $0x1B8B  }
0xa2: {  	_ =	swait.ge [sflag:s23], $0x1  }
0xa3: {  	[sflag:s23] =	ssyncset.done $0x0  }
0xa4: {  	s25 =	simm.s32 $0x1B8E;
	s24 =	sld [smem:$0x3FFE];
	[sflag:s23] =	ssyncadd.s32 $0xFFFFFFFF  }
0xa5: {  	s26 =	simm.s32 $execute0_lowered;
	[smem:$0x3FD2] =	sst s25  }
0xa6: {  	s5 =	sshll.u32 s26, $0x1;
	_ =	strace $0x8000004C;
	[dreg:$0x1] =	wrdreg $0xFFFFFFFF  }
0xa7: {  	s28 =	simm.s32 $_size_execute0_lowered;
	s3 =	sadd.s32 s3, s5;
	[dreg:$0x0] =	wrdreg $0x0  }
0xa8: {  	s5 =	sshll.u32 s28, $0x1;
	[dreg:$0x2] =	wrdreg s3  }
0xa9: {  	[dreg:$0x3] =	wrdreg s5  }
0xaa: {  	[dreg:$0x4] =	wrdreg $0xC0  }
0xab: {  	_ =	task [dreg:s7], $0x5FFFF  }
0xac: {  	[dreg:$0x1] =	wrdreg $0xFFFFFFFF  }
0xad: {  	[dreg:$0x0] =	wrdreg $0x60  }
0xae: {  	[dreg:$0x2] =	wrdreg s2  }
0xaf: {  	[dreg:$0x3] =	wrdreg s24  }
0xb0: {  	[dreg:$0x4] =	wrdreg $0x76200  }
0xb1: {  	[dreg:$0x5] =	wrdreg $0x9  }
0xb2: {  	_ =	task.clear_ibuf [dreg:s7], $0x6FFFF;
	_ =	strace $0x9000004C  }
0xb3: {  	s29 =	simm.s32 $0x9;
	_ =	strace $0x8000004E  }
0xb4: {  	_ =	swait.ge [sflag:s29], $0x1  }
0xb5: {  	[sflag:s29] =	ssyncadd.s32 $0xFFFFFFFF  }
0xb6: {  	_ =	strace $0x9000004E  }
0xb7: {  	_ =	sfence  }
0xb8: {  	s30 =	sld [smem:$0x0];
	_ =	sdelay $0x2  }
0xb9: {  	s31 =	sshll.u32 s1, $0xD;
	s1 =	sshrl.u32 s1, $0x2  }
0xba: {  	s3 =	sand.u32 $0x4000, s31;
	s1 =	sadd.s32 s1, s30  }
0xbb: {  	s0 =	sor.u32 s3, s0;
	s1 =	sshll.u32 s1, $0x11  }
0xbc: {  	s0 =	sor.u32 s1, s0  }
0xbd: {  	s0 =	sadd.s32 $0x8F2B, s0  }
0xbe: {  	[sflag:s0] =	ssyncadd.remote.s32 $0x1  }
0xbf: {  	_ =	sfence.sel $0xFFFF  }
0xc0: {  	[dreg:$0x0] =	wrdreg $0xFFFFFFFF;
	(pc) =	sbr.abs _section_cstart, $3  }
0xc1: {  	[dreg:$0x1] =	wrdreg $0xFFFFFFFF  }
0xc2: {  	_ =	task.clear_ibuf [dreg:s7], $0x2FFFF;
	_ =	strace $0x9FFFFFFF  }
0xc3: {  	(tm) =	ssettm $0x7FFFFFFF  }
tec
execute0_lowered:
.L_overlay_start_1:
0x0: {  	(tag) =	ssettag $0x1  }
0x1: {  	s1 =	rddreg [dreg:$0x0]  }
0x2: {  	s0 =	srdreg.scid;
	s2 =	rddreg [dreg:$0x1]  }
0x3: {  	s12 =	stileid.u32;
	s3 =	rddreg [dreg:$0x2];
	s10 =	simm.s32 $0x5  }
0x4: {  	s14 =	simm.s32 $0x50;
	s15 =	simm.s32 $0x4E20;
	s16 =	simm.s32 $0x5820  }
0x5: {  	s18 =	simm.s32 $0x6220;
	s20 =	simm.s32 $0x6C20;
	s21 =	simm.s32 $0x1  }
0x6: {  	s22 =	simm.s32 $0x2;
	s28 =	simm.s32 $0x4CE0;
	s29 =	simm.s32 $0x4D30  }
0x7: {  	s30 =	simm.s32 $0x4D80;
	s31 =	simm.s32 $0x4DD0;
	s6 =	smul.u32 $0xA000, s12  }
0x8: {  	s0 =	sand.u32 $0x1, s0;
	s9 =	smul.u32 $0x14000, s12;
	s26 =	sshll.u32 s12, $0x6  }
0x9: {  	s4 =	sshll.u32 s0, $0x4;
	s7 =	sshll.u32 s0, $0x5;
	s0 =	ssub.s32 $0x2, s0  }
0xa: {  	s5 =	sor.u32 s12, s4;
	s4 =	simm.s32 $0x0;
	s23 =	sor.u32 s7, s6  }
0xb: {  	s24 =	sshrl.u32 s0, $0x1;
	s25 =	sshrl.u32 s9, $0x2;
	s12 =	sor.u32 $0x1C05, s26  }
0xc: {  	s26 =	simm.s32 $0x26C0;
	s5 =	smul.u32 $0x2710, s5;
	[smem:$0x7FF] =	sst s4  }
0xd: {  	s6 =	sshrl.u32 s23, $0x3;
	s0 =	ssub.s32 s0, s24;
	s11 =	sadd.s32 s25, s3  }
0xe: {  	s23 =	simm.s32 $0x3;
	s24 =	simm.s32 $0x4;
	s25 =	simm.s32 $0x4C90  }
0xf: {  	_ =	strace $0x8000004D;
	s9 =	smax.u32 s0, $0x1;
	s5 =	sshrl.u32 s5, $0x3  }
0x10: {  	s13 =	sshrl.u32 s11, $0x3;
	s0 =	simm.s32 $0x0;
	s8 =	sadd.s32 s5, s2  }
0x11: {  	s5 =	sadd.s32 $0x16400, s2;
	s2 =	sadd.s32 s6, s2;
	s6 =	sadd.s32 $0x2A00, s8  }
0x12: {  	s7 =	sadd.s32 $0xC640, s8;
	s8 =	sadd.s32 $0x16E00, s2;
	s2 =	simm.s32 $0x8  }
.LBB2_1:
0x13: {  	[tilespmem:s4], [sflag:$0x5] =	stream.linear.gather [hbm4b:s6+s4], $0x2710, $0x38;
	[tilespmem:$0xC620] =	vst v63  }
0x14: {  	_ =	swait.ge [sflag:s10], $0x2710  }
0x15: {  	[sflag:s10] =	ssyncset.done $0x0  }
0x16: {  	s11 =	simm.s32 $0x2710;
	[sflag:s10] =	ssyncadd.s32 $0xFFFFD8F0  }
0x17: {  	[tilespmem:s11], [sflag:$0x5] =	stream.linear.gather [hbm4b:s7+s4], $0x2710, $0x38;
	[tilespmem:$0xC620] =	vst v63  }
0x18: {  	_ =	swait.ge [sflag:s10], $0x2710  }
0x19: {  	[sflag:s10] =	ssyncset.done $0x0  }
0x1a: {  	[sflag:s10] =	ssyncadd.s32 $0xFFFFD8F0  }
0x1b: {  	[spmem:s13], [sflag:s12] =	dma.local [hbm:s5], $0xA00  }
0x1c: {  	_ =	swait.ge [sflag:s10], $0xA00  }
0x1d: {  	[sflag:s10] =	ssyncset.done $0x0  }
0x1e: {  	[sflag:s10] =	ssyncadd.s32 $0xFFFFF600  }
0x1f: {  	[bflag:$0x0] =	sbarrier.arrive $0xFFFF  }
0x20: {  	[tilespmem:s15], [sflag:$0x1] =	stream.indirect.gather [hbm4b:s1+s14], $0x20, s4, s14, $0xb8;
	[tilespmem:$0xC620] =	vst v63  }
0x21: {  	_ = 	snop  }
0x22: {  	[tilespmem:s16], [sflag:$0x2] =	stream.indirect.gather [hbm4b:s1+s14], $0x20, s14, s14, $0xb8;
	[tilespmem:$0xC620] =	vst v63  }
0x23: {  	s19 =	simm.s32 $0xA0  }
0x24: {  	[tilespmem:s18], [sflag:$0x3] =	stream.indirect.gather [hbm4b:s1+s14], $0x20, s19, s14, $0xb8;
	[tilespmem:$0xC620] =	vst v63  }
0x25: {  	s17 =	simm.s32 $0xF0  }
0x26: {  	[tilespmem:s20], [sflag:$0x4] =	stream.indirect.gather [hbm4b:s1+s14], $0x20, s17, s14, $0xb8;
	[tilespmem:$0xC620] =	vst v63  }
0x27: {  	_ =	swait.ge [sflag:s21], $0xA00  }
0x28: {  	[sflag:s21] =	ssyncset.done $0x0  }
0x29: {  	s19 =	simm.s32 $0x2710;
	[sflag:s21] =	ssyncadd.s32 $0xFFFFF600  }
0x2a: {  	[spmem:s3] =	stream.indirect.scatter.add.f32 [tilespmem:s15], [sflag:$0x5], $0x20, s19, s14, $0xb8;
	[tilespmem:$0xC620] =	vst v63  }
0x2b: {  	_ =	swait.ge [sflag:s10], $0xA00  }
0x2c: {  	[sflag:s10] =	ssyncset.done $0x0  }
0x2d: {  	s17 =	simm.s32 $0x140;
	[sflag:s10] =	ssyncadd.s32 $0xFFFFF600  }
0x2e: {  	[tilespmem:s15], [sflag:$0x1] =	stream.indirect.gather [hbm4b:s1+s14], $0x20, s17, s14, $0xb8;
	[tilespmem:$0xC620] =	vst v63  }
0x2f: {  	_ =	swait.ge [sflag:s22], $0xA00  }
0x30: {  	[sflag:s22] =	ssyncset.done $0x0  }
0x31: {  	s19 =	simm.s32 $0x2760;
	[sflag:s22] =	ssyncadd.s32 $0xFFFFF600  }
0x32: {  	[spmem:s3] =	stream.indirect.scatter.add.f32 [tilespmem:s16], [sflag:$0x5], $0x20, s19, s14, $0xb8;
	[tilespmem:$0xC620] =	vst v63  }
0x33: {  	_ =	swait.ge [sflag:s10], $0xA00  }
0x34: {  	[sflag:s10] =	ssyncset.done $0x0  }
0x35: {  	s17 =	simm.s32 $0x190;
	[sflag:s10] =	ssyncadd.s32 $0xFFFFF600  }
0x36: {  	[tilespmem:s16], [sflag:$0x2] =	stream.indirect.gather [hbm4b:s1+s14], $0x20, s17, s14, $0xb8;
	[tilespmem:$0xC620] =	vst v63  }
0x37: {  	_ =	swait.ge [sflag:s23], $0xA00  }
0x38: {  	[sflag:s23] =	ssyncset.done $0x0  }
0x39: {  	s19 =	simm.s32 $0x27B0;
	[sflag:s23] =	ssyncadd.s32 $0xFFFFF600  }
0x3a: {  	[spmem:s3] =	stream.indirect.scatter.add.f32 [tilespmem:s18], [sflag:$0x5], $0x20, s19, s14, $0xb8;
	[tilespmem:$0xC620] =	vst v63  }
0x3b: {  	_ =	swait.ge [sflag:s10], $0xA00  }
0x3c: {  	[sflag:s10] =	ssyncset.done $0x0  }
0x3d: {  	s17 =	simm.s32 $0x1E0;
	[sflag:s10] =	ssyncadd.s32 $0xFFFFF600  }
0x3e: {  	[tilespmem:s18], [sflag:$0x3] =	stream.indirect.gather [hbm4b:s1+s14], $0x20, s17, s14, $0xb8;
	[tilespmem:$0xC620] =	vst v63  }
0x3f: {  	_ =	swait.ge [sflag:s24], $0xA00  }
0x40: {  	[sflag:s24] =	ssyncset.done $0x0  }
0x41: {  	s19 =	simm.s32 $0x2800;
	[sflag:s24] =	ssyncadd.s32 $0xFFFFF600  }
0x42: {  	[spmem:s3] =	stream.indirect.scatter.add.f32 [tilespmem:s20], [sflag:$0x5], $0x20, s19, s14, $0xb8;
	[tilespmem:$0xC620] =	vst v63  }
0x43: {  	_ =	swait.ge [sflag:s10], $0xA00  }
0x44: {  	[sflag:s10] =	ssyncset.done $0x0  }
0x45: {  	s11 =	simm.s32 $0x500;
	s17 =	simm.s32 $0x230;
	[sflag:s10] =	ssyncadd.s32 $0xFFFFF600  }
.LBB2_2:
0x46: {  	[tilespmem:s20], [sflag:$0x4] =	stream.indirect.gather [hbm4b:s1+s14], $0x20, s17, s14, $0xb8;
	[tilespmem:$0xC620] =	vst v63  }
0x47: {  	s17 =	smov.u32 s11  }
0x48: {  	p0 =	sne.s32 s11, $0x9100;
	s11 =	sadd.s32 $0x500, s11;
	_ =	swait.ge [sflag:s21], $0xA00  }
0x49: {  	s17 =	sshra.s32 s17, $0x2;
	[sflag:s21] =	ssyncset.done $0x0  }
0x4a: {  	s19 =	sadd.s32 $0x2710, s17;
	[sflag:s21] =	ssyncadd.s32 $0xFFFFF600  }
0x4b: {  	[spmem:s3] =	stream.indirect.scatter.add.f32 [tilespmem:s15], [sflag:$0x5], $0x20, s19, s14, $0xb8;
	[tilespmem:$0xC620] =	vst v63  }
0x4c: {  	_ =	swait.ge [sflag:s10], $0xA00  }
0x4d: {  	[sflag:s10] =	ssyncset.done $0x0  }
0x4e: {  	s19 =	sadd.s32 $0x140, s17;
	[sflag:s10] =	ssyncadd.s32 $0xFFFFF600  }
0x4f: {  	[tilespmem:s15], [sflag:$0x1] =	stream.indirect.gather [hbm4b:s1+s14], $0x20, s19, s14, $0xb8;
	[tilespmem:$0xC620] =	vst v63  }
0x50: {  	_ =	swait.ge [sflag:s22], $0xA00  }
0x51: {  	[sflag:s22] =	ssyncset.done $0x0  }
0x52: {  	s19 =	sadd.s32 $0x2760, s17;
	[sflag:s22] =	ssyncadd.s32 $0xFFFFF600  }
0x53: {  	[spmem:s3] =	stream.indirect.scatter.add.f32 [tilespmem:s16], [sflag:$0x5], $0x20, s19, s14, $0xb8;
	[tilespmem:$0xC620] =	vst v63  }
0x54: {  	_ =	swait.ge [sflag:s10], $0xA00  }
0x55: {  	[sflag:s10] =	ssyncset.done $0x0  }
0x56: {  	s19 =	sadd.s32 $0x190, s17;
	[sflag:s10] =	ssyncadd.s32 $0xFFFFF600  }
0x57: {  	[tilespmem:s16], [sflag:$0x2] =	stream.indirect.gather [hbm4b:s1+s14], $0x20, s19, s14, $0xb8;
	[tilespmem:$0xC620] =	vst v63  }
0x58: {  	_ =	swait.ge [sflag:s23], $0xA00  }
0x59: {  	[sflag:s23] =	ssyncset.done $0x0  }
0x5a: {  	s19 =	sadd.s32 $0x27B0, s17;
	[sflag:s23] =	ssyncadd.s32 $0xFFFFF600  }
0x5b: {  	[spmem:s3] =	stream.indirect.scatter.add.f32 [tilespmem:s18], [sflag:$0x5], $0x20, s19, s14, $0xb8;
	[tilespmem:$0xC620] =	vst v63  }
0x5c: {  	_ =	swait.ge [sflag:s10], $0xA00  }
0x5d: {  	[sflag:s10] =	ssyncset.done $0x0  }
0x5e: {  	s19 =	sadd.s32 $0x1E0, s17;
	[sflag:s10] =	ssyncadd.s32 $0xFFFFF600  }
0x5f: {  	[tilespmem:s18], [sflag:$0x3] =	stream.indirect.gather [hbm4b:s1+s14], $0x20, s19, s14, $0xb8;
	[tilespmem:$0xC620] =	vst v63  }
0x60: {  	_ =	swait.ge [sflag:s24], $0xA00  }
0x61: {  	[sflag:s24] =	ssyncset.done $0x0  }
.Ltmp0:
0x62: {  	s19 =	sadd.s32 $0x2800, s17;
	[sflag:s24] =	ssyncadd.s32 $0xFFFFF600;
	(pc) =	sbr.rel @p0 .LBB2_2-.Ltmp0, $4  }
0x63: {  	[spmem:s3] =	stream.indirect.scatter.add.f32 [tilespmem:s20], [sflag:$0x5], $0x20, s19, s14, $0xb8;
	[tilespmem:$0xC620] =	vst v63  }
0x64: {  	_ =	swait.ge [sflag:s10], $0xA00  }
0x65: {  	[sflag:s10] =	ssyncset.done $0x0  }
0x66: {  	s17 =	sadd.s32 $0x230, s17;
	[sflag:s10] =	ssyncadd.s32 $0xFFFFF600  }
0x67: {  	[tilespmem:s20], [sflag:$0x4] =	stream.indirect.gather [hbm4b:s1+s14], $0x20, s17, s14, $0xb8;
	[tilespmem:$0xC620] =	vst v63  }
0x68: {  	_ =	swait.ge [sflag:s21], $0xA00  }
0x69: {  	[sflag:s21] =	ssyncset.done $0x0  }
0x6a: {  	[sflag:s21] =	ssyncadd.s32 $0xFFFFF600  }
0x6b: {  	[spmem:s3] =	stream.indirect.scatter.add.f32 [tilespmem:s15], [sflag:$0x5], $0x20, s25, s14, $0xb8;
	[tilespmem:$0xC620] =	vst v63  }
0x6c: {  	_ =	swait.ge [sflag:s10], $0xA00  }
0x6d: {  	[sflag:s10] =	ssyncset.done $0x0  }
0x6e: {  	[sflag:s10] =	ssyncadd.s32 $0xFFFFF600  }
0x6f: {  	[tilespmem:s15], [sflag:$0x1] =	stream.indirect.gather [hbm4b:s1+s14], $0x20, s26, s14, $0xb8;
	[tilespmem:$0xC620] =	vst v63  }
0x70: {  	_ =	swait.ge [sflag:s22], $0xA00  }
0x71: {  	[sflag:s22] =	ssyncset.done $0x0  }
0x72: {  	[sflag:s22] =	ssyncadd.s32 $0xFFFFF600  }
0x73: {  	[spmem:s3] =	stream.indirect.scatter.add.f32 [tilespmem:s16], [sflag:$0x5], $0x20, s28, s14, $0xb8;
	[tilespmem:$0xC620] =	vst v63  }
0x74: {  	_ =	swait.ge [sflag:s10], $0xA00  }
0x75: {  	[sflag:s10] =	ssyncset.done $0x0  }
0x76: {  	[sflag:s10] =	ssyncadd.s32 $0xFFFFF600  }
0x77: {  	_ =	swait.ge [sflag:s23], $0xA00  }
0x78: {  	[sflag:s23] =	ssyncset.done $0x0  }
0x79: {  	[sflag:s23] =	ssyncadd.s32 $0xFFFFF600  }
0x7a: {  	[spmem:s3] =	stream.indirect.scatter.add.f32 [tilespmem:s18], [sflag:$0x5], $0x20, s29, s14, $0xb8;
	[tilespmem:$0xC620] =	vst v63  }
0x7b: {  	_ =	swait.ge [sflag:s10], $0xA00  }
0x7c: {  	[sflag:s10] =	ssyncset.done $0x0  }
0x7d: {  	[sflag:s10] =	ssyncadd.s32 $0xFFFFF600  }
0x7e: {  	_ =	swait.ge [sflag:s24], $0xA00  }
0x7f: {  	[sflag:s24] =	ssyncset.done $0x0  }
0x80: {  	[sflag:s24] =	ssyncadd.s32 $0xFFFFF600  }
0x81: {  	[spmem:s3] =	stream.indirect.scatter.add.f32 [tilespmem:s20], [sflag:$0x5], $0x20, s30, s14, $0xb8;
	[tilespmem:$0xC620] =	vst v63  }
0x82: {  	_ =	swait.ge [sflag:s10], $0xA00  }
0x83: {  	[sflag:s10] =	ssyncset.done $0x0  }
0x84: {  	[sflag:s10] =	ssyncadd.s32 $0xFFFFF600  }
0x85: {  	_ =	swait.ge [sflag:s21], $0xA00  }
0x86: {  	[sflag:s21] =	ssyncset.done $0x0  }
0x87: {  	[sflag:s21] =	ssyncadd.s32 $0xFFFFF600  }
0x88: {  	[spmem:s3] =	stream.indirect.scatter.add.f32 [tilespmem:s15], [sflag:$0x5], $0x20, s31, s14, $0xb8;
	[tilespmem:$0xC620] =	vst v63  }
0x89: {  	_ =	swait.ge [sflag:s10], $0xA00  }
0x8a: {  	s0 =	sadd.s32 $0x1, s0;
	[sflag:s10] =	ssyncset.done $0x0  }
0x8b: {  	p0 =	sne.s32 s0, s9;
	[sflag:s10] =	ssyncadd.s32 $0xFFFFF600  }
.Ltmp1:
0x8c: {  	[bflag:$0x0] =	sbarrier.arrive $0xFFFF;
	(pc) =	sbr.rel @p0 .LBB2_1-.Ltmp1, $4  }
0x8d: {  	[hbm:s8@s2], [sflag:s12] =	dma.strided [spmem:s13@s24], $0xA00, s21, $0x4   }
0x8e: {  	_ =	swait.ge [sflag:s10], $0xA00  }
0x8f: {  	[sflag:s10] =	ssyncset.done $0x0  }
0x90: {  	[sflag:s10] =	ssyncadd.s32 $0xFFFFF600  }
0x91: {  	_ =	sfence.sel $0x180000  }
0x92: {  	[bflag:$0x0] =	sbarrier.arrive $0xFFFF  }
0x93: {  	_ =	strace $0x9000004D  }
0x94: {  	s0 =	stileid.u32;
	[bflag:$0x2] =	sbarrier.arrive $0xFFFF  }
0x95: {  	p0 =	sne.s32 s0, $0x0;
	s0 =	rddreg [dreg:$0x3]  }
0x96: {  	s0 =	sadd.s32 @!p0 $0x100000, s0  }
0x97: {  	[sflag:s0] =	ssyncadd.tile.s32 @!p0 $0x1;
	_ =	shalt  }
.Lfunc_end2:
_tile_overlayer_lowered:
.L_overlay_start_2:
0x98: {  	(tag) =	ssettag $0x2  }
0x99: {  	s0 =	rddreg [dreg:$0x0];
	s2 =	stileid.u32  }
0x9a: {  	s1 =	rddreg [dreg:$0x1];
	p0 =	sne.s32 s2, $0x0  }
0x9b: {  	s3 =	rddreg [dreg:$0x2];
	[bflag:$0x3] =	sbarrier.arrive $0xFFFF;
	s2 =	simm.s32 @!p0 $0x1C05  }
0x9c: {  	[timem:s3], [sflag:s2] =	dma.local @!p0 [hbm:s0], s1  }
0x9d: {  	s0 =	simm.s32 @!p0 $0x5  }
0x9e: {  	_ =	swait.ge @!p0 [sflag:s0], s1  }
0x9f: {  	s1 =	ssub.s32 @!p0 $0x0, s1;
	[sflag:s0] =	ssyncset.done @!p0 $0x0  }
0xa0: {  	[sflag:s0] =	ssyncadd.s32 @!p0 s1  }
0xa1: {  	[bflag:$0x3] =	sbarrier.arrive $0xFFFF  }
0xa2: {  	_ =	shalt  }

// kernel: kernel.8.cloned.1.call-start
scs
__scs_entry_jumppad:
0x0: {  	(pc) =	sbr.rel $0x88, $3  }
0x1: {  	(tag) =	ssettag $0x0;
	lr =	simm.s32 $0x1  }
0x2: {  	[smem:$0x3F92] =	sst lr;
	_ =	strace $0xD0000000  }
0x3: {  	_ = 	snop  }
0x4: {  	_ = 	snop  }
0x5: {  	_ = 	snop  }
0x6: {  	_ = 	snop  }
0x7: {  	_ = 	snop  }
__scs_overlays_trampoline_lowered:
0x8: {  	[smem:$0x3FA1] =	sst s0  }
0x9: {  	[smem:$0x3FA2] =	sst s1  }
0xa: {  	[smem:$0x3FA3] =	sst s2  }
0xb: {  	[smem:$0x3FA4] =	sst s3  }
0xc: {  	[smem:$0x3FA5] =	sst s4  }
0xd: {  	[smem:$0x3FA6] =	sst s5  }
0xe: {  	[smem:$0x3FA7] =	sst s6  }
0xf: {  	[smem:$0x3FA8] =	sst s7  }
0x10: {  	[smem:$0x3FA9] =	sst s8  }
0x11: {  	[smem:$0x3FAA] =	sst s9;
	s0 =	simm.s32 @!p0 $0x0  }
0x12: {  	s1 =	sld [smem:$0x3F90];
	s0 =	simm.s32 @p0 $0x1  }
0x13: {  	[smem:$0x3FAB] =	sst s0;
	s0 =	simm.s32 @!p1 $0x0  }
0x14: {  	s2 =	sld [smem:$0x3F8F];
	s0 =	simm.s32 @p1 $0x1  }
0x15: {  	[smem:$0x3FAC] =	sst s0;
	s0 =	simm.s32 @!p2 $0x0  }
0x16: {  	s3 =	sld [smem:$0x3FDB];
	s0 =	simm.s32 @p2 $0x1  }
0x17: {  	s4 =	simm.s32 $0x1BF5;
	[smem:$0x3FAE] =	sst s0  }
0x18: {  	s0 =	sld [smem:$0x3F91];
	_ =	swait.ge [sflag:s4], $0x0  }
0x19: {  	s7 =	sld [smem:$0x3F92]  }
0x1a: {  	s8 =	sadd.s32 $0xFFFFE003, lr  }
0x1b: {  	s9 =	sadd.s32 $0xFFFFFEF7, lr;
	s5 =	simm.s32 $0xFFFFFFFF;
	p2 =	slt.u32 s8, $0xFFFFF086  }
0x1c: {  	p1 =	slt.u32 s9, $0xF7A;
	s5 =	simm.s32 @!p2 $0x0  }
0x1d: {  	s5 =	simm.s32 @p1 $0x1;
	p0 =	seq.s32 s7, s2  }
0x1e: {  	s7 =	smul.u32 @!p0 $0xF7A, s2;
	p2 =	seq.s32 @!p0 s5, $0x0  }
0x1f: {  	s9 =	smul.u32 $0xF7A, s1;
	s8 =	simm.s32 @!p0 $0x1BF5;
	p2 =	por !p2, p0  }
0x20: {  	[sflag:s8] =	ssyncset.s32 @!p0 $0xFFFFF086;
	s6 =	sadd.s32 @!p0 s3, s7;
	s7 =	simm.s32 @!p0 $0x108  }
0x21: {  	s3 =	sadd.s32 s3, s9;
	s6 =	sadd.s32 @!p0 $0x88, s6;
	s7 =	simm.s32 @p2 $0x1082  }
0x22: {  	[simem:s7], [sflag:s8] =	dma.local @!p0 [hbm:s6], $0xF7A  }
0x23: {  	s9 =	sor.u32 $0xD0000000, s2;
	s6 =	simm.s32 $0x108;
	_ =	swait.ge @!p0 [sflag:s8], $0x0  }
0x24: {  	s3 =	sadd.s32 $0x88, s3;
	s6 =	simm.s32 @!p1 $0x1082;
	[sflag:s4] =	ssyncset.s32 $0xFFFFF086  }
0x25: {  	[simem:s6], [sflag:s4] =	dma.local [hbm:s3], $0xF7A  }
0x26: {  	[smem:$0x3F92] =	sst s1;
	(tag) =	ssettag s2;
	_ =	strace s9  }
0x27: {  	s1 =	sld [smem:$0x3FA2]  }
0x28: {  	s2 =	sld [smem:$0x3FA3]  }
0x29: {  	s4 =	sld [smem:$0x3FA5]  }
0x2a: {  	p0 =	seq.s32 s5, $0x0;
	s5 =	sld [smem:$0x3FA6]  }
0x2b: {  	s6 =	sld [smem:$0x3FA7]  }
0x2c: {  	s7 =	sld [smem:$0x3FA8]  }
0x2d: {  	s3 =	simm.s32 $0x108;
	s8 =	sld [smem:$0x3FA9]  }
0x2e: {  	s3 =	simm.s32 @!p0 $0x1082;
	s9 =	sld [smem:$0x3FAA]  }
0x2f: {  	lr =	sadd.s32 s0, s3;
	s0 =	sld [smem:$0x3FA1]  }
0x30: {  	s3 =	sld [smem:$0x3FA4]  }
0x31: {  	[smem:$0x3FAD] =	sst s10  }
0x32: {  	s10 =	sld [smem:$0x3FAB];
	_ =	sdelay $0x3  }
0x33: {  	p0 =	seq.s32 s10, $0x1;
	s10 =	sld [smem:$0x3FAD];
	_ =	sdelay $0x3  }
0x34: {  	[smem:$0x3FAD] =	sst s10  }
0x35: {  	s10 =	sld [smem:$0x3FAC];
	_ =	sdelay $0x3  }
0x36: {  	p1 =	seq.s32 s10, $0x1;
	s10 =	sld [smem:$0x3FAD];
	_ =	sdelay $0x3  }
0x37: {  	[smem:$0x3FAD] =	sst s10  }
0x38: {  	s10 =	sld [smem:$0x3FAE]  }
0x39: {  	_ = 	snop;
	(pc) =	sbr.ind lr, $3  }
0x3a: {  	_ = 	snop  }
0x3b: {  	_ = 	snop  }
0x3c: {  	p2 =	seq.s32 s10, $0x1;
	s10 =	sld [smem:$0x3FAD]  }
0x3d: {  	_ =	shalt  }
0x3e: {  	_ =	shalt  }
0x3f: {  	_ =	shalt  }
0x40: {  	_ =	shalt  }
0x41: {  	_ =	shalt  }
0x42: {  	_ =	shalt  }
0x43: {  	_ =	shalt  }
0x44: {  	_ =	shalt  }
0x45: {  	_ =	shalt  }
0x46: {  	_ =	shalt  }
0x47: {  	_ =	shalt  }
0x48: {  	_ =	shalt  }
0x49: {  	_ =	shalt  }
0x4a: {  	_ =	shalt  }
0x4b: {  	_ =	shalt  }
0x4c: {  	_ =	shalt  }
0x4d: {  	_ =	shalt  }
0x4e: {  	_ =	shalt  }
0x4f: {  	_ =	shalt  }
0x50: {  	_ =	shalt  }
0x51: {  	_ =	shalt  }
0x52: {  	_ =	shalt  }
0x53: {  	_ =	shalt  }
0x54: {  	_ =	shalt  }
0x55: {  	_ =	shalt  }
0x56: {  	_ =	shalt  }
0x57: {  	_ =	shalt  }
0x58: {  	_ =	shalt  }
0x59: {  	_ =	shalt  }
0x5a: {  	_ =	shalt  }
0x5b: {  	_ =	shalt  }
0x5c: {  	_ =	shalt  }
0x5d: {  	_ =	shalt  }
0x5e: {  	_ =	shalt  }
0x5f: {  	_ =	shalt  }
0x60: {  	_ =	shalt  }
0x61: {  	_ =	shalt  }
0x62: {  	_ =	shalt  }
0x63: {  	_ =	shalt  }
0x64: {  	_ =	shalt  }
0x65: {  	_ =	shalt  }
0x66: {  	_ =	shalt  }
0x67: {  	_ =	shalt  }
0x68: {  	_ =	shalt  }
0x69: {  	_ =	shalt  }
0x6a: {  	_ =	shalt  }
0x6b: {  	_ =	shalt  }
0x6c: {  	_ =	shalt  }
0x6d: {  	_ =	shalt  }
0x6e: {  	_ =	shalt  }
0x6f: {  	_ =	shalt  }
0x70: {  	_ =	shalt  }
0x71: {  	_ =	shalt  }
0x72: {  	_ =	shalt  }
0x73: {  	_ =	shalt  }
0x74: {  	_ =	shalt  }
0x75: {  	_ =	shalt  }
0x76: {  	_ =	shalt  }
0x77: {  	_ =	shalt  }
0x78: {  	_ =	shalt  }
0x79: {  	_ =	shalt  }
0x7a: {  	_ =	shalt  }
0x7b: {  	_ =	shalt  }
0x7c: {  	_ =	shalt  }
0x7d: {  	_ =	shalt  }
0x7e: {  	_ =	shalt  }
0x7f: {  	_ =	shalt  }
0x80: {  	_ =	shalt  }
0x81: {  	_ =	shalt  }
0x82: {  	_ =	shalt  }
0x83: {  	_ =	shalt  }
0x84: {  	_ =	shalt  }
0x85: {  	_ =	shalt  }
0x86: {  	_ =	shalt  }
0x87: {  	_ =	shalt  }
.Lfunc_end0:
.L_simem_size_0:
called_computation_lowered:
.L_overlay_start_0:
0x88: {  	s2 =	sld [smem:$0x3FD9]  }
0x89: {  	s3 =	sld [smem:$0x3FFE];
	_ =	sdelay $0x1  }
0x8a: {  	s1 =	srdreg.scid  }
0x8b: {  	s0 =	sand.u32 $0x1, s1  }
0x8c: {  	s17 =	sshll.u32 s0, $0xA;
	s2 =	sadd.s32 s3, s2  }
0x8d: {  	s2 =	sadd.s32 s2, s17  }
0x8e: {  	[smem:$0x3FB9] =	sst s2  }
0x8f: {  	_ = 	snop  }
0x90: {  	s2 =	sld [smem:$0x3FD0];
	(tm) =	ssettm $0x1  }
0x91: {  	s18 =	sld [smem:$0x3FFB];
	_ =	sdelay $0x3  }
0x92: {  	_ =	strace s18  }
0x93: {  	s3 =	sld [smem:$0x3FFC];
	_ =	sdelay $0x3  }
0x94: {  	_ =	strace s3  }
0x95: {  	s3 =	sld [smem:$0x3FFD];
	_ =	sdelay $0x3  }
0x96: {  	_ =	strace s3  }
0x97: {  	_ =	strace $0x8FFFFFFF  }
0x98: {  	s19 =	sld [smem:$0x3FDB];
	_ =	sdelay $0x1  }
0x99: {  	s4 =	simm.s32 $_scs_section_size  }
0x9a: {  	s5 =	simm.s32 $_size__tile_overlayer_lowered;
	s6 =	simm.s32 $_tile_overlayer_lowered  }
0x9b: {  	s22 =	simm.s32 $0x1BFF;
	s21 =	sshll.u32 s6, $0x1;
	s3 =	sadd.s32 s4, s19  }
0x9c: {  	s7 =	simm.s32 $0x0;
	s20 =	sshll.u32 s5, $0x1;
	s5 =	sadd.s32 s21, s3  }
0x9d: {  	[timem:s7], [sflag:s22] =	dma.local [hbm:s5], s20  }
0x9e: {  	_ =	swait.ge [sflag:s22], s20  }
0x9f: {  	s4 =	ssub.s32 $0x0, s20;
	[sflag:s22] =	ssyncset.done $0x0  }
0xa0: {  	[sflag:s22] =	ssyncadd.s32 s4;
	_ =	sdelay $0x1  }
0xa1: {  	s23 =	simm.s32 $0x1B8B  }
0xa2: {  	_ =	swait.ge [sflag:s23], $0x1  }
0xa3: {  	[sflag:s23] =	ssyncset.done $0x0  }
0xa4: {  	s25 =	simm.s32 $0x1B8E;
	s24 =	sld [smem:$0x3FFE];
	[sflag:s23] =	ssyncadd.s32 $0xFFFFFFFF  }
0xa5: {  	s26 =	simm.s32 $execute0_lowered;
	[smem:$0x3FD2] =	sst s25  }
0xa6: {  	s5 =	sshll.u32 s26, $0x1;
	_ =	strace $0x80000046;
	[dreg:$0x1] =	wrdreg $0xFFFFFFFF  }
0xa7: {  	s28 =	simm.s32 $_size_execute0_lowered;
	s3 =	sadd.s32 s3, s5;
	[dreg:$0x0] =	wrdreg $0x0  }
0xa8: {  	s5 =	sshll.u32 s28, $0x1;
	[dreg:$0x2] =	wrdreg s3  }
0xa9: {  	[dreg:$0x3] =	wrdreg s5  }
0xaa: {  	[dreg:$0x4] =	wrdreg $0xC0  }
0xab: {  	_ =	task [dreg:s7], $0x5FFFF  }
0xac: {  	[dreg:$0x1] =	wrdreg $0xFFFFFFFF  }
0xad: {  	[dreg:$0x0] =	wrdreg $0x60  }
0xae: {  	[dreg:$0x2] =	wrdreg s24  }
0xaf: {  	[dreg:$0x3] =	wrdreg s2  }
0xb0: {  	[dreg:$0x4] =	wrdreg $0x4E700  }
0xb1: {  	[dreg:$0x5] =	wrdreg $0x9  }
0xb2: {  	_ =	task.clear_ibuf [dreg:s7], $0x6FFFF;
	_ =	strace $0x90000046  }
0xb3: {  	s29 =	simm.s32 $0x9;
	_ =	strace $0x80000048  }
0xb4: {  	_ =	swait.ge [sflag:s29], $0x1  }
0xb5: {  	[sflag:s29] =	ssyncadd.s32 $0xFFFFFFFF  }
0xb6: {  	_ =	strace $0x90000048  }
0xb7: {  	_ =	sfence  }
0xb8: {  	s30 =	sld [smem:$0x0];
	_ =	sdelay $0x2  }
0xb9: {  	s31 =	sshll.u32 s1, $0xD;
	s1 =	sshrl.u32 s1, $0x2  }
0xba: {  	s3 =	sand.u32 $0x4000, s31;
	s1 =	sadd.s32 s1, s30  }
0xbb: {  	s0 =	sor.u32 s3, s0;
	s1 =	sshll.u32 s1, $0x11  }
0xbc: {  	s0 =	sor.u32 s1, s0  }
0xbd: {  	s0 =	sadd.s32 $0x8F2B, s0  }
0xbe: {  	[sflag:s0] =	ssyncadd.remote.s32 $0x1  }
0xbf: {  	_ =	sfence.sel $0xFFFF  }
0xc0: {  	[dreg:$0x0] =	wrdreg $0xFFFFFFFF;
	(pc) =	sbr.abs _section_cstart, $3  }
0xc1: {  	[dreg:$0x1] =	wrdreg $0xFFFFFFFF  }
0xc2: {  	_ =	task.clear_ibuf [dreg:s7], $0x2FFFF;
	_ =	strace $0x9FFFFFFF  }
0xc3: {  	(tm) =	ssettm $0x7FFFFFFF  }
tec
execute0_lowered:
.L_overlay_start_1:
0x0: {  	(tag) =	ssettag $0x1  }
0x1: {  	s1 =	srdreg.scid  }
0x2: {  	s1 =	sand.u32 $0x1, s1  }
0x3: {  	p0 =	seq.s32 s1, $0x1  }
.Ltmp0:
0x4: {  	s6 =	rddreg [dreg:$0x0];
	(pc) =	sbr.rel @p0 .LBB2_4-.Ltmp0, $4  }
0x5: {  	s4 =	rddreg [dreg:$0x1]  }
0x6: {  	s2 =	rddreg [dreg:$0x2];
	s7 =	simm.s32 $0x0  }
0x7: {  	[smem:$0x7FF] =	sst s7  }
0x8: {  	s0 =	rddreg [dreg:$0x3];
	_ =	strace $0x80000047;
	s1 =	stileid.u32  }
0x9: {  	s3 =	smul.u32 $0x4E20, s1;
	_ =	sdelay $0x1  }
0xa: {  	s5 =	sadd.s32 $0x2A00, s6;
	s3 =	sshrl.u32 s3, $0x3  }
0xb: {  	s5 =	sadd.s32 s5, s3  }
0xc: {  	s3 =	sadd.s32 $0x9C40, s5  }
0xd: {  	[tilespmem:s7], [sflag:$0x1] =	stream.linear.gather [hbm4b:s3+s7], $0x2710, $0x38;
	[tilespmem:$0x50F0] =	vst v63  }
0xe: {  	s3 =	simm.s32 $0x1  }
0xf: {  	_ =	swait.ge [sflag:s3], $0x2710  }
0x10: {  	[sflag:s3] =	ssyncset.done $0x0  }
0x11: {  	s8 =	simm.s32 $0x2710;
	s5 =	sadd.s32 $0xA122, s5;
	[sflag:s3] =	ssyncadd.s32 $0xFFFFD8F0  }
0x12: {  	[tilespmem:s8], [sflag:$0x1] =	stream.linear.gather [hbm4b:s5+s7], $0x2710, $0x38;
	[tilespmem:$0x50F0] =	vst v63  }
0x13: {  	_ =	swait.ge [sflag:s3], $0x2710  }
0x14: {  	s28 =	sadd.s32 $0x16600, s6;
	[sflag:s3] =	ssyncset.done $0x0  }
0x15: {  	s9 =	smul.u32 $0x280, s1;
	s5 =	simm.s32 $0x4E20;
	[sflag:s3] =	ssyncadd.s32 $0xFFFFD8F0  }
0x16: {  	[tilespmem:s5], [sflag:$0x1] =	stream.linear.gather [hbm4b:s28+s7], $0x50, $0x38;
	[tilespmem:$0x50F0] =	vst v63  }
0x17: {  	s29 =	sadd.s32 $0x16400, s6;
	_ =	swait.ge [sflag:s3], $0x50  }
0x18: {  	s31 =	sshll.u32 s1, $0x6;
	s30 =	sadd.s32 s9, s2;
	[sflag:s3] =	ssyncset.done $0x0  }
0x19: {  	s6 =	sor.u32 $0x1C01, s31;
	s7 =	sshrl.u32 s30, $0x3;
	[sflag:s3] =	ssyncadd.s32 $0xFFFFFFB0  }
0x1a: {  	[spmem:s7], [sflag:s6] =	dma.local [hbm:s29], $0x50  }
0x1b: {  	_ =	swait.ge [sflag:s3], $0x50  }
0x1c: {  	[sflag:s3] =	ssyncset.done $0x0  }
0x1d: {  	[sflag:s3] =	ssyncadd.s32 $0xFFFFFFB0  }
0x1e: {  	s10 =	simm.s32 $0x0;
	s8 =	simm.s32 $0x50;
	[bflag:$0x0] =	sbarrier.arrive $0xFFFF  }
0x1f: {  	[spmem:s2] =	stream.indirect.scatter.add.f32 [tilespmem:s5], [sflag:$0x1], $0x1, s10, s8, $0xb8;
	[tilespmem:$0x50F0] =	vst v63  }
0x20: {  	s9 =	sshrl.u32 s9, $0x3;
	_ =	swait.ge [sflag:s3], $0x50  }
0x21: {  	s4 =	sadd.s32 s4, s9;
	s9 =	simm.s32 $0x140;
	[sflag:s3] =	ssyncset.done $0x0  }
.LBB2_2:
0x22: {  	s10 =	sshra.s32 s9, $0x2;
	[sflag:s3] =	ssyncadd.s32 $0xFFFFFFB0;
	p0 =	sne.s32 s9, $0x13740  }
0x23: {  	[spmem:s2] =	stream.indirect.scatter.add.f32 [tilespmem:s5], [sflag:$0x1], $0x1, s10, s8, $0xb8;
	[tilespmem:$0x50F0] =	vst v63  }
.Ltmp1:
0x24: {  	_ = 	snop;
	(pc) =	sbr.rel @p0 .LBB2_2-.Ltmp1, $4  }
0x25: {  	_ = 	snop  }
0x26: {  	s9 =	sadd.s32 $0x140, s9  }
0x27: {  	_ =	swait.ge [sflag:s3], $0x50  }
0x28: {  	[sflag:s3] =	ssyncset.done $0x0  }
0x29: {  	[sflag:s3] =	ssyncadd.s32 $0xFFFFFFB0  }
0x2a: {  	s2 =	simm.s32 $0x1;
	[bflag:$0x0] =	sbarrier.arrive $0xFFFF  }
0x2b: {  	[hbm:s4], [sflag:s6] =	dma.local [spmem:s7], $0x50  }
0x2c: {  	_ =	swait.ge [sflag:s2], $0x50  }
0x2d: {  	[sflag:s2] =	ssyncset.done $0x0  }
0x2e: {  	[sflag:s2] =	ssyncadd.s32 $0xFFFFFFB0  }
.LBB2_4:
0x2f: {  	_ =	sfence.sel $0x180000  }
0x30: {  	[bflag:$0x0] =	sbarrier.arrive $0xFFFF  }
0x31: {  	p0 =	sne.s32 s1, $0x0;
	_ =	strace $0x90000047  }
0x32: {  	s0 =	sadd.s32 @!p0 $0x100000, s0;
	[bflag:$0x2] =	sbarrier.arrive $0xFFFF  }
0x33: {  	[sflag:s0] =	ssyncadd.tile.s32 @!p0 $0x1;
	_ =	shalt  }
.Lfunc_end2:
_tile_overlayer_lowered:
.L_overlay_start_2:
0x34: {  	(tag) =	ssettag $0x2  }
0x35: {  	s0 =	rddreg [dreg:$0x0];
	s2 =	stileid.u32  }
0x36: {  	s1 =	rddreg [dreg:$0x1];
	p0 =	sne.s32 s2, $0x0  }
0x37: {  	s3 =	rddreg [dreg:$0x2];
	[bflag:$0x3] =	sbarrier.arrive $0xFFFF;
	s2 =	simm.s32 @!p0 $0x1C01  }
0x38: {  	[timem:s3], [sflag:s2] =	dma.local @!p0 [hbm:s0], s1  }
0x39: {  	s0 =	simm.s32 @!p0 $0x1  }
0x3a: {  	_ =	swait.ge @!p0 [sflag:s0], s1  }
0x3b: {  	s1 =	ssub.s32 @!p0 $0x0, s1;
	[sflag:s0] =	ssyncset.done @!p0 $0x0  }
0x3c: {  	[sflag:s0] =	ssyncadd.s32 @!p0 s1  }
0x3d: {  	[bflag:$0x3] =	sbarrier.arrive $0xFFFF  }
0x3e: {  	_ =	shalt  }

</sc_bundles>
